<compile_context>
chip_gen: v7x
topology: tpu7x:2x2x1
jax: 0.10.2.dev20260603
libtpu: 0.0.44.dev20260713+nightly
codegen_flags: <defaults>
</compile_context>

<pallas_src>
import functools

import jax
import jax.numpy as jnp
import numpy as np
from jax import lax
from jax.experimental import pallas as pl
from jax.experimental.pallas import tpu as pltpu
from jax.experimental.pallas import tpu_sc as plsc

Q_MIN = 1.0
K_MAX = 256
KPAD = 272
N_LANES = 16
N_SUBCORES = 16
N_CORES = 2



def _sc_stats(nep, chunk):
    groups = chunk // N_LANES
    mesh = plsc.VectorSubcoreMesh(core_axis_name="c", subcore_axis_name="s")

    @functools.partial(
        pl.kernel,
        mesh=mesh,
        out_type=jax.ShapeDtypeStruct((N_CORES * 4 * KPAD,), jnp.float32),
        compiler_params=pltpu.CompilerParams(needs_layout_passes=False),
        scratch_types=[
            pltpu.VMEM((chunk,), jnp.int32),
            pltpu.VMEM((3 * chunk,), jnp.float32),
            pltpu.VMEM((N_LANES * KPAD,), jnp.float32),
            pltpu.VMEM((N_LANES * KPAD,), jnp.float32),
            pltpu.VMEM((N_LANES * KPAD,), jnp.float32),
            pltpu.VMEM((N_LANES * KPAD,), jnp.float32),
            pltpu.VMEM((4 * KPAD,), jnp.float32),
            pltpu.VMEM_SHARED((N_SUBCORES * 4 * KPAD,), jnp.float32),
            pltpu.VMEM((N_SUBCORES * 4 * KPAD,), jnp.float32),
        ],
    )
    def sc_kernel(tidx_hbm, coords_hbm, out_hbm,
                  idx_v, crd_v, acc0, acc1, acc2, acc3, red4_v, shared,
                  gath_v):
        c = lax.axis_index("c")
        s = lax.axis_index("s")

        base = c * nep + s * chunk
        pltpu.sync_copy(tidx_hbm.at[pl.ds(base, chunk)], idx_v)
        for d in range(3):
            pltpu.sync_copy(
                coords_hbm.at[pl.ds((c * 3 + d) * nep + s * chunk, chunk)],
                crd_v.at[pl.ds(d * chunk, chunk)])

        zeros16 = jnp.zeros((N_LANES,), jnp.float32)
        lane_off = lax.iota(jnp.int32, N_LANES) * KPAD
        ones16 = jnp.ones((N_LANES,), jnp.float32)

        def zero4_body(j, carry):
            sl = pl.ds(j * N_LANES, N_LANES)
            acc0[sl] = zeros16
            acc1[sl] = zeros16
            acc2[sl] = zeros16
            acc3[sl] = zeros16
            return carry

        lax.fori_loop(0, KPAD, zero4_body, 0)

        def scat_body(g2, carry):
            for g0 in range(2):
                g = g2 * 2 + g0
                sl = pl.ds(g * N_LANES, N_LANES)
                fidx = idx_v[sl] + lane_off
                plsc.addupdate_scatter(acc0, [fidx], ones16)
                plsc.addupdate_scatter(acc1, [fidx], crd_v[pl.ds(g * N_LANES, N_LANES)])
                plsc.addupdate_scatter(acc2, [fidx], crd_v[pl.ds(chunk + g * N_LANES, N_LANES)])
                plsc.addupdate_scatter(acc3, [fidx], crd_v[pl.ds(2 * chunk + g * N_LANES, N_LANES)])
            return carry

        assert groups % 2 == 0
        lax.fori_loop(0, groups // 2, scat_body, 0)

        def lred4_body(j, carry):
            for q, acc in enumerate((acc0, acc1, acc2, acc3)):
                v = acc[pl.ds(j * N_LANES, N_LANES)]
                for l in range(1, N_LANES):
                    v = v + acc[pl.ds(l * KPAD + j * N_LANES, N_LANES)]
                red4_v[pl.ds(q * KPAD + j * N_LANES, N_LANES)] = v
            return carry

        lax.fori_loop(0, KPAD // N_LANES, lred4_body, 0)

        pltpu.sync_copy(red4_v, shared.at[pl.ds(s * 4 * KPAD, 4 * KPAD)])
        plsc.subcore_barrier()

        @pl.when(s == 0)
        def _():
            pltpu.sync_copy(shared, gath_v)

            def tred4_body(j, carry):
                for q in range(4):
                    off = q * KPAD + j * N_LANES
                    v = gath_v[pl.ds(off, N_LANES)]
                    for t in range(1, N_SUBCORES):
                        v = v + gath_v[pl.ds(t * 4 * KPAD + off, N_LANES)]
                    red4_v[pl.ds(off, N_LANES)] = v
                return carry

            lax.fori_loop(0, KPAD // N_LANES, tred4_body, 0)
            pltpu.sync_copy(red4_v, out_hbm.at[pl.ds(c * 4 * KPAD, 4 * KPAD)])

    return sc_kernel


def _sc_attrep(nep, chunk, c_q):
    groups = chunk // N_LANES
    mesh = plsc.VectorSubcoreMesh(core_axis_name="c", subcore_axis_name="s")

    @functools.partial(
        pl.kernel,
        mesh=mesh,
        out_type=jax.ShapeDtypeStruct((N_CORES * 2 * KPAD,), jnp.float32),
        compiler_params=pltpu.CompilerParams(needs_layout_passes=False),
        scratch_types=[
            pltpu.VMEM((chunk,), jnp.int32),
            pltpu.VMEM((3 * chunk,), jnp.float32),
            pltpu.VMEM((N_LANES * KPAD,), jnp.float32),
            pltpu.VMEM((N_LANES * KPAD,), jnp.float32),
            pltpu.VMEM((4 * KPAD,), jnp.float32),
            pltpu.VMEM((2 * KPAD,), jnp.float32),
            pltpu.VMEM((3 * KPAD,), jnp.float32),
            pltpu.VMEM_SHARED((N_SUBCORES * 2 * KPAD,), jnp.float32),
            pltpu.VMEM((N_SUBCORES * 2 * KPAD,), jnp.float32),
        ],
    )
    def sc_kernel(tidx_hbm, coords_hbm, stats_hbm, out_hbm,
                  idx_v, crd_v, acc0, acc1, stats_v, red2_v, ctr_v, shared,
                  gath_v):
        c = lax.axis_index("c")
        s = lax.axis_index("s")

        base = c * nep + s * chunk
        pltpu.sync_copy(tidx_hbm.at[pl.ds(base, chunk)], idx_v)
        for d in range(3):
            pltpu.sync_copy(
                coords_hbm.at[pl.ds((c * 3 + d) * nep + s * chunk, chunk)],
                crd_v.at[pl.ds(d * chunk, chunk)])
        pltpu.sync_copy(stats_hbm.at[pl.ds(c * 4 * KPAD, 4 * KPAD)], stats_v)

        zeros16 = jnp.zeros((N_LANES,), jnp.float32)
        lane_off = lax.iota(jnp.int32, N_LANES) * KPAD

        def ctr_body(j, carry):
            sl = pl.ds(j * N_LANES, N_LANES)
            nk = stats_v[sl]
            inv = c_q / jnp.maximum(nk * c_q, 1e-6)
            for d in range(3):
                ctr_v[pl.ds(d * KPAD + j * N_LANES, N_LANES)] = (
                    stats_v[pl.ds((1 + d) * KPAD + j * N_LANES, N_LANES)] * inv)
            return carry

        lax.fori_loop(0, KPAD // N_LANES, ctr_body, 0)

        def zero2_body(j, carry):
            sl = pl.ds(j * N_LANES, N_LANES)
            acc0[sl] = zeros16
            acc1[sl] = zeros16
            return carry

        lax.fori_loop(0, KPAD, zero2_body, 0)

        magic = jnp.full((N_LANES,), 0x5F3759DF, jnp.int32)

        def hit_body(g2, carry):
          for g0 in range(2):
            g = g2 * 2 + g0
            sl = pl.ds(g * N_LANES, N_LANES)
            ti = idx_v[sl]
            dx = crd_v[pl.ds(g * N_LANES, N_LANES)] - plsc.load_gather(ctr_v, [ti])
            dy = crd_v[pl.ds(chunk + g * N_LANES, N_LANES)] - plsc.load_gather(
                ctr_v, [ti + KPAD])
            dz = crd_v[pl.ds(2 * chunk + g * N_LANES, N_LANES)] - plsc.load_gather(
                ctr_v, [ti + 2 * KPAD])
            d2 = dx * dx + dy * dy + dz * dz
            fidx = ti + lane_off
            plsc.addupdate_scatter(acc0, [fidx], d2)
            t = d2 + 1e-9
            th = t * 0.5
            y = plsc.bitcast(magic - (plsc.bitcast(t, jnp.int32) >> 1),
                             jnp.float32)
            y = y * (1.5 - th * y * y)
            y = y * (1.5 - th * y * y)
            hinge = jnp.maximum(1.0 - t * y, 0.0)
            plsc.addupdate_scatter(acc1, [fidx], hinge)
          return carry

        lax.fori_loop(0, groups // 2, hit_body, 0)

        def lred2_body(j, carry):
            for q, acc in enumerate((acc0, acc1)):
                v = acc[pl.ds(j * N_LANES, N_LANES)]
                for l in range(1, N_LANES):
                    v = v + acc[pl.ds(l * KPAD + j * N_LANES, N_LANES)]
                red2_v[pl.ds(q * KPAD + j * N_LANES, N_LANES)] = v
            return carry

        lax.fori_loop(0, KPAD // N_LANES, lred2_body, 0)

        pltpu.sync_copy(red2_v, shared.at[pl.ds(s * 2 * KPAD, 2 * KPAD)])
        plsc.subcore_barrier()

        @pl.when(s == 0)
        def _():
            pltpu.sync_copy(shared, gath_v)

            def tred2_body(j, carry):
                for q in range(2):
                    off = q * KPAD + j * N_LANES
                    v = gath_v[pl.ds(off, N_LANES)]
                    for t in range(1, N_SUBCORES):
                        v = v + gath_v[pl.ds(t * 2 * KPAD + off, N_LANES)]
                    red2_v[pl.ds(off, N_LANES)] = v
                return carry

            lax.fori_loop(0, KPAD // N_LANES, tred2_body, 0)
            pltpu.sync_copy(red2_v, out_hbm.at[pl.ds(c * 2 * KPAD, 2 * KPAD)])

    return sc_kernel



def _tc_dense(coords_ref, stats_ref, out_ref, *, tiles_per_event, c_q):
    i = pl.program_id(0)
    t = lax.rem(i, tiles_per_event)

    nk = stats_ref[0, 0, :K_MAX]
    inv = c_q / jnp.maximum(nk * c_q, 1e-6)
    mx = stats_ref[0, 1, :K_MAX] * inv
    my = stats_ref[0, 2, :K_MAX] * inv
    mz = stats_ref[0, 3, :K_MAX] * inv
    mn = mx * mx + my * my + mz * mz
    m5 = jnp.stack([-2.0 * mx, -2.0 * my, -2.0 * mz, mn,
                    jnp.ones_like(mn)])
    ce = coords_ref[0]
    cn = jnp.sum(ce * ce, axis=0, keepdims=True) + 1e-9
    ce5 = jnp.concatenate([ce, jnp.ones_like(cn), cn], axis=0)
    tt = lax.dot_general(ce5, m5, (((0,), (0,)), ((), ())),
                         preferred_element_type=jnp.float32)
    tt = jnp.maximum(tt, 1e-9)
    hinge = jnp.maximum(1.0 - tt * lax.rsqrt(tt), 0.0)
    part = jnp.sum(hinge, axis=0)[None, None]

    @pl.when(t == 0)
    def _():
        out_ref[...] = part

    @pl.when(t != 0)
    def _():
        out_ref[...] = out_ref[...] + part



def kernel(x, predCCoords, truthHitAssignementIdx, row_splits):
    del x, row_splits
    coords = predCCoords.astype(jnp.float32)
    tidx = truthHitAssignementIdx.reshape(-1).astype(jnp.int32)
    n = coords.shape[0]
    n_ev = n // 2
    c_q = float(np.arctanh(0.5) ** 2 + Q_MIN)

    chunk = -(-n_ev // (N_SUBCORES * N_LANES)) * N_LANES
    nep = chunk * N_SUBCORES
    pad = nep - n_ev
    t0 = jnp.concatenate([tidx[:n_ev], jnp.full((pad,), K_MAX, jnp.int32)])
    t1 = jnp.concatenate([tidx[n_ev:], jnp.full((pad,), K_MAX, jnp.int32)])
    tidx_flat = jnp.concatenate([t0, t1])
    cpad2 = jnp.pad(coords.T.reshape(3, 2, n_ev),
                    ((0, 0), (0, 0), (0, pad))).transpose(1, 0, 2)
    coords_flat = cpad2.reshape(-1)

    stats_flat = _sc_stats(nep, chunk)(tidx_flat, coords_flat)
    stats = stats_flat.reshape(2, 4, KPAD)
    attrep = _sc_attrep(nep, chunk, c_q)(
        tidx_flat, coords_flat, stats_flat).reshape(2, 2, KPAD)

    tiles_per_event = 2
    tile_n = nep // tiles_per_event
    assert tile_n * tiles_per_event == nep and tile_n % 128 == 0
    grid = 2 * tiles_per_event

    repall = pl.pallas_call(
        functools.partial(_tc_dense, tiles_per_event=tiles_per_event,
                          c_q=c_q),
        grid=(grid,),
        in_specs=[
            pl.BlockSpec((1, 3, tile_n),
                         lambda i: (i // (grid // 2), 0, i % (grid // 2))),
            pl.BlockSpec((1, 4, KPAD),
                         lambda i: (i // (grid // 2), 0, 0)),
        ],
        out_specs=pl.BlockSpec((1, 1, K_MAX),
                               lambda i: (i // (grid // 2), 0, 0)),
        out_shape=jax.ShapeDtypeStruct((2, 1, K_MAX), jnp.float32),
    )(cpad2, stats)[:, 0, :]

    nk = stats[:, 0, :K_MAX]
    att_s = attrep[:, 0, :K_MAX]
    rep_o = attrep[:, 1, :K_MAX]
    exists = (nk > 0).astype(jnp.float32)
    c2 = jnp.float32(c_q * c_q)
    inv = c_q / jnp.maximum(nk * c_q, 1e-6)
    mn = jnp.sum((stats[:, 1:4, :K_MAX] * inv[:, None, :]) ** 2, axis=1)
    repall = repall - float(pad) * jnp.maximum(
        1.0 - jnp.sqrt(mn + 1e-9), 0.0)
    att = c2 * att_s / jnp.maximum(nk, 1.0)
    rep = c2 * (repall - rep_o) / jnp.maximum(float(n_ev) - nk, 1.0)
    n_obj = jnp.maximum(jnp.sum(exists, axis=1), 1.0)
    v_att = jnp.sum(att * exists, axis=1) / n_obj
    v_rep = jnp.sum(rep * exists, axis=1) / n_obj
    return jnp.sum(v_att + v_rep) / 2.0

# --- scband reference (transcript-rebuilt; emitter-appended) ---
"""Pipeline reference for scband-llcluster-coordinates-36197984371048 (READ-ONLY COPY).

The authoritative reference and input builder live on the scoring server;
editing this copy changes nothing except your own understanding.
"""

import jax, jax.numpy as jnp
import numpy as np

Q_MIN = 1.0
K_MAX = 256


def _oc_event(coords, tidx, q):
    n = coords.shape[0]
    Ks = jnp.arange(K_MAX)
    M = (tidx[:, None] == Ks[None, :]) & (tidx[:, None] >= 0)
    Mf = M.astype(jnp.float32)
    Nk = jnp.sum(Mf, axis=0)
    exists = (Nk > 0).astype(jnp.float32)
    qv = q[:, 0]
    # use_average_cc_pos=True: charge-weighted average cluster coordinate per object
    sum_q = jax.ops.segment_sum(qv, tidx, num_segments=K_MAX)
    sum_qx = jax.ops.segment_sum(qv[:, None] * coords, tidx, num_segments=K_MAX)
    centers = sum_qx / jnp.maximum(sum_q, 1e-6)[:, None]
    # condensation point charge: max q per object (all betas equal here)
    q_alpha = jax.ops.segment_max(qv, tidx, num_segments=K_MAX)
    q_alpha = jnp.where(exists > 0, q_alpha, 0.0)
    # pairwise squared distances hits x objects
    d2 = (jnp.sum(coords ** 2, axis=1, keepdims=True)
          + jnp.sum(centers ** 2, axis=1)[None, :]
          - 2.0 * coords @ centers.T)
    d2 = jnp.maximum(d2, 0.0)
    d = jnp.sqrt(d2 + 1e-9)
    w = qv[:, None] * q_alpha[None, :]
    att = jnp.sum(Mf * w * d2, axis=0) / jnp.maximum(Nk, 1.0)
    rep = jnp.sum((1.0 - Mf) * w * jnp.maximum(0.0, 1.0 - d), axis=0) / jnp.maximum(float(n) - Nk, 1.0)
    n_obj = jnp.maximum(jnp.sum(exists), 1.0)
    V_att = jnp.sum(att * exists) / n_obj
    V_rep = jnp.sum(rep * exists) / n_obj
    return V_att, V_rep


def setup_inputs(seed: int = 0) -> dict:
    key = jax.random.key(seed)
    k1, k2, k3 = jax.random.split(key, 3)
    N = 100000
    x = jax.random.normal(k1, (N, 64), dtype=jnp.float32)
    predCCoords = jax.random.normal(k2, (N, 3), dtype=jnp.float32)
    truthHitAssignementIdx = jax.random.randint(k3, (N, 1), 0, K_MAX, dtype=jnp.int64)
    row_splits = jnp.array([0, N // 2, N], dtype=jnp.int32)
    return {"x": x, "predCCoords": predCCoords,
            "truthHitAssignementIdx": truthHitAssignementIdx,
            "row_splits": row_splits}


def reference(x, predCCoords, truthHitAssignementIdx, row_splits):
    coords = predCCoords
    tidx = truthHitAssignementIdx.reshape(-1)
    # beta = zeros_like(coords[:,0:1]) + 1/2 as in the layer
    zeros = jnp.zeros_like(coords[:, 0:1])
    beta = zeros + 0.5
    q = jnp.arctanh(beta) ** 2 + Q_MIN
    N = coords.shape[0]
    B = row_splits.shape[0] - 1
    static_bounds = [(b * N) // B for b in range(B + 1)]
    V_att_t = 0.0
    V_rep_t = 0.0
    for b in range(B):
        size = static_bounds[b + 1] - static_bounds[b]
        start = row_splits[b]
        cb = jax.lax.dynamic_slice_in_dim(coords, start, size, axis=0)
        tb = jax.lax.dynamic_slice_in_dim(tidx, start, size, axis=0)
        qb = jax.lax.dynamic_slice_in_dim(q, start, size, axis=0)
        va, vr = _oc_event(cb, tb, qb)
        V_att_t = V_att_t + va
        V_rep_t = V_rep_t + vr
    scale = 1.0
    loss = scale * (V_att_t + V_rep_t) / float(B)
    return loss

if __name__ == "__main__":
    import jax
    _d = setup_inputs()
    print(jax.jit(kernel)(*tuple(_d.values())))

</pallas_src>

<mosaic_0001>
#map = affine_map<(d0, d1) -> (0)>
module attributes {stable_mosaic.version = 14 : i64} {
  func.func @sc_kernel(%arg0: i32, %arg1: i32, %arg2: memref<100352xi32, #tpu.memory_space<hbm>>, %arg3: memref<301056xf32, #tpu.memory_space<hbm>>, %arg4: memref<2176xf32, #tpu.memory_space<hbm>>, %arg5: memref<1088xf32, #tpu.memory_space<hbm>>, %arg6: memref<3136xi32, #tpu.memory_space<vmem>>, %arg7: memref<9408xf32, #tpu.memory_space<vmem>>, %arg8: memref<4352xf32, #tpu.memory_space<vmem>>, %arg9: memref<4352xf32, #tpu.memory_space<vmem>>, %arg10: memref<1088xf32, #tpu.memory_space<vmem>>, %arg11: memref<544xf32, #tpu.memory_space<vmem>>, %arg12: memref<816xf32, #tpu.memory_space<vmem>>, %arg13: memref<8704xf32, #tpu.memory_space<vmem_shared>>, %arg14: memref<8704xf32, #tpu.memory_space<vmem>>) attributes {dimension_semantics = [#tpu.dimension_semantics<core_parallel>, #tpu.dimension_semantics<subcore_parallel>], iteration_bounds = array<i64: 2, 16>, scalar_prefetch = 0 : i64, scratch_operands = 9 : i64, tpu.core_type = #tpu.core_type<sc_vector_subcore>, window_params = [{transform_indices = #map}, {transform_indices = #map}, {transform_indices = #map}, {transform_indices = #map}]} {
    %mul3A = arith.constant 50176 : i32
    %mul3A_0 = arith.muli %arg0, %mul3A : i32
    %mul3A_1 = arith.constant 3136 : i32
    %mul3A_2 = arith.muli %arg1, %mul3A_1 : i32
    %add3A = arith.addi %mul3A_0, %mul3A_2 : i32
    "tpu.region"() ({
      %run_scoped3A = tpu.sem_alloc : memref<!tpu.dma_semaphore, #tpu.memory_space<semaphore_mem>>
      %dma_start3A = tpu.memref_slice %arg2[%add3A] : memref<100352xi32, #tpu.memory_space<hbm>> -> memref<3136xi32, #tpu.memory_space<hbm>>
      %dma_start3A_69 = tpu.memref_slice %arg2[%add3A] : memref<100352xi32, #tpu.memory_space<hbm>> -> memref<3136xi32, #tpu.memory_space<hbm>>
      tpu.enqueue_dma source(%dma_start3A_69 : memref<3136xi32, #tpu.memory_space<hbm>>) target(%arg6 : memref<3136xi32, #tpu.memory_space<vmem>>) target_semaphore(%run_scoped3A : memref<!tpu.dma_semaphore, #tpu.memory_space<semaphore_mem>>)
      %dma_wait3A = tpu.memref_slice %arg2[%add3A] : memref<100352xi32, #tpu.memory_space<hbm>> -> memref<3136xi32, #tpu.memory_space<hbm>>
      %dma_wait3A_70 = tpu.memref_slice %arg2[%add3A] : memref<100352xi32, #tpu.memory_space<hbm>> -> memref<3136xi32, #tpu.memory_space<hbm>>
      tpu.wait_dma2 semaphore(%run_scoped3A : memref<!tpu.dma_semaphore, #tpu.memory_space<semaphore_mem>>) src(%dma_wait3A_70 : memref<3136xi32, #tpu.memory_space<hbm>>) dst(%arg6 : memref<3136xi32, #tpu.memory_space<vmem>>)
      tpu.yield
    }) : () -> ()
    %mul3A_3 = arith.constant 3 : i32
    %mul3A_4 = arith.muli %arg0, %mul3A_3 : i32
    %add3A_5 = arith.constant 0 : i32
    %add3A_6 = arith.addi %mul3A_4, %add3A_5 : i32
    %mul3A_7 = arith.constant 50176 : i32
    %mul3A_8 = arith.muli %add3A_6, %mul3A_7 : i32
    %mul3A_9 = arith.constant 3136 : i32
    %mul3A_10 = arith.muli %arg1, %mul3A_9 : i32
    %add3A_11 = arith.addi %mul3A_8, %mul3A_10 : i32
    "tpu.region"() ({
      %run_scoped3A = tpu.sem_alloc : memref<!tpu.dma_semaphore, #tpu.memory_space<semaphore_mem>>
      %dma_start3A = arith.constant 0 : i32
      %dma_start3A_69 = tpu.memref_slice %arg7[%dma_start3A] : memref<9408xf32, #tpu.memory_space<vmem>> -> memref<3136xf32, #tpu.memory_space<vmem>>
      %dma_start3A_70 = tpu.memref_slice %arg3[%add3A_11] : memref<301056xf32, #tpu.memory_space<hbm>> -> memref<3136xf32, #tpu.memory_space<hbm>>
      %dma_start3A_71 = arith.constant 0 : i32
      %dma_start3A_72 = tpu.memref_slice %arg7[%dma_start3A_71] : memref<9408xf32, #tpu.memory_space<vmem>> -> memref<3136xf32, #tpu.memory_space<vmem>>
      %dma_start3A_73 = tpu.memref_slice %arg3[%add3A_11] : memref<301056xf32, #tpu.memory_space<hbm>> -> memref<3136xf32, #tpu.memory_space<hbm>>
      tpu.enqueue_dma source(%dma_start3A_73 : memref<3136xf32, #tpu.memory_space<hbm>>) target(%dma_start3A_72 : memref<3136xf32, #tpu.memory_space<vmem>>) target_semaphore(%run_scoped3A : memref<!tpu.dma_semaphore, #tpu.memory_space<semaphore_mem>>)
      %dma_wait3A = arith.constant 0 : i32
      %dma_wait3A_74 = tpu.memref_slice %arg7[%dma_wait3A] : memref<9408xf32, #tpu.memory_space<vmem>> -> memref<3136xf32, #tpu.memory_space<vmem>>
      %dma_wait3A_75 = tpu.memref_slice %arg3[%add3A_11] : memref<301056xf32, #tpu.memory_space<hbm>> -> memref<3136xf32, #tpu.memory_space<hbm>>
      %dma_wait3A_76 = arith.constant 0 : i32
      %dma_wait3A_77 = tpu.memref_slice %arg7[%dma_wait3A_76] : memref<9408xf32, #tpu.memory_space<vmem>> -> memref<3136xf32, #tpu.memory_space<vmem>>
      %dma_wait3A_78 = tpu.memref_slice %arg3[%add3A_11] : memref<301056xf32, #tpu.memory_space<hbm>> -> memref<3136xf32, #tpu.memory_space<hbm>>
      tpu.wait_dma2 semaphore(%run_scoped3A : memref<!tpu.dma_semaphore, #tpu.memory_space<semaphore_mem>>) src(%dma_wait3A_78 : memref<3136xf32, #tpu.memory_space<hbm>>) dst(%dma_wait3A_77 : memref<3136xf32, #tpu.memory_space<vmem>>)
      tpu.yield
    }) : () -> ()
    %mul3A_12 = arith.constant 3 : i32
    %mul3A_13 = arith.muli %arg0, %mul3A_12 : i32
    %add3A_14 = arith.constant 1 : i32
    %add3A_15 = arith.addi %mul3A_13, %add3A_14 : i32
    %mul3A_16 = arith.constant 50176 : i32
    %mul3A_17 = arith.muli %add3A_15, %mul3A_16 : i32
    %mul3A_18 = arith.constant 3136 : i32
    %mul3A_19 = arith.muli %arg1, %mul3A_18 : i32
    %add3A_20 = arith.addi %mul3A_17, %mul3A_19 : i32
    "tpu.region"() ({
      %run_scoped3A = tpu.sem_alloc : memref<!tpu.dma_semaphore, #tpu.memory_space<semaphore_mem>>
      %dma_start3A = arith.constant 3136 : i32
      %dma_start3A_69 = tpu.memref_slice %arg7[%dma_start3A] : memref<9408xf32, #tpu.memory_space<vmem>> -> memref<3136xf32, #tpu.memory_space<vmem>>
      %dma_start3A_70 = tpu.memref_slice %arg3[%add3A_20] : memref<301056xf32, #tpu.memory_space<hbm>> -> memref<3136xf32, #tpu.memory_space<hbm>>
      %dma_start3A_71 = arith.constant 3136 : i32
      %dma_start3A_72 = tpu.memref_slice %arg7[%dma_start3A_71] : memref<9408xf32, #tpu.memory_space<vmem>> -> memref<3136xf32, #tpu.memory_space<vmem>>
      %dma_start3A_73 = tpu.memref_slice %arg3[%add3A_20] : memref<301056xf32, #tpu.memory_space<hbm>> -> memref<3136xf32, #tpu.memory_space<hbm>>
      tpu.enqueue_dma source(%dma_start3A_73 : memref<3136xf32, #tpu.memory_space<hbm>>) target(%dma_start3A_72 : memref<3136xf32, #tpu.memory_space<vmem>>) target_semaphore(%run_scoped3A : memref<!tpu.dma_semaphore, #tpu.memory_space<semaphore_mem>>)
      %dma_wait3A = arith.constant 3136 : i32
      %dma_wait3A_74 = tpu.memref_slice %arg7[%dma_wait3A] : memref<9408xf32, #tpu.memory_space<vmem>> -> memref<3136xf32, #tpu.memory_space<vmem>>
      %dma_wait3A_75 = tpu.memref_slice %arg3[%add3A_20] : memref<301056xf32, #tpu.memory_space<hbm>> -> memref<3136xf32, #tpu.memory_space<hbm>>
      %dma_wait3A_76 = arith.constant 3136 : i32
      %dma_wait3A_77 = tpu.memref_slice %arg7[%dma_wait3A_76] : memref<9408xf32, #tpu.memory_space<vmem>> -> memref<3136xf32, #tpu.memory_space<vmem>>
      %dma_wait3A_78 = tpu.memref_slice %arg3[%add3A_20] : memref<301056xf32, #tpu.memory_space<hbm>> -> memref<3136xf32, #tpu.memory_space<hbm>>
      tpu.wait_dma2 semaphore(%run_scoped3A : memref<!tpu.dma_semaphore, #tpu.memory_space<semaphore_mem>>) src(%dma_wait3A_78 : memref<3136xf32, #tpu.memory_space<hbm>>) dst(%dma_wait3A_77 : memref<3136xf32, #tpu.memory_space<vmem>>)
      tpu.yield
    }) : () -> ()
    %mul3A_21 = arith.constant 3 : i32
    %mul3A_22 = arith.muli %arg0, %mul3A_21 : i32
    %add3A_23 = arith.constant 2 : i32
    %add3A_24 = arith.addi %mul3A_22, %add3A_23 : i32
    %mul3A_25 = arith.constant 50176 : i32
    %mul3A_26 = arith.muli %add3A_24, %mul3A_25 : i32
    %mul3A_27 = arith.constant 3136 : i32
    %mul3A_28 = arith.muli %arg1, %mul3A_27 : i32
    %add3A_29 = arith.addi %mul3A_26, %mul3A_28 : i32
    "tpu.region"() ({
      %run_scoped3A = tpu.sem_alloc : memref<!tpu.dma_semaphore, #tpu.memory_space<semaphore_mem>>
      %dma_start3A = arith.constant 6272 : i32
      %dma_start3A_69 = tpu.memref_slice %arg7[%dma_start3A] : memref<9408xf32, #tpu.memory_space<vmem>> -> memref<3136xf32, #tpu.memory_space<vmem>>
      %dma_start3A_70 = tpu.memref_slice %arg3[%add3A_29] : memref<301056xf32, #tpu.memory_space<hbm>> -> memref<3136xf32, #tpu.memory_space<hbm>>
      %dma_start3A_71 = arith.constant 6272 : i32
      %dma_start3A_72 = tpu.memref_slice %arg7[%dma_start3A_71] : memref<9408xf32, #tpu.memory_space<vmem>> -> memref<3136xf32, #tpu.memory_space<vmem>>
      %dma_start3A_73 = tpu.memref_slice %arg3[%add3A_29] : memref<301056xf32, #tpu.memory_space<hbm>> -> memref<3136xf32, #tpu.memory_space<hbm>>
      tpu.enqueue_dma source(%dma_start3A_73 : memref<3136xf32, #tpu.memory_space<hbm>>) target(%dma_start3A_72 : memref<3136xf32, #tpu.memory_space<vmem>>) target_semaphore(%run_scoped3A : memref<!tpu.dma_semaphore, #tpu.memory_space<semaphore_mem>>)
      %dma_wait3A = arith.constant 6272 : i32
      %dma_wait3A_74 = tpu.memref_slice %arg7[%dma_wait3A] : memref<9408xf32, #tpu.memory_space<vmem>> -> memref<3136xf32, #tpu.memory_space<vmem>>
      %dma_wait3A_75 = tpu.memref_slice %arg3[%add3A_29] : memref<301056xf32, #tpu.memory_space<hbm>> -> memref<3136xf32, #tpu.memory_space<hbm>>
      %dma_wait3A_76 = arith.constant 6272 : i32
      %dma_wait3A_77 = tpu.memref_slice %arg7[%dma_wait3A_76] : memref<9408xf32, #tpu.memory_space<vmem>> -> memref<3136xf32, #tpu.memory_space<vmem>>
      %dma_wait3A_78 = tpu.memref_slice %arg3[%add3A_29] : memref<301056xf32, #tpu.memory_space<hbm>> -> memref<3136xf32, #tpu.memory_space<hbm>>
      tpu.wait_dma2 semaphore(%run_scoped3A : memref<!tpu.dma_semaphore, #tpu.memory_space<semaphore_mem>>) src(%dma_wait3A_78 : memref<3136xf32, #tpu.memory_space<hbm>>) dst(%dma_wait3A_77 : memref<3136xf32, #tpu.memory_space<vmem>>)
      tpu.yield
    }) : () -> ()
    %mul3A_30 = arith.constant 4 : i32
    %mul3A_31 = arith.muli %arg0, %mul3A_30 : i32
    %mul3A_32 = arith.constant 272 : i32
    %mul3A_33 = arith.muli %mul3A_31, %mul3A_32 : i32
    "tpu.region"() ({
      %run_scoped3A = tpu.sem_alloc : memref<!tpu.dma_semaphore, #tpu.memory_space<semaphore_mem>>
      %dma_start3A = tpu.memref_slice %arg4[%mul3A_33] : memref<2176xf32, #tpu.memory_space<hbm>> -> memref<1088xf32, #tpu.memory_space<hbm>>
      %dma_start3A_69 = tpu.memref_slice %arg4[%mul3A_33] : memref<2176xf32, #tpu.memory_space<hbm>> -> memref<1088xf32, #tpu.memory_space<hbm>>
      tpu.enqueue_dma source(%dma_start3A_69 : memref<1088xf32, #tpu.memory_space<hbm>>) target(%arg10 : memref<1088xf32, #tpu.memory_space<vmem>>) target_semaphore(%run_scoped3A : memref<!tpu.dma_semaphore, #tpu.memory_space<semaphore_mem>>)
      %dma_wait3A = tpu.memref_slice %arg4[%mul3A_33] : memref<2176xf32, #tpu.memory_space<hbm>> -> memref<1088xf32, #tpu.memory_space<hbm>>
      %dma_wait3A_70 = tpu.memref_slice %arg4[%mul3A_33] : memref<2176xf32, #tpu.memory_space<hbm>> -> memref<1088xf32, #tpu.memory_space<hbm>>
      tpu.wait_dma2 semaphore(%run_scoped3A : memref<!tpu.dma_semaphore, #tpu.memory_space<semaphore_mem>>) src(%dma_wait3A_70 : memref<1088xf32, #tpu.memory_space<hbm>>) dst(%arg10 : memref<1088xf32, #tpu.memory_space<vmem>>)
      tpu.yield
    }) : () -> ()
    %broadcast_in_dim3A = arith.constant 0.000000e+00 : f32
    %broadcast_in_dim3A_34 = vector.broadcast %broadcast_in_dim3A : f32 to vector<16xf32>
    %iota3A = tpu.iota {dimensions = array<i32: 0>} : vector<16xi32>
    %mul3A_35 = arith.constant 272 : i32
    %mul3A_36 = vector.broadcast %mul3A_35 : i32 to vector<16xi32>
    %mul3A_37 = arith.muli %iota3A, %mul3A_36 : vector<16xi32>
    %scan3A = arith.constant 0 : i32
    %scan3A_38 = arith.constant 0 : i32
    %scan3A_39 = arith.constant 17 : i32
    %scan3A_40 = arith.addi %scan3A_38, %scan3A_39 : i32
    %scan3A_41 = arith.constant 1 : i32
    scf.for %scan3A_69 = %scan3A_38 to %scan3A_40 step %scan3A_41  : i32 {
      %mul3A_70 = arith.constant 16 : i32
      %mul3A_71 = arith.muli %scan3A_69, %mul3A_70 : i32
      %get3A = arith.index_cast %mul3A_71 : i32 to index
      %get3A_72 = tpu.vector_load %arg10[%get3A] {strides = array<i32>} : memref<1088xf32, #tpu.memory_space<vmem>>, vector<16xf32>,
      %mul3A_73 = arith.constant 1.30173719 : f32
      %mul3A_74 = vector.broadcast %mul3A_73 : f32 to vector<16xf32>
      %mul3A_75 = arith.mulf %get3A_72, %mul3A_74 : vector<16xf32>
      %max3A = arith.constant 9.99999997E-7 : f32
      %max3A_76 = vector.broadcast %max3A : f32 to vector<16xf32>
      %max3A_77 = arith.maximumf %mul3A_75, %max3A_76 : vector<16xf32>
      %div3A = arith.constant 1.30173719 : f32
      %div3A_78 = vector.broadcast %div3A : f32 to vector<16xf32>
      %div3A_79 = arith.divf %div3A_78, %max3A_77 : vector<16xf32>
      %mul3A_80 = arith.constant 16 : i32
      %mul3A_81 = arith.muli %scan3A_69, %mul3A_80 : i32
      %add3A_82 = arith.constant 272 : i32
      %add3A_83 = arith.addi %add3A_82, %mul3A_81 : i32
      %get3A_84 = arith.index_cast %add3A_83 : i32 to index
      %get3A_85 = tpu.vector_load %arg10[%get3A_84] {strides = array<i32>} : memref<1088xf32, #tpu.memory_space<vmem>>, vector<16xf32>,
      %mul3A_86 = arith.mulf %get3A_85, %div3A_79 : vector<16xf32>
      %mul3A_87 = arith.constant 16 : i32
      %mul3A_88 = arith.muli %scan3A_69, %mul3A_87 : i32
      %add3A_89 = arith.constant 0 : i32
      %add3A_90 = arith.addi %add3A_89, %mul3A_88 : i32
      %swap3A = arith.index_cast %add3A_90 : i32 to index
      %swap3A_91 = tpu.vector_load %arg12[%swap3A] {strides = array<i32>} : memref<816xf32, #tpu.memory_space<vmem>>, vector<16xf32>,
      tpu.vector_store %arg12[%swap3A], %mul3A_86 {strides = array<i32>} : memref<816xf32, #tpu.memory_space<vmem>>, vector<16xf32>,
      %mul3A_92 = arith.constant 16 : i32
      %mul3A_93 = arith.muli %scan3A_69, %mul3A_92 : i32
      %add3A_94 = arith.constant 544 : i32
      %add3A_95 = arith.addi %add3A_94, %mul3A_93 : i32
      %get3A_96 = arith.index_cast %add3A_95 : i32 to index
      %get3A_97 = tpu.vector_load %arg10[%get3A_96] {strides = array<i32>} : memref<1088xf32, #tpu.memory_space<vmem>>, vector<16xf32>,
      %mul3A_98 = arith.mulf %get3A_97, %div3A_79 : vector<16xf32>
      %mul3A_99 = arith.constant 16 : i32
      %mul3A_100 = arith.muli %scan3A_69, %mul3A_99 : i32
      %add3A_101 = arith.constant 272 : i32
      %add3A_102 = arith.addi %add3A_101, %mul3A_100 : i32
      %swap3A_103 = arith.index_cast %add3A_102 : i32 to index
      %swap3A_104 = tpu.vector_load %arg12[%swap3A_103] {strides = array<i32>} : memref<816xf32, #tpu.memory_space<vmem>>, vector<16xf32>,
      tpu.vector_store %arg12[%swap3A_103], %mul3A_98 {strides = array<i32>} : memref<816xf32, #tpu.memory_space<vmem>>, vector<16xf32>,
      %mul3A_105 = arith.constant 16 : i32
      %mul3A_106 = arith.muli %scan3A_69, %mul3A_105 : i32
      %add3A_107 = arith.constant 816 : i32
      %add3A_108 = arith.addi %add3A_107, %mul3A_106 : i32
      %get3A_109 = arith.index_cast %add3A_108 : i32 to index
      %get3A_110 = tpu.vector_load %arg10[%get3A_109] {strides = array<i32>} : memref<1088xf32, #tpu.memory_space<vmem>>, vector<16xf32>,
      %mul3A_111 = arith.mulf %get3A_110, %div3A_79 : vector<16xf32>
      %mul3A_112 = arith.constant 16 : i32
      %mul3A_113 = arith.muli %scan3A_69, %mul3A_112 : i32
      %add3A_114 = arith.constant 544 : i32
      %add3A_115 = arith.addi %add3A_114, %mul3A_113 : i32
      %swap3A_116 = arith.index_cast %add3A_115 : i32 to index
      %swap3A_117 = tpu.vector_load %arg12[%swap3A_116] {strides = array<i32>} : memref<816xf32, #tpu.memory_space<vmem>>, vector<16xf32>,
      tpu.vector_store %arg12[%swap3A_116], %mul3A_111 {strides = array<i32>} : memref<816xf32, #tpu.memory_space<vmem>>, vector<16xf32>,
    }
    %scan3A_42 = arith.constant 17 : i32
    %scan3A_43 = arith.constant 0 : i32
    %scan3A_44 = arith.constant 0 : i32
    %scan3A_45 = arith.constant 272 : i32
    %scan3A_46 = arith.addi %scan3A_44, %scan3A_45 : i32
    %scan3A_47 = arith.constant 1 : i32
    scf.for %scan3A_69 = %scan3A_44 to %scan3A_46 step %scan3A_47  : i32 {
      %mul3A_70 = arith.constant 16 : i32
      %mul3A_71 = arith.muli %scan3A_69, %mul3A_70 : i32
      %swap3A = arith.index_cast %mul3A_71 : i32 to index
      %swap3A_72 = tpu.vector_load %arg8[%swap3A] {strides = array<i32>} : memref<4352xf32, #tpu.memory_space<vmem>>, vector<16xf32>,
      tpu.vector_store %arg8[%swap3A], %broadcast_in_dim3A_34 {strides = array<i32>} : memref<4352xf32, #tpu.memory_space<vmem>>, vector<16xf32>,
      %swap3A_73 = arith.index_cast %mul3A_71 : i32 to index
      %swap3A_74 = tpu.vector_load %arg9[%swap3A_73] {strides = array<i32>} : memref<4352xf32, #tpu.memory_space<vmem>>, vector<16xf32>,
      tpu.vector_store %arg9[%swap3A_73], %broadcast_in_dim3A_34 {strides = array<i32>} : memref<4352xf32, #tpu.memory_space<vmem>>, vector<16xf32>,
    }
    %scan3A_48 = arith.constant 272 : i32
    %broadcast_in_dim3A_49 = arith.constant 1597463007 : i32
    %broadcast_in_dim3A_50 = vector.broadcast %broadcast_in_dim3A_49 : i32 to vector<16xi32>
    %scan3A_51 = arith.constant 0 : i32
    %scan3A_52 = arith.constant 0 : i32
    %scan3A_53 = arith.constant 98 : i32
    %scan3A_54 = arith.addi %scan3A_52, %scan3A_53 : i32
    %scan3A_55 = arith.constant 1 : i32
    scf.for %scan3A_69 = %scan3A_52 to %scan3A_54 step %scan3A_55  : i32 {
      %mul3A_70 = arith.constant 2 : i32
      %mul3A_71 = arith.muli %scan3A_69, %mul3A_70 : i32
      %add3A_72 = arith.constant 0 : i32
      %add3A_73 = arith.addi %mul3A_71, %add3A_72 : i32
      %mul3A_74 = arith.constant 16 : i32
      %mul3A_75 = arith.muli %add3A_73, %mul3A_74 : i32
      %get3A = arith.index_cast %mul3A_75 : i32 to index
      %get3A_76 = tpu.vector_load %arg6[%get3A] {strides = array<i32>} : memref<3136xi32, #tpu.memory_space<vmem>>, vector<16xi32>,
      %mul3A_77 = arith.constant 16 : i32
      %mul3A_78 = arith.muli %add3A_73, %mul3A_77 : i32
      %get3A_79 = arith.index_cast %mul3A_78 : i32 to index
      %get3A_80 = tpu.vector_load %arg7[%get3A_79] {strides = array<i32>} : memref<9408xf32, #tpu.memory_space<vmem>>, vector<16xf32>,
      %gather3A = tpu.vector_load_idx %arg12[%get3A_76] : memref<816xf32, #tpu.memory_space<vmem>>[vector<16xi32>], vector<16xf32>,
      %sub3A = arith.subf %get3A_80, %gather3A : vector<16xf32>
      %mul3A_81 = arith.constant 16 : i32
      %mul3A_82 = arith.muli %add3A_73, %mul3A_81 : i32
      %add3A_83 = arith.constant 3136 : i32
      %add3A_84 = arith.addi %add3A_83, %mul3A_82 : i32
      %get3A_85 = arith.index_cast %add3A_84 : i32 to index
      %get3A_86 = tpu.vector_load %arg7[%get3A_85] {strides = array<i32>} : memref<9408xf32, #tpu.memory_space<vmem>>, vector<16xf32>,
      %add3A_87 = arith.constant 272 : i32
      %add3A_88 = vector.broadcast %add3A_87 : i32 to vector<16xi32>
      %add3A_89 = arith.addi %get3A_76, %add3A_88 : vector<16xi32>
      %gather3A_90 = tpu.vector_load_idx %arg12[%add3A_89] : memref<816xf32, #tpu.memory_space<vmem>>[vector<16xi32>], vector<16xf32>,
      %sub3A_91 = arith.subf %get3A_86, %gather3A_90 : vector<16xf32>
      %mul3A_92 = arith.constant 16 : i32
      %mul3A_93 = arith.muli %add3A_73, %mul3A_92 : i32
      %add3A_94 = arith.constant 6272 : i32
      %add3A_95 = arith.addi %add3A_94, %mul3A_93 : i32
      %get3A_96 = arith.index_cast %add3A_95 : i32 to index
      %get3A_97 = tpu.vector_load %arg7[%get3A_96] {strides = array<i32>} : memref<9408xf32, #tpu.memory_space<vmem>>, vector<16xf32>,
      %add3A_98 = arith.constant 544 : i32
      %add3A_99 = vector.broadcast %add3A_98 : i32 to vector<16xi32>
      %add3A_100 = arith.addi %get3A_76, %add3A_99 : vector<16xi32>
      %gather3A_101 = tpu.vector_load_idx %arg12[%add3A_100] : memref<816xf32, #tpu.memory_space<vmem>>[vector<16xi32>], vector<16xf32>,
      %sub3A_102 = arith.subf %get3A_97, %gather3A_101 : vector<16xf32>
      %mul3A_103 = arith.mulf %sub3A, %sub3A : vector<16xf32>
      %mul3A_104 = arith.mulf %sub3A_91, %sub3A_91 : vector<16xf32>
      %add3A_105 = arith.addf %mul3A_103, %mul3A_104 : vector<16xf32>
      %mul3A_106 = arith.mulf %sub3A_102, %sub3A_102 : vector<16xf32>
      %add3A_107 = arith.addf %add3A_105, %mul3A_106 : vector<16xf32>
      %add3A_108 = arith.addi %get3A_76, %mul3A_37 : vector<16xi32>
      tpu.vector_store_idx %arg8[%add3A_108], %add3A_107 {add = true} : memref<4352xf32, #tpu.memory_space<vmem>>[vector<16xi32>], vector<16xf32>,
      %add3A_109 = arith.constant 9.99999971E-10 : f32
      %add3A_110 = vector.broadcast %add3A_109 : f32 to vector<16xf32>
      %add3A_111 = arith.addf %add3A_107, %add3A_110 : vector<16xf32>
      %mul3A_112 = arith.constant 5.000000e-01 : f32
      %mul3A_113 = vector.broadcast %mul3A_112 : f32 to vector<16xf32>
      %mul3A_114 = arith.mulf %add3A_111, %mul3A_113 : vector<16xf32>
      %bitcast3A = vector.bitcast %add3A_111 : vector<16xf32> to vector<16xi32>
      %shift_right_arithmetic3A = arith.constant 1 : i32
      %shift_right_arithmetic3A_115 = vector.broadcast %shift_right_arithmetic3A : i32 to vector<16xi32>
      %shift_right_arithmetic3A_116 = arith.shrsi %bitcast3A, %shift_right_arithmetic3A_115 : vector<16xi32>
      %sub3A_117 = arith.subi %broadcast_in_dim3A_50, %shift_right_arithmetic3A_116 : vector<16xi32>
      %bitcast3A_118 = vector.bitcast %sub3A_117 : vector<16xi32> to vector<16xf32>
      %mul3A_119 = arith.mulf %mul3A_114, %bitcast3A_118 : vector<16xf32>
      %mul3A_120 = arith.mulf %mul3A_119, %bitcast3A_118 : vector<16xf32>
      %sub3A_121 = arith.constant 1.500000e+00 : f32
      %sub3A_122 = vector.broadcast %sub3A_121 : f32 to vector<16xf32>
      %sub3A_123 = arith.subf %sub3A_122, %mul3A_120 : vector<16xf32>
      %mul3A_124 = arith.mulf %bitcast3A_118, %sub3A_123 : vector<16xf32>
      %mul3A_125 = arith.mulf %mul3A_114, %mul3A_124 : vector<16xf32>
      %mul3A_126 = arith.mulf %mul3A_125, %mul3A_124 : vector<16xf32>
      %sub3A_127 = arith.constant 1.500000e+00 : f32
      %sub3A_128 = vector.broadcast %sub3A_127 : f32 to vector<16xf32>
      %sub3A_129 = arith.subf %sub3A_128, %mul3A_126 : vector<16xf32>
      %mul3A_130 = arith.mulf %mul3A_124, %sub3A_129 : vector<16xf32>
      %mul3A_131 = arith.mulf %add3A_111, %mul3A_130 : vector<16xf32>
      %sub3A_132 = arith.constant 1.000000e+00 : f32
      %sub3A_133 = vector.broadcast %sub3A_132 : f32 to vector<16xf32>
      %sub3A_134 = arith.subf %sub3A_133, %mul3A_131 : vector<16xf32>
      %max3A = arith.constant 0.000000e+00 : f32
      %max3A_135 = vector.broadcast %max3A : f32 to vector<16xf32>
      %max3A_136 = arith.maximumf %sub3A_134, %max3A_135 : vector<16xf32>
      tpu.vector_store_idx %arg9[%add3A_108], %max3A_136 {add = true} : memref<4352xf32, #tpu.memory_space<vmem>>[vector<16xi32>], vector<16xf32>,
      %mul3A_137 = arith.constant 2 : i32
      %mul3A_138 = arith.muli %scan3A_69, %mul3A_137 : i32
      %add3A_139 = arith.constant 1 : i32
      %add3A_140 = arith.addi %mul3A_138, %add3A_139 : i32
      %mul3A_141 = arith.constant 16 : i32
      %mul3A_142 = arith.muli %add3A_140, %mul3A_141 : i32
      %get3A_143 = arith.index_cast %mul3A_142 : i32 to index
      %get3A_144 = tpu.vector_load %arg6[%get3A_143] {strides = array<i32>} : memref<3136xi32, #tpu.memory_space<vmem>>, vector<16xi32>,
      %mul3A_145 = arith.constant 16 : i32
      %mul3A_146 = arith.muli %add3A_140, %mul3A_145 : i32
      %get3A_147 = arith.index_cast %mul3A_146 : i32 to index
      %get3A_148 = tpu.vector_load %arg7[%get3A_147] {strides = array<i32>} : memref<9408xf32, #tpu.memory_space<vmem>>, vector<16xf32>,
      %gather3A_149 = tpu.vector_load_idx %arg12[%get3A_144] : memref<816xf32, #tpu.memory_space<vmem>>[vector<16xi32>], vector<16xf32>,
      %sub3A_150 = arith.subf %get3A_148, %gather3A_149 : vector<16xf32>
      %mul3A_151 = arith.constant 16 : i32
      %mul3A_152 = arith.muli %add3A_140, %mul3A_151 : i32
      %add3A_153 = arith.constant 3136 : i32
      %add3A_154 = arith.addi %add3A_153, %mul3A_152 : i32
      %get3A_155 = arith.index_cast %add3A_154 : i32 to index
      %get3A_156 = tpu.vector_load %arg7[%get3A_155] {strides = array<i32>} : memref<9408xf32, #tpu.memory_space<vmem>>, vector<16xf32>,
      %add3A_157 = arith.constant 272 : i32
      %add3A_158 = vector.broadcast %add3A_157 : i32 to vector<16xi32>
      %add3A_159 = arith.addi %get3A_144, %add3A_158 : vector<16xi32>
      %gather3A_160 = tpu.vector_load_idx %arg12[%add3A_159] : memref<816xf32, #tpu.memory_space<vmem>>[vector<16xi32>], vector<16xf32>,
      %sub3A_161 = arith.subf %get3A_156, %gather3A_160 : vector<16xf32>
      %mul3A_162 = arith.constant 16 : i32
      %mul3A_163 = arith.muli %add3A_140, %mul3A_162 : i32
      %add3A_164 = arith.constant 6272 : i32
      %add3A_165 = arith.addi %add3A_164, %mul3A_163 : i32
      %get3A_166 = arith.index_cast %add3A_165 : i32 to index
      %get3A_167 = tpu.vector_load %arg7[%get3A_166] {strides = array<i32>} : memref<9408xf32, #tpu.memory_space<vmem>>, vector<16xf32>,
      %add3A_168 = arith.constant 544 : i32
      %add3A_169 = vector.broadcast %add3A_168 : i32 to vector<16xi32>
      %add3A_170 = arith.addi %get3A_144, %add3A_169 : vector<16xi32>
      %gather3A_171 = tpu.vector_load_idx %arg12[%add3A_170] : memref<816xf32, #tpu.memory_space<vmem>>[vector<16xi32>], vector<16xf32>,
      %sub3A_172 = arith.subf %get3A_167, %gather3A_171 : vector<16xf32>
      %mul3A_173 = arith.mulf %sub3A_150, %sub3A_150 : vector<16xf32>
      %mul3A_174 = arith.mulf %sub3A_161, %sub3A_161 : vector<16xf32>
      %add3A_175 = arith.addf %mul3A_173, %mul3A_174 : vector<16xf32>
      %mul3A_176 = arith.mulf %sub3A_172, %sub3A_172 : vector<16xf32>
      %add3A_177 = arith.addf %add3A_175, %mul3A_176 : vector<16xf32>
      %add3A_178 = arith.addi %get3A_144, %mul3A_37 : vector<16xi32>
      tpu.vector_store_idx %arg8[%add3A_178], %add3A_177 {add = true} : memref<4352xf32, #tpu.memory_space<vmem>>[vector<16xi32>], vector<16xf32>,
      %add3A_179 = arith.constant 9.99999971E-10 : f32
      %add3A_180 = vector.broadcast %add3A_179 : f32 to vector<16xf32>
      %add3A_181 = arith.addf %add3A_177, %add3A_180 : vector<16xf32>
      %mul3A_182 = arith.constant 5.000000e-01 : f32
      %mul3A_183 = vector.broadcast %mul3A_182 : f32 to vector<16xf32>
      %mul3A_184 = arith.mulf %add3A_181, %mul3A_183 : vector<16xf32>
      %bitcast3A_185 = vector.bitcast %add3A_181 : vector<16xf32> to vector<16xi32>
      %shift_right_arithmetic3A_186 = arith.constant 1 : i32
      %shift_right_arithmetic3A_187 = vector.broadcast %shift_right_arithmetic3A_186 : i32 to vector<16xi32>
      %shift_right_arithmetic3A_188 = arith.shrsi %bitcast3A_185, %shift_right_arithmetic3A_187 : vector<16xi32>
      %sub3A_189 = arith.subi %broadcast_in_dim3A_50, %shift_right_arithmetic3A_188 : vector<16xi32>
      %bitcast3A_190 = vector.bitcast %sub3A_189 : vector<16xi32> to vector<16xf32>
      %mul3A_191 = arith.mulf %mul3A_184, %bitcast3A_190 : vector<16xf32>
      %mul3A_192 = arith.mulf %mul3A_191, %bitcast3A_190 : vector<16xf32>
      %sub3A_193 = arith.constant 1.500000e+00 : f32
      %sub3A_194 = vector.broadcast %sub3A_193 : f32 to vector<16xf32>
      %sub3A_195 = arith.subf %sub3A_194, %mul3A_192 : vector<16xf32>
      %mul3A_196 = arith.mulf %bitcast3A_190, %sub3A_195 : vector<16xf32>
      %mul3A_197 = arith.mulf %mul3A_184, %mul3A_196 : vector<16xf32>
      %mul3A_198 = arith.mulf %mul3A_197, %mul3A_196 : vector<16xf32>
      %sub3A_199 = arith.constant 1.500000e+00 : f32
      %sub3A_200 = vector.broadcast %sub3A_199 : f32 to vector<16xf32>
      %sub3A_201 = arith.subf %sub3A_200, %mul3A_198 : vector<16xf32>
      %mul3A_202 = arith.mulf %mul3A_196, %sub3A_201 : vector<16xf32>
      %mul3A_203 = arith.mulf %add3A_181, %mul3A_202 : vector<16xf32>
      %sub3A_204 = arith.constant 1.000000e+00 : f32
      %sub3A_205 = vector.broadcast %sub3A_204 : f32 to vector<16xf32>
      %sub3A_206 = arith.subf %sub3A_205, %mul3A_203 : vector<16xf32>
      %max3A_207 = arith.constant 0.000000e+00 : f32
      %max3A_208 = vector.broadcast %max3A_207 : f32 to vector<16xf32>
      %max3A_209 = arith.maximumf %sub3A_206, %max3A_208 : vector<16xf32>
      tpu.vector_store_idx %arg9[%add3A_178], %max3A_209 {add = true} : memref<4352xf32, #tpu.memory_space<vmem>>[vector<16xi32>], vector<16xf32>,
    }
    %scan3A_56 = arith.constant 98 : i32
    %scan3A_57 = arith.constant 0 : i32
    %scan3A_58 = arith.constant 0 : i32
    %scan3A_59 = arith.constant 17 : i32
    %scan3A_60 = arith.addi %scan3A_58, %scan3A_59 : i32
    %scan3A_61 = arith.constant 1 : i32
    scf.for %scan3A_69 = %scan3A_58 to %scan3A_60 step %scan3A_61  : i32 {
      %mul3A_70 = arith.constant 16 : i32
      %mul3A_71 = arith.muli %scan3A_69, %mul3A_70 : i32
      %get3A = arith.index_cast %mul3A_71 : i32 to index
      %get3A_72 = tpu.vector_load %arg8[%get3A] {strides = array<i32>} : memref<4352xf32, #tpu.memory_space<vmem>>, vector<16xf32>,
      %mul3A_73 = arith.constant 16 : i32
      %mul3A_74 = arith.muli %scan3A_69, %mul3A_73 : i32
      %add3A_75 = arith.constant 272 : i32
      %add3A_76 = arith.addi %add3A_75, %mul3A_74 : i32
      %get3A_77 = arith.index_cast %add3A_76 : i32 to index
      %get3A_78 = tpu.vector_load %arg8[%get3A_77] {strides = array<i32>} : memref<4352xf32, #tpu.memory_space<vmem>>, vector<16xf32>,
      %add3A_79 = arith.addf %get3A_72, %get3A_78 : vector<16xf32>
      %mul3A_80 = arith.constant 16 : i32
      %mul3A_81 = arith.muli %scan3A_69, %mul3A_80 : i32
      %add3A_82 = arith.constant 544 : i32
      %add3A_83 = arith.addi %add3A_82, %mul3A_81 : i32
      %get3A_84 = arith.index_cast %add3A_83 : i32 to index
      %get3A_85 = tpu.vector_load %arg8[%get3A_84] {strides = array<i32>} : memref<4352xf32, #tpu.memory_space<vmem>>, vector<16xf32>,
      %add3A_86 = arith.addf %add3A_79, %get3A_85 : vector<16xf32>
      %mul3A_87 = arith.constant 16 : i32
      %mul3A_88 = arith.muli %scan3A_69, %mul3A_87 : i32
      %add3A_89 = arith.constant 816 : i32
      %add3A_90 = arith.addi %add3A_89, %mul3A_88 : i32
      %get3A_91 = arith.index_cast %add3A_90 : i32 to index
      %get3A_92 = tpu.vector_load %arg8[%get3A_91] {strides = array<i32>} : memref<4352xf32, #tpu.memory_space<vmem>>, vector<16xf32>,
      %add3A_93 = arith.addf %add3A_86, %get3A_92 : vector<16xf32>
      %mul3A_94 = arith.constant 16 : i32
      %mul3A_95 = arith.muli %scan3A_69, %mul3A_94 : i32
      %add3A_96 = arith.constant 1088 : i32
      %add3A_97 = arith.addi %add3A_96, %mul3A_95 : i32
      %get3A_98 = arith.index_cast %add3A_97 : i32 to index
      %get3A_99 = tpu.vector_load %arg8[%get3A_98] {strides = array<i32>} : memref<4352xf32, #tpu.memory_space<vmem>>, vector<16xf32>,
      %add3A_100 = arith.addf %add3A_93, %get3A_99 : vector<16xf32>
      %mul3A_101 = arith.constant 16 : i32
      %mul3A_102 = arith.muli %scan3A_69, %mul3A_101 : i32
      %add3A_103 = arith.constant 1360 : i32
      %add3A_104 = arith.addi %add3A_103, %mul3A_102 : i32
      %get3A_105 = arith.index_cast %add3A_104 : i32 to index
      %get3A_106 = tpu.vector_load %arg8[%get3A_105] {strides = array<i32>} : memref<4352xf32, #tpu.memory_space<vmem>>, vector<16xf32>,
      %add3A_107 = arith.addf %add3A_100, %get3A_106 : vector<16xf32>
      %mul3A_108 = arith.constant 16 : i32
      %mul3A_109 = arith.muli %scan3A_69, %mul3A_108 : i32
      %add3A_110 = arith.constant 1632 : i32
      %add3A_111 = arith.addi %add3A_110, %mul3A_109 : i32
      %get3A_112 = arith.index_cast %add3A_111 : i32 to index
      %get3A_113 = tpu.vector_load %arg8[%get3A_112] {strides = array<i32>} : memref<4352xf32, #tpu.memory_space<vmem>>, vector<16xf32>,
      %add3A_114 = arith.addf %add3A_107, %get3A_113 : vector<16xf32>
      %mul3A_115 = arith.constant 16 : i32
      %mul3A_116 = arith.muli %scan3A_69, %mul3A_115 : i32
      %add3A_117 = arith.constant 1904 : i32
      %add3A_118 = arith.addi %add3A_117, %mul3A_116 : i32
      %get3A_119 = arith.index_cast %add3A_118 : i32 to index
      %get3A_120 = tpu.vector_load %arg8[%get3A_119] {strides = array<i32>} : memref<4352xf32, #tpu.memory_space<vmem>>, vector<16xf32>,
      %add3A_121 = arith.addf %add3A_114, %get3A_120 : vector<16xf32>
      %mul3A_122 = arith.constant 16 : i32
      %mul3A_123 = arith.muli %scan3A_69, %mul3A_122 : i32
      %add3A_124 = arith.constant 2176 : i32
      %add3A_125 = arith.addi %add3A_124, %mul3A_123 : i32
      %get3A_126 = arith.index_cast %add3A_125 : i32 to index
      %get3A_127 = tpu.vector_load %arg8[%get3A_126] {strides = array<i32>} : memref<4352xf32, #tpu.memory_space<vmem>>, vector<16xf32>,
      %add3A_128 = arith.addf %add3A_121, %get3A_127 : vector<16xf32>
      %mul3A_129 = arith.constant 16 : i32
      %mul3A_130 = arith.muli %scan3A_69, %mul3A_129 : i32
      %add3A_131 = arith.constant 2448 : i32
      %add3A_132 = arith.addi %add3A_131, %mul3A_130 : i32
      %get3A_133 = arith.index_cast %add3A_132 : i32 to index
      %get3A_134 = tpu.vector_load %arg8[%get3A_133] {strides = array<i32>} : memref<4352xf32, #tpu.memory_space<vmem>>, vector<16xf32>,
      %add3A_135 = arith.addf %add3A_128, %get3A_134 : vector<16xf32>
      %mul3A_136 = arith.constant 16 : i32
      %mul3A_137 = arith.muli %scan3A_69, %mul3A_136 : i32
      %add3A_138 = arith.constant 2720 : i32
      %add3A_139 = arith.addi %add3A_138, %mul3A_137 : i32
      %get3A_140 = arith.index_cast %add3A_139 : i32 to index
      %get3A_141 = tpu.vector_load %arg8[%get3A_140] {strides = array<i32>} : memref<4352xf32, #tpu.memory_space<vmem>>, vector<16xf32>,
      %add3A_142 = arith.addf %add3A_135, %get3A_141 : vector<16xf32>
      %mul3A_143 = arith.constant 16 : i32
      %mul3A_144 = arith.muli %scan3A_69, %mul3A_143 : i32
      %add3A_145 = arith.constant 2992 : i32
      %add3A_146 = arith.addi %add3A_145, %mul3A_144 : i32
      %get3A_147 = arith.index_cast %add3A_146 : i32 to index
      %get3A_148 = tpu.vector_load %arg8[%get3A_147] {strides = array<i32>} : memref<4352xf32, #tpu.memory_space<vmem>>, vector<16xf32>,
      %add3A_149 = arith.addf %add3A_142, %get3A_148 : vector<16xf32>
      %mul3A_150 = arith.constant 16 : i32
      %mul3A_151 = arith.muli %scan3A_69, %mul3A_150 : i32
      %add3A_152 = arith.constant 3264 : i32
      %add3A_153 = arith.addi %add3A_152, %mul3A_151 : i32
      %get3A_154 = arith.index_cast %add3A_153 : i32 to index
      %get3A_155 = tpu.vector_load %arg8[%get3A_154] {strides = array<i32>} : memref<4352xf32, #tpu.memory_space<vmem>>, vector<16xf32>,
      %add3A_156 = arith.addf %add3A_149, %get3A_155 : vector<16xf32>
      %mul3A_157 = arith.constant 16 : i32
      %mul3A_158 = arith.muli %scan3A_69, %mul3A_157 : i32
      %add3A_159 = arith.constant 3536 : i32
      %add3A_160 = arith.addi %add3A_159, %mul3A_158 : i32
      %get3A_161 = arith.index_cast %add3A_160 : i32 to index
      %get3A_162 = tpu.vector_load %arg8[%get3A_161] {strides = array<i32>} : memref<4352xf32, #tpu.memory_space<vmem>>, vector<16xf32>,
      %add3A_163 = arith.addf %add3A_156, %get3A_162 : vector<16xf32>
      %mul3A_164 = arith.constant 16 : i32
      %mul3A_165 = arith.muli %scan3A_69, %mul3A_164 : i32
      %add3A_166 = arith.constant 3808 : i32
      %add3A_167 = arith.addi %add3A_166, %mul3A_165 : i32
      %get3A_168 = arith.index_cast %add3A_167 : i32 to index
      %get3A_169 = tpu.vector_load %arg8[%get3A_168] {strides = array<i32>} : memref<4352xf32, #tpu.memory_space<vmem>>, vector<16xf32>,
      %add3A_170 = arith.addf %add3A_163, %get3A_169 : vector<16xf32>
      %mul3A_171 = arith.constant 16 : i32
      %mul3A_172 = arith.muli %scan3A_69, %mul3A_171 : i32
      %add3A_173 = arith.constant 4080 : i32
      %add3A_174 = arith.addi %add3A_173, %mul3A_172 : i32
      %get3A_175 = arith.index_cast %add3A_174 : i32 to index
      %get3A_176 = tpu.vector_load %arg8[%get3A_175] {strides = array<i32>} : memref<4352xf32, #tpu.memory_space<vmem>>, vector<16xf32>,
      %add3A_177 = arith.addf %add3A_170, %get3A_176 : vector<16xf32>
      %mul3A_178 = arith.constant 16 : i32
      %mul3A_179 = arith.muli %scan3A_69, %mul3A_178 : i32
      %add3A_180 = arith.constant 0 : i32
      %add3A_181 = arith.addi %add3A_180, %mul3A_179 : i32
      %swap3A = arith.index_cast %add3A_181 : i32 to index
      %swap3A_182 = tpu.vector_load %arg11[%swap3A] {strides = array<i32>} : memref<544xf32, #tpu.memory_space<vmem>>, vector<16xf32>,
      tpu.vector_store %arg11[%swap3A], %add3A_177 {strides = array<i32>} : memref<544xf32, #tpu.memory_space<vmem>>, vector<16xf32>,
      %mul3A_183 = arith.constant 16 : i32
      %mul3A_184 = arith.muli %scan3A_69, %mul3A_183 : i32
      %get3A_185 = arith.index_cast %mul3A_184 : i32 to index
      %get3A_186 = tpu.vector_load %arg9[%get3A_185] {strides = array<i32>} : memref<4352xf32, #tpu.memory_space<vmem>>, vector<16xf32>,
      %mul3A_187 = arith.constant 16 : i32
      %mul3A_188 = arith.muli %scan3A_69, %mul3A_187 : i32
      %add3A_189 = arith.constant 272 : i32
      %add3A_190 = arith.addi %add3A_189, %mul3A_188 : i32
      %get3A_191 = arith.index_cast %add3A_190 : i32 to index
      %get3A_192 = tpu.vector_load %arg9[%get3A_191] {strides = array<i32>} : memref<4352xf32, #tpu.memory_space<vmem>>, vector<16xf32>,
      %add3A_193 = arith.addf %get3A_186, %get3A_192 : vector<16xf32>
      %mul3A_194 = arith.constant 16 : i32
      %mul3A_195 = arith.muli %scan3A_69, %mul3A_194 : i32
      %add3A_196 = arith.constant 544 : i32
      %add3A_197 = arith.addi %add3A_196, %mul3A_195 : i32
      %get3A_198 = arith.index_cast %add3A_197 : i32 to index
      %get3A_199 = tpu.vector_load %arg9[%get3A_198] {strides = array<i32>} : memref<4352xf32, #tpu.memory_space<vmem>>, vector<16xf32>,
      %add3A_200 = arith.addf %add3A_193, %get3A_199 : vector<16xf32>
      %mul3A_201 = arith.constant 16 : i32
      %mul3A_202 = arith.muli %scan3A_69, %mul3A_201 : i32
      %add3A_203 = arith.constant 816 : i32
      %add3A_204 = arith.addi %add3A_203, %mul3A_202 : i32
      %get3A_205 = arith.index_cast %add3A_204 : i32 to index
      %get3A_206 = tpu.vector_load %arg9[%get3A_205] {strides = array<i32>} : memref<4352xf32, #tpu.memory_space<vmem>>, vector<16xf32>,
      %add3A_207 = arith.addf %add3A_200, %get3A_206 : vector<16xf32>
      %mul3A_208 = arith.constant 16 : i32
      %mul3A_209 = arith.muli %scan3A_69, %mul3A_208 : i32
      %add3A_210 = arith.constant 1088 : i32
      %add3A_211 = arith.addi %add3A_210, %mul3A_209 : i32
      %get3A_212 = arith.index_cast %add3A_211 : i32 to index
      %get3A_213 = tpu.vector_load %arg9[%get3A_212] {strides = array<i32>} : memref<4352xf32, #tpu.memory_space<vmem>>, vector<16xf32>,
      %add3A_214 = arith.addf %add3A_207, %get3A_213 : vector<16xf32>
      %mul3A_215 = arith.constant 16 : i32
      %mul3A_216 = arith.muli %scan3A_69, %mul3A_215 : i32
      %add3A_217 = arith.constant 1360 : i32
      %add3A_218 = arith.addi %add3A_217, %mul3A_216 : i32
      %get3A_219 = arith.index_cast %add3A_218 : i32 to index
      %get3A_220 = tpu.vector_load %arg9[%get3A_219] {strides = array<i32>} : memref<4352xf32, #tpu.memory_space<vmem>>, vector<16xf32>,
      %add3A_221 = arith.addf %add3A_214, %get3A_220 : vector<16xf32>
      %mul3A_222 = arith.constant 16 : i32
      %mul3A_223 = arith.muli %scan3A_69, %mul3A_222 : i32
      %add3A_224 = arith.constant 1632 : i32
      %add3A_225 = arith.addi %add3A_224, %mul3A_223 : i32
      %get3A_226 = arith.index_cast %add3A_225 : i32 to index
      %get3A_227 = tpu.vector_load %arg9[%get3A_226] {strides = array<i32>} : memref<4352xf32, #tpu.memory_space<vmem>>, vector<16xf32>,
      %add3A_228 = arith.addf %add3A_221, %get3A_227 : vector<16xf32>
      %mul3A_229 = arith.constant 16 : i32
      %mul3A_230 = arith.muli %scan3A_69, %mul3A_229 : i32
      %add3A_231 = arith.constant 1904 : i32
      %add3A_232 = arith.addi %add3A_231, %mul3A_230 : i32
      %get3A_233 = arith.index_cast %add3A_232 : i32 to index
      %get3A_234 = tpu.vector_load %arg9[%get3A_233] {strides = array<i32>} : memref<4352xf32, #tpu.memory_space<vmem>>, vector<16xf32>,
      %add3A_235 = arith.addf %add3A_228, %get3A_234 : vector<16xf32>
      %mul3A_236 = arith.constant 16 : i32
      %mul3A_237 = arith.muli %scan3A_69, %mul3A_236 : i32
      %add3A_238 = arith.constant 2176 : i32
      %add3A_239 = arith.addi %add3A_238, %mul3A_237 : i32
      %get3A_240 = arith.index_cast %add3A_239 : i32 to index
      %get3A_241 = tpu.vector_load %arg9[%get3A_240] {strides = array<i32>} : memref<4352xf32, #tpu.memory_space<vmem>>, vector<16xf32>,
      %add3A_242 = arith.addf %add3A_235, %get3A_241 : vector<16xf32>
      %mul3A_243 = arith.constant 16 : i32
      %mul3A_244 = arith.muli %scan3A_69, %mul3A_243 : i32
      %add3A_245 = arith.constant 2448 : i32
      %add3A_246 = arith.addi %add3A_245, %mul3A_244 : i32
      %get3A_247 = arith.index_cast %add3A_246 : i32 to index
      %get3A_248 = tpu.vector_load %arg9[%get3A_247] {strides = array<i32>} : memref<4352xf32, #tpu.memory_space<vmem>>, vector<16xf32>,
      %add3A_249 = arith.addf %add3A_242, %get3A_248 : vector<16xf32>
      %mul3A_250 = arith.constant 16 : i32
      %mul3A_251 = arith.muli %scan3A_69, %mul3A_250 : i32
      %add3A_252 = arith.constant 2720 : i32
      %add3A_253 = arith.addi %add3A_252, %mul3A_251 : i32
      %get3A_254 = arith.index_cast %add3A_253 : i32 to index
      %get3A_255 = tpu.vector_load %arg9[%get3A_254] {strides = array<i32>} : memref<4352xf32, #tpu.memory_space<vmem>>, vector<16xf32>,
      %add3A_256 = arith.addf %add3A_249, %get3A_255 : vector<16xf32>
      %mul3A_257 = arith.constant 16 : i32
      %mul3A_258 = arith.muli %scan3A_69, %mul3A_257 : i32
      %add3A_259 = arith.constant 2992 : i32
      %add3A_260 = arith.addi %add3A_259, %mul3A_258 : i32
      %get3A_261 = arith.index_cast %add3A_260 : i32 to index
      %get3A_262 = tpu.vector_load %arg9[%get3A_261] {strides = array<i32>} : memref<4352xf32, #tpu.memory_space<vmem>>, vector<16xf32>,
      %add3A_263 = arith.addf %add3A_256, %get3A_262 : vector<16xf32>
      %mul3A_264 = arith.constant 16 : i32
      %mul3A_265 = arith.muli %scan3A_69, %mul3A_264 : i32
      %add3A_266 = arith.constant 3264 : i32
      %add3A_267 = arith.addi %add3A_266, %mul3A_265 : i32
      %get3A_268 = arith.index_cast %add3A_267 : i32 to index
      %get3A_269 = tpu.vector_load %arg9[%get3A_268] {strides = array<i32>} : memref<4352xf32, #tpu.memory_space<vmem>>, vector<16xf32>,
      %add3A_270 = arith.addf %add3A_263, %get3A_269 : vector<16xf32>
      %mul3A_271 = arith.constant 16 : i32
      %mul3A_272 = arith.muli %scan3A_69, %mul3A_271 : i32
      %add3A_273 = arith.constant 3536 : i32
      %add3A_274 = arith.addi %add3A_273, %mul3A_272 : i32
      %get3A_275 = arith.index_cast %add3A_274 : i32 to index
      %get3A_276 = tpu.vector_load %arg9[%get3A_275] {strides = array<i32>} : memref<4352xf32, #tpu.memory_space<vmem>>, vector<16xf32>,
      %add3A_277 = arith.addf %add3A_270, %get3A_276 : vector<16xf32>
      %mul3A_278 = arith.constant 16 : i32
      %mul3A_279 = arith.muli %scan3A_69, %mul3A_278 : i32
      %add3A_280 = arith.constant 3808 : i32
      %add3A_281 = arith.addi %add3A_280, %mul3A_279 : i32
      %get3A_282 = arith.index_cast %add3A_281 : i32 to index
      %get3A_283 = tpu.vector_load %arg9[%get3A_282] {strides = array<i32>} : memref<4352xf32, #tpu.memory_space<vmem>>, vector<16xf32>,
      %add3A_284 = arith.addf %add3A_277, %get3A_283 : vector<16xf32>
      %mul3A_285 = arith.constant 16 : i32
      %mul3A_286 = arith.muli %scan3A_69, %mul3A_285 : i32
      %add3A_287 = arith.constant 4080 : i32
      %add3A_288 = arith.addi %add3A_287, %mul3A_286 : i32
      %get3A_289 = arith.index_cast %add3A_288 : i32 to index
      %get3A_290 = tpu.vector_load %arg9[%get3A_289] {strides = array<i32>} : memref<4352xf32, #tpu.memory_space<vmem>>, vector<16xf32>,
      %add3A_291 = arith.addf %add3A_284, %get3A_290 : vector<16xf32>
      %mul3A_292 = arith.constant 16 : i32
      %mul3A_293 = arith.muli %scan3A_69, %mul3A_292 : i32
      %add3A_294 = arith.constant 272 : i32
      %add3A_295 = arith.addi %add3A_294, %mul3A_293 : i32
      %swap3A_296 = arith.index_cast %add3A_295 : i32 to index
      %swap3A_297 = tpu.vector_load %arg11[%swap3A_296] {strides = array<i32>} : memref<544xf32, #tpu.memory_space<vmem>>, vector<16xf32>,
      tpu.vector_store %arg11[%swap3A_296], %add3A_291 {strides = array<i32>} : memref<544xf32, #tpu.memory_space<vmem>>, vector<16xf32>,
    }
    %scan3A_62 = arith.constant 17 : i32
    %mul3A_63 = arith.constant 2 : i32
    %mul3A_64 = arith.muli %arg1, %mul3A_63 : i32
    %mul3A_65 = arith.constant 272 : i32
    %mul3A_66 = arith.muli %mul3A_64, %mul3A_65 : i32
    "tpu.region"() ({
      %run_scoped3A = tpu.sem_alloc : memref<!tpu.dma_semaphore, #tpu.memory_space<semaphore_mem>>
      %dma_start3A = tpu.memref_slice %arg13[%mul3A_66] : memref<8704xf32, #tpu.memory_space<vmem_shared>> -> memref<544xf32, #tpu.memory_space<vmem_shared>>
      %dma_start3A_69 = tpu.memref_slice %arg13[%mul3A_66] : memref<8704xf32, #tpu.memory_space<vmem_shared>> -> memref<544xf32, #tpu.memory_space<vmem_shared>>
      tpu.enqueue_dma source(%arg11 : memref<544xf32, #tpu.memory_space<vmem>>) target(%dma_start3A_69 : memref<544xf32, #tpu.memory_space<vmem_shared>>) target_semaphore(%run_scoped3A : memref<!tpu.dma_semaphore, #tpu.memory_space<semaphore_mem>>)
      %dma_wait3A = tpu.memref_slice %arg13[%mul3A_66] : memref<8704xf32, #tpu.memory_space<vmem_shared>> -> memref<544xf32, #tpu.memory_space<vmem_shared>>
      %dma_wait3A_70 = tpu.memref_slice %arg13[%mul3A_66] : memref<8704xf32, #tpu.memory_space<vmem_shared>> -> memref<544xf32, #tpu.memory_space<vmem_shared>>
      tpu.wait_dma2 semaphore(%run_scoped3A : memref<!tpu.dma_semaphore, #tpu.memory_space<semaphore_mem>>) src(%arg11 : memref<544xf32, #tpu.memory_space<vmem>>) dst(%dma_wait3A_70 : memref<544xf32, #tpu.memory_space<vmem_shared>>)
      tpu.yield
    }) : () -> ()
    %barrier3A = arith.constant 0 : index
    tpu.barrier barrier_id(%barrier3A)
    %eq3A = arith.constant 0 : i32
    %eq3A_67 = arith.cmpi eq, %arg1, %eq3A : i32
    %convert_element_type3A = arith.extui %eq3A_67 : i1 to i32
    %cond3A = arith.constant 0 : i32
    %cond3A_68 = arith.cmpi ne, %convert_element_type3A, %cond3A : i32
    scf.if %cond3A_68 {
      "tpu.region"() ({
        %run_scoped3A = tpu.sem_alloc : memref<!tpu.dma_semaphore, #tpu.memory_space<semaphore_mem>>
        tpu.enqueue_dma source(%arg13 : memref<8704xf32, #tpu.memory_space<vmem_shared>>) target(%arg14 : memref<8704xf32, #tpu.memory_space<vmem>>) target_semaphore(%run_scoped3A : memref<!tpu.dma_semaphore, #tpu.memory_space<semaphore_mem>>)
        tpu.wait_dma2 semaphore(%run_scoped3A : memref<!tpu.dma_semaphore, #tpu.memory_space<semaphore_mem>>) src(%arg13 : memref<8704xf32, #tpu.memory_space<vmem_shared>>) dst(%arg14 : memref<8704xf32, #tpu.memory_space<vmem>>)
        tpu.yield
      }) : () -> ()
      %scan3A_69 = arith.constant 0 : i32
      %scan3A_70 = arith.constant 0 : i32
      %scan3A_71 = arith.constant 17 : i32
      %scan3A_72 = arith.addi %scan3A_70, %scan3A_71 : i32
      %scan3A_73 = arith.constant 1 : i32
      scf.for %scan3A_79 = %scan3A_70 to %scan3A_72 step %scan3A_73  : i32 {
        %mul3A_80 = arith.constant 16 : i32
        %mul3A_81 = arith.muli %scan3A_79, %mul3A_80 : i32
        %add3A_82 = arith.constant 0 : i32
        %add3A_83 = arith.addi %add3A_82, %mul3A_81 : i32
        %get3A = arith.index_cast %add3A_83 : i32 to index
        %get3A_84 = tpu.vector_load %arg14[%get3A] {strides = array<i32>} : memref<8704xf32, #tpu.memory_space<vmem>>, vector<16xf32>,
        %add3A_85 = arith.constant 544 : i32
        %add3A_86 = arith.addi %add3A_85, %add3A_83 : i32
        %get3A_87 = arith.index_cast %add3A_86 : i32 to index
        %get3A_88 = tpu.vector_load %arg14[%get3A_87] {strides = array<i32>} : memref<8704xf32, #tpu.memory_space<vmem>>, vector<16xf32>,
        %add3A_89 = arith.addf %get3A_84, %get3A_88 : vector<16xf32>
        %add3A_90 = arith.constant 1088 : i32
        %add3A_91 = arith.addi %add3A_90, %add3A_83 : i32
        %get3A_92 = arith.index_cast %add3A_91 : i32 to index
        %get3A_93 = tpu.vector_load %arg14[%get3A_92] {strides = array<i32>} : memref<8704xf32, #tpu.memory_space<vmem>>, vector<16xf32>,
        %add3A_94 = arith.addf %add3A_89, %get3A_93 : vector<16xf32>
        %add3A_95 = arith.constant 1632 : i32
        %add3A_96 = arith.addi %add3A_95, %add3A_83 : i32
        %get3A_97 = arith.index_cast %add3A_96 : i32 to index
        %get3A_98 = tpu.vector_load %arg14[%get3A_97] {strides = array<i32>} : memref<8704xf32, #tpu.memory_space<vmem>>, vector<16xf32>,
        %add3A_99 = arith.addf %add3A_94, %get3A_98 : vector<16xf32>
        %add3A_100 = arith.constant 2176 : i32
        %add3A_101 = arith.addi %add3A_100, %add3A_83 : i32
        %get3A_102 = arith.index_cast %add3A_101 : i32 to index
        %get3A_103 = tpu.vector_load %arg14[%get3A_102] {strides = array<i32>} : memref<8704xf32, #tpu.memory_space<vmem>>, vector<16xf32>,
        %add3A_104 = arith.addf %add3A_99, %get3A_103 : vector<16xf32>
        %add3A_105 = arith.constant 2720 : i32
        %add3A_106 = arith.addi %add3A_105, %add3A_83 : i32
        %get3A_107 = arith.index_cast %add3A_106 : i32 to index
        %get3A_108 = tpu.vector_load %arg14[%get3A_107] {strides = array<i32>} : memref<8704xf32, #tpu.memory_space<vmem>>, vector<16xf32>,
        %add3A_109 = arith.addf %add3A_104, %get3A_108 : vector<16xf32>
        %add3A_110 = arith.constant 3264 : i32
        %add3A_111 = arith.addi %add3A_110, %add3A_83 : i32
        %get3A_112 = arith.index_cast %add3A_111 : i32 to index
        %get3A_113 = tpu.vector_load %arg14[%get3A_112] {strides = array<i32>} : memref<8704xf32, #tpu.memory_space<vmem>>, vector<16xf32>,
        %add3A_114 = arith.addf %add3A_109, %get3A_113 : vector<16xf32>
        %add3A_115 = arith.constant 3808 : i32
        %add3A_116 = arith.addi %add3A_115, %add3A_83 : i32
        %get3A_117 = arith.index_cast %add3A_116 : i32 to index
        %get3A_118 = tpu.vector_load %arg14[%get3A_117] {strides = array<i32>} : memref<8704xf32, #tpu.memory_space<vmem>>, vector<16xf32>,
        %add3A_119 = arith.addf %add3A_114, %get3A_118 : vector<16xf32>
        %add3A_120 = arith.constant 4352 : i32
        %add3A_121 = arith.addi %add3A_120, %add3A_83 : i32
        %get3A_122 = arith.index_cast %add3A_121 : i32 to index
        %get3A_123 = tpu.vector_load %arg14[%get3A_122] {strides = array<i32>} : memref<8704xf32, #tpu.memory_space<vmem>>, vector<16xf32>,
        %add3A_124 = arith.addf %add3A_119, %get3A_123 : vector<16xf32>
        %add3A_125 = arith.constant 4896 : i32
        %add3A_126 = arith.addi %add3A_125, %add3A_83 : i32
        %get3A_127 = arith.index_cast %add3A_126 : i32 to index
        %get3A_128 = tpu.vector_load %arg14[%get3A_127] {strides = array<i32>} : memref<8704xf32, #tpu.memory_space<vmem>>, vector<16xf32>,
        %add3A_129 = arith.addf %add3A_124, %get3A_128 : vector<16xf32>
        %add3A_130 = arith.constant 5440 : i32
        %add3A_131 = arith.addi %add3A_130, %add3A_83 : i32
        %get3A_132 = arith.index_cast %add3A_131 : i32 to index
        %get3A_133 = tpu.vector_load %arg14[%get3A_132] {strides = array<i32>} : memref<8704xf32, #tpu.memory_space<vmem>>, vector<16xf32>,
        %add3A_134 = arith.addf %add3A_129, %get3A_133 : vector<16xf32>
        %add3A_135 = arith.constant 5984 : i32
        %add3A_136 = arith.addi %add3A_135, %add3A_83 : i32
        %get3A_137 = arith.index_cast %add3A_136 : i32 to index
        %get3A_138 = tpu.vector_load %arg14[%get3A_137] {strides = array<i32>} : memref<8704xf32, #tpu.memory_space<vmem>>, vector<16xf32>,
        %add3A_139 = arith.addf %add3A_134, %get3A_138 : vector<16xf32>
        %add3A_140 = arith.constant 6528 : i32
        %add3A_141 = arith.addi %add3A_140, %add3A_83 : i32
        %get3A_142 = arith.index_cast %add3A_141 : i32 to index
        %get3A_143 = tpu.vector_load %arg14[%get3A_142] {strides = array<i32>} : memref<8704xf32, #tpu.memory_space<vmem>>, vector<16xf32>,
        %add3A_144 = arith.addf %add3A_139, %get3A_143 : vector<16xf32>
        %add3A_145 = arith.constant 7072 : i32
        %add3A_146 = arith.addi %add3A_145, %add3A_83 : i32
        %get3A_147 = arith.index_cast %add3A_146 : i32 to index
        %get3A_148 = tpu.vector_load %arg14[%get3A_147] {strides = array<i32>} : memref<8704xf32, #tpu.memory_space<vmem>>, vector<16xf32>,
        %add3A_149 = arith.addf %add3A_144, %get3A_148 : vector<16xf32>
        %add3A_150 = arith.constant 7616 : i32
        %add3A_151 = arith.addi %add3A_150, %add3A_83 : i32
        %get3A_152 = arith.index_cast %add3A_151 : i32 to index
        %get3A_153 = tpu.vector_load %arg14[%get3A_152] {strides = array<i32>} : memref<8704xf32, #tpu.memory_space<vmem>>, vector<16xf32>,
        %add3A_154 = arith.addf %add3A_149, %get3A_153 : vector<16xf32>
        %add3A_155 = arith.constant 8160 : i32
        %add3A_156 = arith.addi %add3A_155, %add3A_83 : i32
        %get3A_157 = arith.index_cast %add3A_156 : i32 to index
        %get3A_158 = tpu.vector_load %arg14[%get3A_157] {strides = array<i32>} : memref<8704xf32, #tpu.memory_space<vmem>>, vector<16xf32>,
        %add3A_159 = arith.addf %add3A_154, %get3A_158 : vector<16xf32>
        %swap3A = arith.index_cast %add3A_83 : i32 to index
        %swap3A_160 = tpu.vector_load %arg11[%swap3A] {strides = array<i32>} : memref<544xf32, #tpu.memory_space<vmem>>, vector<16xf32>,
        tpu.vector_store %arg11[%swap3A], %add3A_159 {strides = array<i32>} : memref<544xf32, #tpu.memory_space<vmem>>, vector<16xf32>,
        %mul3A_161 = arith.constant 16 : i32
        %mul3A_162 = arith.muli %scan3A_79, %mul3A_161 : i32
        %add3A_163 = arith.constant 272 : i32
        %add3A_164 = arith.addi %add3A_163, %mul3A_162 : i32
        %get3A_165 = arith.index_cast %add3A_164 : i32 to index
        %get3A_166 = tpu.vector_load %arg14[%get3A_165] {strides = array<i32>} : memref<8704xf32, #tpu.memory_space<vmem>>, vector<16xf32>,
        %add3A_167 = arith.constant 544 : i32
        %add3A_168 = arith.addi %add3A_167, %add3A_164 : i32
        %get3A_169 = arith.index_cast %add3A_168 : i32 to index
        %get3A_170 = tpu.vector_load %arg14[%get3A_169] {strides = array<i32>} : memref<8704xf32, #tpu.memory_space<vmem>>, vector<16xf32>,
        %add3A_171 = arith.addf %get3A_166, %get3A_170 : vector<16xf32>
        %add3A_172 = arith.constant 1088 : i32
        %add3A_173 = arith.addi %add3A_172, %add3A_164 : i32
        %get3A_174 = arith.index_cast %add3A_173 : i32 to index
        %get3A_175 = tpu.vector_load %arg14[%get3A_174] {strides = array<i32>} : memref<8704xf32, #tpu.memory_space<vmem>>, vector<16xf32>,
        %add3A_176 = arith.addf %add3A_171, %get3A_175 : vector<16xf32>
        %add3A_177 = arith.constant 1632 : i32
        %add3A_178 = arith.addi %add3A_177, %add3A_164 : i32
        %get3A_179 = arith.index_cast %add3A_178 : i32 to index
        %get3A_180 = tpu.vector_load %arg14[%get3A_179] {strides = array<i32>} : memref<8704xf32, #tpu.memory_space<vmem>>, vector<16xf32>,
        %add3A_181 = arith.addf %add3A_176, %get3A_180 : vector<16xf32>
        %add3A_182 = arith.constant 2176 : i32
        %add3A_183 = arith.addi %add3A_182, %add3A_164 : i32
        %get3A_184 = arith.index_cast %add3A_183 : i32 to index
        %get3A_185 = tpu.vector_load %arg14[%get3A_184] {strides = array<i32>} : memref<8704xf32, #tpu.memory_space<vmem>>, vector<16xf32>,
        %add3A_186 = arith.addf %add3A_181, %get3A_185 : vector<16xf32>
        %add3A_187 = arith.constant 2720 : i32
        %add3A_188 = arith.addi %add3A_187, %add3A_164 : i32
        %get3A_189 = arith.index_cast %add3A_188 : i32 to index
        %get3A_190 = tpu.vector_load %arg14[%get3A_189] {strides = array<i32>} : memref<8704xf32, #tpu.memory_space<vmem>>, vector<16xf32>,
        %add3A_191 = arith.addf %add3A_186, %get3A_190 : vector<16xf32>
        %add3A_192 = arith.constant 3264 : i32
        %add3A_193 = arith.addi %add3A_192, %add3A_164 : i32
        %get3A_194 = arith.index_cast %add3A_193 : i32 to index
        %get3A_195 = tpu.vector_load %arg14[%get3A_194] {strides = array<i32>} : memref<8704xf32, #tpu.memory_space<vmem>>, vector<16xf32>,
        %add3A_196 = arith.addf %add3A_191, %get3A_195 : vector<16xf32>
        %add3A_197 = arith.constant 3808 : i32
        %add3A_198 = arith.addi %add3A_197, %add3A_164 : i32
        %get3A_199 = arith.index_cast %add3A_198 : i32 to index
        %get3A_200 = tpu.vector_load %arg14[%get3A_199] {strides = array<i32>} : memref<8704xf32, #tpu.memory_space<vmem>>, vector<16xf32>,
        %add3A_201 = arith.addf %add3A_196, %get3A_200 : vector<16xf32>
        %add3A_202 = arith.constant 4352 : i32
        %add3A_203 = arith.addi %add3A_202, %add3A_164 : i32
        %get3A_204 = arith.index_cast %add3A_203 : i32 to index
        %get3A_205 = tpu.vector_load %arg14[%get3A_204] {strides = array<i32>} : memref<8704xf32, #tpu.memory_space<vmem>>, vector<16xf32>,
        %add3A_206 = arith.addf %add3A_201, %get3A_205 : vector<16xf32>
        %add3A_207 = arith.constant 4896 : i32
        %add3A_208 = arith.addi %add3A_207, %add3A_164 : i32
        %get3A_209 = arith.index_cast %add3A_208 : i32 to index
        %get3A_210 = tpu.vector_load %arg14[%get3A_209] {strides = array<i32>} : memref<8704xf32, #tpu.memory_space<vmem>>, vector<16xf32>,
        %add3A_211 = arith.addf %add3A_206, %get3A_210 : vector<16xf32>
        %add3A_212 = arith.constant 5440 : i32
        %add3A_213 = arith.addi %add3A_212, %add3A_164 : i32
        %get3A_214 = arith.index_cast %add3A_213 : i32 to index
        %get3A_215 = tpu.vector_load %arg14[%get3A_214] {strides = array<i32>} : memref<8704xf32, #tpu.memory_space<vmem>>, vector<16xf32>,
        %add3A_216 = arith.addf %add3A_211, %get3A_215 : vector<16xf32>
        %add3A_217 = arith.constant 5984 : i32
        %add3A_218 = arith.addi %add3A_217, %add3A_164 : i32
        %get3A_219 = arith.index_cast %add3A_218 : i32 to index
        %get3A_220 = tpu.vector_load %arg14[%get3A_219] {strides = array<i32>} : memref<8704xf32, #tpu.memory_space<vmem>>, vector<16xf32>,
        %add3A_221 = arith.addf %add3A_216, %get3A_220 : vector<16xf32>
        %add3A_222 = arith.constant 6528 : i32
        %add3A_223 = arith.addi %add3A_222, %add3A_164 : i32
        %get3A_224 = arith.index_cast %add3A_223 : i32 to index
        %get3A_225 = tpu.vector_load %arg14[%get3A_224] {strides = array<i32>} : memref<8704xf32, #tpu.memory_space<vmem>>, vector<16xf32>,
        %add3A_226 = arith.addf %add3A_221, %get3A_225 : vector<16xf32>
        %add3A_227 = arith.constant 7072 : i32
        %add3A_228 = arith.addi %add3A_227, %add3A_164 : i32
        %get3A_229 = arith.index_cast %add3A_228 : i32 to index
        %get3A_230 = tpu.vector_load %arg14[%get3A_229] {strides = array<i32>} : memref<8704xf32, #tpu.memory_space<vmem>>, vector<16xf32>,
        %add3A_231 = arith.addf %add3A_226, %get3A_230 : vector<16xf32>
        %add3A_232 = arith.constant 7616 : i32
        %add3A_233 = arith.addi %add3A_232, %add3A_164 : i32
        %get3A_234 = arith.index_cast %add3A_233 : i32 to index
        %get3A_235 = tpu.vector_load %arg14[%get3A_234] {strides = array<i32>} : memref<8704xf32, #tpu.memory_space<vmem>>, vector<16xf32>,
        %add3A_236 = arith.addf %add3A_231, %get3A_235 : vector<16xf32>
        %add3A_237 = arith.constant 8160 : i32
        %add3A_238 = arith.addi %add3A_237, %add3A_164 : i32
        %get3A_239 = arith.index_cast %add3A_238 : i32 to index
        %get3A_240 = tpu.vector_load %arg14[%get3A_239] {strides = array<i32>} : memref<8704xf32, #tpu.memory_space<vmem>>, vector<16xf32>,
        %add3A_241 = arith.addf %add3A_236, %get3A_240 : vector<16xf32>
        %swap3A_242 = arith.index_cast %add3A_164 : i32 to index
        %swap3A_243 = tpu.vector_load %arg11[%swap3A_242] {strides = array<i32>} : memref<544xf32, #tpu.memory_space<vmem>>, vector<16xf32>,
        tpu.vector_store %arg11[%swap3A_242], %add3A_241 {strides = array<i32>} : memref<544xf32, #tpu.memory_space<vmem>>, vector<16xf32>,
      }
      %scan3A_74 = arith.constant 17 : i32
      %mul3A_75 = arith.constant 2 : i32
      %mul3A_76 = arith.muli %arg0, %mul3A_75 : i32
      %mul3A_77 = arith.constant 272 : i32
      %mul3A_78 = arith.muli %mul3A_76, %mul3A_77 : i32
      "tpu.region"() ({
        %run_scoped3A = tpu.sem_alloc : memref<!tpu.dma_semaphore, #tpu.memory_space<semaphore_mem>>
        %dma_start3A = tpu.memref_slice %arg5[%mul3A_78] : memref<1088xf32, #tpu.memory_space<hbm>> -> memref<544xf32, #tpu.memory_space<hbm>>
        %dma_start3A_79 = tpu.memref_slice %arg5[%mul3A_78] : memref<1088xf32, #tpu.memory_space<hbm>> -> memref<544xf32, #tpu.memory_space<hbm>>
        tpu.enqueue_dma source(%arg11 : memref<544xf32, #tpu.memory_space<vmem>>) target(%dma_start3A_79 : memref<544xf32, #tpu.memory_space<hbm>>) target_semaphore(%run_scoped3A : memref<!tpu.dma_semaphore, #tpu.memory_space<semaphore_mem>>)
        %dma_wait3A = tpu.memref_slice %arg5[%mul3A_78] : memref<1088xf32, #tpu.memory_space<hbm>> -> memref<544xf32, #tpu.memory_space<hbm>>
        %dma_wait3A_80 = tpu.memref_slice %arg5[%mul3A_78] : memref<1088xf32, #tpu.memory_space<hbm>> -> memref<544xf32, #tpu.memory_space<hbm>>
        tpu.wait_dma2 semaphore(%run_scoped3A : memref<!tpu.dma_semaphore, #tpu.memory_space<semaphore_mem>>) src(%arg11 : memref<544xf32, #tpu.memory_space<vmem>>) dst(%dma_wait3A_80 : memref<544xf32, #tpu.memory_space<hbm>>)
        tpu.yield
      }) : () -> ()
    } else {
    }
    return
  }
}

#map = affine_map<(d0, d1) -> (0)>
module attributes {stable_mosaic.version = 14 : i64} {
  func.func @sc_kernel(%arg0: i32, %arg1: i32, %arg2: memref<100352xi32, #tpu.memory_space<hbm>>, %arg3: memref<301056xf32, #tpu.memory_space<hbm>>, %arg4: memref<2176xf32, #tpu.memory_space<hbm>>, %arg5: memref<3136xi32, #tpu.memory_space<vmem>>, %arg6: memref<9408xf32, #tpu.memory_space<vmem>>, %arg7: memref<4352xf32, #tpu.memory_space<vmem>>, %arg8: memref<4352xf32, #tpu.memory_space<vmem>>, %arg9: memref<4352xf32, #tpu.memory_space<vmem>>, %arg10: memref<4352xf32, #tpu.memory_space<vmem>>, %arg11: memref<1088xf32, #tpu.memory_space<vmem>>, %arg12: memref<17408xf32, #tpu.memory_space<vmem_shared>>, %arg13: memref<17408xf32, #tpu.memory_space<vmem>>) attributes {dimension_semantics = [#tpu.dimension_semantics<core_parallel>, #tpu.dimension_semantics<subcore_parallel>], iteration_bounds = array<i64: 2, 16>, scalar_prefetch = 0 : i64, scratch_operands = 9 : i64, tpu.core_type = #tpu.core_type<sc_vector_subcore>, window_params = [{transform_indices = #map}, {transform_indices = #map}, {transform_indices = #map}]} {
    %mul3A = arith.constant 50176 : i32
    %mul3A_0 = arith.muli %arg0, %mul3A : i32
    %mul3A_1 = arith.constant 3136 : i32
    %mul3A_2 = arith.muli %arg1, %mul3A_1 : i32
    %add3A = arith.addi %mul3A_0, %mul3A_2 : i32
    "tpu.region"() ({
      %run_scoped3A = tpu.sem_alloc : memref<!tpu.dma_semaphore, #tpu.memory_space<semaphore_mem>>
      %dma_start3A = tpu.memref_slice %arg2[%add3A] : memref<100352xi32, #tpu.memory_space<hbm>> -> memref<3136xi32, #tpu.memory_space<hbm>>
      %dma_start3A_59 = tpu.memref_slice %arg2[%add3A] : memref<100352xi32, #tpu.memory_space<hbm>> -> memref<3136xi32, #tpu.memory_space<hbm>>
      tpu.enqueue_dma source(%dma_start3A_59 : memref<3136xi32, #tpu.memory_space<hbm>>) target(%arg5 : memref<3136xi32, #tpu.memory_space<vmem>>) target_semaphore(%run_scoped3A : memref<!tpu.dma_semaphore, #tpu.memory_space<semaphore_mem>>)
      %dma_wait3A = tpu.memref_slice %arg2[%add3A] : memref<100352xi32, #tpu.memory_space<hbm>> -> memref<3136xi32, #tpu.memory_space<hbm>>
      %dma_wait3A_60 = tpu.memref_slice %arg2[%add3A] : memref<100352xi32, #tpu.memory_space<hbm>> -> memref<3136xi32, #tpu.memory_space<hbm>>
      tpu.wait_dma2 semaphore(%run_scoped3A : memref<!tpu.dma_semaphore, #tpu.memory_space<semaphore_mem>>) src(%dma_wait3A_60 : memref<3136xi32, #tpu.memory_space<hbm>>) dst(%arg5 : memref<3136xi32, #tpu.memory_space<vmem>>)
      tpu.yield
    }) : () -> ()
    %mul3A_3 = arith.constant 3 : i32
    %mul3A_4 = arith.muli %arg0, %mul3A_3 : i32
    %add3A_5 = arith.constant 0 : i32
    %add3A_6 = arith.addi %mul3A_4, %add3A_5 : i32
    %mul3A_7 = arith.constant 50176 : i32
    %mul3A_8 = arith.muli %add3A_6, %mul3A_7 : i32
    %mul3A_9 = arith.constant 3136 : i32
    %mul3A_10 = arith.muli %arg1, %mul3A_9 : i32
    %add3A_11 = arith.addi %mul3A_8, %mul3A_10 : i32
    "tpu.region"() ({
      %run_scoped3A = tpu.sem_alloc : memref<!tpu.dma_semaphore, #tpu.memory_space<semaphore_mem>>
      %dma_start3A = arith.constant 0 : i32
      %dma_start3A_59 = tpu.memref_slice %arg6[%dma_start3A] : memref<9408xf32, #tpu.memory_space<vmem>> -> memref<3136xf32, #tpu.memory_space<vmem>>
      %dma_start3A_60 = tpu.memref_slice %arg3[%add3A_11] : memref<301056xf32, #tpu.memory_space<hbm>> -> memref<3136xf32, #tpu.memory_space<hbm>>
      %dma_start3A_61 = arith.constant 0 : i32
      %dma_start3A_62 = tpu.memref_slice %arg6[%dma_start3A_61] : memref<9408xf32, #tpu.memory_space<vmem>> -> memref<3136xf32, #tpu.memory_space<vmem>>
      %dma_start3A_63 = tpu.memref_slice %arg3[%add3A_11] : memref<301056xf32, #tpu.memory_space<hbm>> -> memref<3136xf32, #tpu.memory_space<hbm>>
      tpu.enqueue_dma source(%dma_start3A_63 : memref<3136xf32, #tpu.memory_space<hbm>>) target(%dma_start3A_62 : memref<3136xf32, #tpu.memory_space<vmem>>) target_semaphore(%run_scoped3A : memref<!tpu.dma_semaphore, #tpu.memory_space<semaphore_mem>>)
      %dma_wait3A = arith.constant 0 : i32
      %dma_wait3A_64 = tpu.memref_slice %arg6[%dma_wait3A] : memref<9408xf32, #tpu.memory_space<vmem>> -> memref<3136xf32, #tpu.memory_space<vmem>>
      %dma_wait3A_65 = tpu.memref_slice %arg3[%add3A_11] : memref<301056xf32, #tpu.memory_space<hbm>> -> memref<3136xf32, #tpu.memory_space<hbm>>
      %dma_wait3A_66 = arith.constant 0 : i32
      %dma_wait3A_67 = tpu.memref_slice %arg6[%dma_wait3A_66] : memref<9408xf32, #tpu.memory_space<vmem>> -> memref<3136xf32, #tpu.memory_space<vmem>>
      %dma_wait3A_68 = tpu.memref_slice %arg3[%add3A_11] : memref<301056xf32, #tpu.memory_space<hbm>> -> memref<3136xf32, #tpu.memory_space<hbm>>
      tpu.wait_dma2 semaphore(%run_scoped3A : memref<!tpu.dma_semaphore, #tpu.memory_space<semaphore_mem>>) src(%dma_wait3A_68 : memref<3136xf32, #tpu.memory_space<hbm>>) dst(%dma_wait3A_67 : memref<3136xf32, #tpu.memory_space<vmem>>)
      tpu.yield
    }) : () -> ()
    %mul3A_12 = arith.constant 3 : i32
    %mul3A_13 = arith.muli %arg0, %mul3A_12 : i32
    %add3A_14 = arith.constant 1 : i32
    %add3A_15 = arith.addi %mul3A_13, %add3A_14 : i32
    %mul3A_16 = arith.constant 50176 : i32
    %mul3A_17 = arith.muli %add3A_15, %mul3A_16 : i32
    %mul3A_18 = arith.constant 3136 : i32
    %mul3A_19 = arith.muli %arg1, %mul3A_18 : i32
    %add3A_20 = arith.addi %mul3A_17, %mul3A_19 : i32
    "tpu.region"() ({
      %run_scoped3A = tpu.sem_alloc : memref<!tpu.dma_semaphore, #tpu.memory_space<semaphore_mem>>
      %dma_start3A = arith.constant 3136 : i32
      %dma_start3A_59 = tpu.memref_slice %arg6[%dma_start3A] : memref<9408xf32, #tpu.memory_space<vmem>> -> memref<3136xf32, #tpu.memory_space<vmem>>
      %dma_start3A_60 = tpu.memref_slice %arg3[%add3A_20] : memref<301056xf32, #tpu.memory_space<hbm>> -> memref<3136xf32, #tpu.memory_space<hbm>>
      %dma_start3A_61 = arith.constant 3136 : i32
      %dma_start3A_62 = tpu.memref_slice %arg6[%dma_start3A_61] : memref<9408xf32, #tpu.memory_space<vmem>> -> memref<3136xf32, #tpu.memory_space<vmem>>
      %dma_start3A_63 = tpu.memref_slice %arg3[%add3A_20] : memref<301056xf32, #tpu.memory_space<hbm>> -> memref<3136xf32, #tpu.memory_space<hbm>>
      tpu.enqueue_dma source(%dma_start3A_63 : memref<3136xf32, #tpu.memory_space<hbm>>) target(%dma_start3A_62 : memref<3136xf32, #tpu.memory_space<vmem>>) target_semaphore(%run_scoped3A : memref<!tpu.dma_semaphore, #tpu.memory_space<semaphore_mem>>)
      %dma_wait3A = arith.constant 3136 : i32
      %dma_wait3A_64 = tpu.memref_slice %arg6[%dma_wait3A] : memref<9408xf32, #tpu.memory_space<vmem>> -> memref<3136xf32, #tpu.memory_space<vmem>>
      %dma_wait3A_65 = tpu.memref_slice %arg3[%add3A_20] : memref<301056xf32, #tpu.memory_space<hbm>> -> memref<3136xf32, #tpu.memory_space<hbm>>
      %dma_wait3A_66 = arith.constant 3136 : i32
      %dma_wait3A_67 = tpu.memref_slice %arg6[%dma_wait3A_66] : memref<9408xf32, #tpu.memory_space<vmem>> -> memref<3136xf32, #tpu.memory_space<vmem>>
      %dma_wait3A_68 = tpu.memref_slice %arg3[%add3A_20] : memref<301056xf32, #tpu.memory_space<hbm>> -> memref<3136xf32, #tpu.memory_space<hbm>>
      tpu.wait_dma2 semaphore(%run_scoped3A : memref<!tpu.dma_semaphore, #tpu.memory_space<semaphore_mem>>) src(%dma_wait3A_68 : memref<3136xf32, #tpu.memory_space<hbm>>) dst(%dma_wait3A_67 : memref<3136xf32, #tpu.memory_space<vmem>>)
      tpu.yield
    }) : () -> ()
    %mul3A_21 = arith.constant 3 : i32
    %mul3A_22 = arith.muli %arg0, %mul3A_21 : i32
    %add3A_23 = arith.constant 2 : i32
    %add3A_24 = arith.addi %mul3A_22, %add3A_23 : i32
    %mul3A_25 = arith.constant 50176 : i32
    %mul3A_26 = arith.muli %add3A_24, %mul3A_25 : i32
    %mul3A_27 = arith.constant 3136 : i32
    %mul3A_28 = arith.muli %arg1, %mul3A_27 : i32
    %add3A_29 = arith.addi %mul3A_26, %mul3A_28 : i32
    "tpu.region"() ({
      %run_scoped3A = tpu.sem_alloc : memref<!tpu.dma_semaphore, #tpu.memory_space<semaphore_mem>>
      %dma_start3A = arith.constant 6272 : i32
      %dma_start3A_59 = tpu.memref_slice %arg6[%dma_start3A] : memref<9408xf32, #tpu.memory_space<vmem>> -> memref<3136xf32, #tpu.memory_space<vmem>>
      %dma_start3A_60 = tpu.memref_slice %arg3[%add3A_29] : memref<301056xf32, #tpu.memory_space<hbm>> -> memref<3136xf32, #tpu.memory_space<hbm>>
      %dma_start3A_61 = arith.constant 6272 : i32
      %dma_start3A_62 = tpu.memref_slice %arg6[%dma_start3A_61] : memref<9408xf32, #tpu.memory_space<vmem>> -> memref<3136xf32, #tpu.memory_space<vmem>>
      %dma_start3A_63 = tpu.memref_slice %arg3[%add3A_29] : memref<301056xf32, #tpu.memory_space<hbm>> -> memref<3136xf32, #tpu.memory_space<hbm>>
      tpu.enqueue_dma source(%dma_start3A_63 : memref<3136xf32, #tpu.memory_space<hbm>>) target(%dma_start3A_62 : memref<3136xf32, #tpu.memory_space<vmem>>) target_semaphore(%run_scoped3A : memref<!tpu.dma_semaphore, #tpu.memory_space<semaphore_mem>>)
      %dma_wait3A = arith.constant 6272 : i32
      %dma_wait3A_64 = tpu.memref_slice %arg6[%dma_wait3A] : memref<9408xf32, #tpu.memory_space<vmem>> -> memref<3136xf32, #tpu.memory_space<vmem>>
      %dma_wait3A_65 = tpu.memref_slice %arg3[%add3A_29] : memref<301056xf32, #tpu.memory_space<hbm>> -> memref<3136xf32, #tpu.memory_space<hbm>>
      %dma_wait3A_66 = arith.constant 6272 : i32
      %dma_wait3A_67 = tpu.memref_slice %arg6[%dma_wait3A_66] : memref<9408xf32, #tpu.memory_space<vmem>> -> memref<3136xf32, #tpu.memory_space<vmem>>
      %dma_wait3A_68 = tpu.memref_slice %arg3[%add3A_29] : memref<301056xf32, #tpu.memory_space<hbm>> -> memref<3136xf32, #tpu.memory_space<hbm>>
      tpu.wait_dma2 semaphore(%run_scoped3A : memref<!tpu.dma_semaphore, #tpu.memory_space<semaphore_mem>>) src(%dma_wait3A_68 : memref<3136xf32, #tpu.memory_space<hbm>>) dst(%dma_wait3A_67 : memref<3136xf32, #tpu.memory_space<vmem>>)
      tpu.yield
    }) : () -> ()
    %broadcast_in_dim3A = arith.constant 0.000000e+00 : f32
    %broadcast_in_dim3A_30 = vector.broadcast %broadcast_in_dim3A : f32 to vector<16xf32>
    %iota3A = tpu.iota {dimensions = array<i32: 0>} : vector<16xi32>
    %mul3A_31 = arith.constant 272 : i32
    %mul3A_32 = vector.broadcast %mul3A_31 : i32 to vector<16xi32>
    %mul3A_33 = arith.muli %iota3A, %mul3A_32 : vector<16xi32>
    %broadcast_in_dim3A_34 = arith.constant 1.000000e+00 : f32
    %broadcast_in_dim3A_35 = vector.broadcast %broadcast_in_dim3A_34 : f32 to vector<16xf32>
    %scan3A = arith.constant 0 : i32
    %scan3A_36 = arith.constant 0 : i32
    %scan3A_37 = arith.constant 272 : i32
    %scan3A_38 = arith.addi %scan3A_36, %scan3A_37 : i32
    %scan3A_39 = arith.constant 1 : i32
    scf.for %scan3A_59 = %scan3A_36 to %scan3A_38 step %scan3A_39  : i32 {
      %mul3A_60 = arith.constant 16 : i32
      %mul3A_61 = arith.muli %scan3A_59, %mul3A_60 : i32
      %swap3A = arith.index_cast %mul3A_61 : i32 to index
      %swap3A_62 = tpu.vector_load %arg7[%swap3A] {strides = array<i32>} : memref<4352xf32, #tpu.memory_space<vmem>>, vector<16xf32>,
      tpu.vector_store %arg7[%swap3A], %broadcast_in_dim3A_30 {strides = array<i32>} : memref<4352xf32, #tpu.memory_space<vmem>>, vector<16xf32>,
      %swap3A_63 = arith.index_cast %mul3A_61 : i32 to index
      %swap3A_64 = tpu.vector_load %arg8[%swap3A_63] {strides = array<i32>} : memref<4352xf32, #tpu.memory_space<vmem>>, vector<16xf32>,
      tpu.vector_store %arg8[%swap3A_63], %broadcast_in_dim3A_30 {strides = array<i32>} : memref<4352xf32, #tpu.memory_space<vmem>>, vector<16xf32>,
      %swap3A_65 = arith.index_cast %mul3A_61 : i32 to index
      %swap3A_66 = tpu.vector_load %arg9[%swap3A_65] {strides = array<i32>} : memref<4352xf32, #tpu.memory_space<vmem>>, vector<16xf32>,
      tpu.vector_store %arg9[%swap3A_65], %broadcast_in_dim3A_30 {strides = array<i32>} : memref<4352xf32, #tpu.memory_space<vmem>>, vector<16xf32>,
      %swap3A_67 = arith.index_cast %mul3A_61 : i32 to index
      %swap3A_68 = tpu.vector_load %arg10[%swap3A_67] {strides = array<i32>} : memref<4352xf32, #tpu.memory_space<vmem>>, vector<16xf32>,
      tpu.vector_store %arg10[%swap3A_67], %broadcast_in_dim3A_30 {strides = array<i32>} : memref<4352xf32, #tpu.memory_space<vmem>>, vector<16xf32>,
    }
    %scan3A_40 = arith.constant 272 : i32
    %scan3A_41 = arith.constant 0 : i32
    %scan3A_42 = arith.constant 0 : i32
    %scan3A_43 = arith.constant 98 : i32
    %scan3A_44 = arith.addi %scan3A_42, %scan3A_43 : i32
    %scan3A_45 = arith.constant 1 : i32
    scf.for %scan3A_59 = %scan3A_42 to %scan3A_44 step %scan3A_45  : i32 {
      %mul3A_60 = arith.constant 2 : i32
      %mul3A_61 = arith.muli %scan3A_59, %mul3A_60 : i32
      %add3A_62 = arith.constant 0 : i32
      %add3A_63 = arith.addi %mul3A_61, %add3A_62 : i32
      %mul3A_64 = arith.constant 16 : i32
      %mul3A_65 = arith.muli %add3A_63, %mul3A_64 : i32
      %get3A = arith.index_cast %mul3A_65 : i32 to index
      %get3A_66 = tpu.vector_load %arg5[%get3A] {strides = array<i32>} : memref<3136xi32, #tpu.memory_space<vmem>>, vector<16xi32>,
      %add3A_67 = arith.addi %get3A_66, %mul3A_33 : vector<16xi32>
      tpu.vector_store_idx %arg7[%add3A_67], %broadcast_in_dim3A_35 {add = true} : memref<4352xf32, #tpu.memory_space<vmem>>[vector<16xi32>], vector<16xf32>,
      %mul3A_68 = arith.constant 16 : i32
      %mul3A_69 = arith.muli %add3A_63, %mul3A_68 : i32
      %get3A_70 = arith.index_cast %mul3A_69 : i32 to index
      %get3A_71 = tpu.vector_load %arg6[%get3A_70] {strides = array<i32>} : memref<9408xf32, #tpu.memory_space<vmem>>, vector<16xf32>,
      tpu.vector_store_idx %arg8[%add3A_67], %get3A_71 {add = true} : memref<4352xf32, #tpu.memory_space<vmem>>[vector<16xi32>], vector<16xf32>,
      %mul3A_72 = arith.constant 16 : i32
      %mul3A_73 = arith.muli %add3A_63, %mul3A_72 : i32
      %add3A_74 = arith.constant 3136 : i32
      %add3A_75 = arith.addi %add3A_74, %mul3A_73 : i32
      %get3A_76 = arith.index_cast %add3A_75 : i32 to index
      %get3A_77 = tpu.vector_load %arg6[%get3A_76] {strides = array<i32>} : memref<9408xf32, #tpu.memory_space<vmem>>, vector<16xf32>,
      tpu.vector_store_idx %arg9[%add3A_67], %get3A_77 {add = true} : memref<4352xf32, #tpu.memory_space<vmem>>[vector<16xi32>], vector<16xf32>,
      %mul3A_78 = arith.constant 16 : i32
      %mul3A_79 = arith.muli %add3A_63, %mul3A_78 : i32
      %add3A_80 = arith.constant 6272 : i32
      %add3A_81 = arith.addi %add3A_80, %mul3A_79 : i32
      %get3A_82 = arith.index_cast %add3A_81 : i32 to index
      %get3A_83 = tpu.vector_load %arg6[%get3A_82] {strides = array<i32>} : memref<9408xf32, #tpu.memory_space<vmem>>, vector<16xf32>,
      tpu.vector_store_idx %arg10[%add3A_67], %get3A_83 {add = true} : memref<4352xf32, #tpu.memory_space<vmem>>[vector<16xi32>], vector<16xf32>,
      %mul3A_84 = arith.constant 2 : i32
      %mul3A_85 = arith.muli %scan3A_59, %mul3A_84 : i32
      %add3A_86 = arith.constant 1 : i32
      %add3A_87 = arith.addi %mul3A_85, %add3A_86 : i32
      %mul3A_88 = arith.constant 16 : i32
      %mul3A_89 = arith.muli %add3A_87, %mul3A_88 : i32
      %get3A_90 = arith.index_cast %mul3A_89 : i32 to index
      %get3A_91 = tpu.vector_load %arg5[%get3A_90] {strides = array<i32>} : memref<3136xi32, #tpu.memory_space<vmem>>, vector<16xi32>,
      %add3A_92 = arith.addi %get3A_91, %mul3A_33 : vector<16xi32>
      tpu.vector_store_idx %arg7[%add3A_92], %broadcast_in_dim3A_35 {add = true} : memref<4352xf32, #tpu.memory_space<vmem>>[vector<16xi32>], vector<16xf32>,
      %mul3A_93 = arith.constant 16 : i32
      %mul3A_94 = arith.muli %add3A_87, %mul3A_93 : i32
      %get3A_95 = arith.index_cast %mul3A_94 : i32 to index
      %get3A_96 = tpu.vector_load %arg6[%get3A_95] {strides = array<i32>} : memref<9408xf32, #tpu.memory_space<vmem>>, vector<16xf32>,
      tpu.vector_store_idx %arg8[%add3A_92], %get3A_96 {add = true} : memref<4352xf32, #tpu.memory_space<vmem>>[vector<16xi32>], vector<16xf32>,
      %mul3A_97 = arith.constant 16 : i32
      %mul3A_98 = arith.muli %add3A_87, %mul3A_97 : i32
      %add3A_99 = arith.constant 3136 : i32
      %add3A_100 = arith.addi %add3A_99, %mul3A_98 : i32
      %get3A_101 = arith.index_cast %add3A_100 : i32 to index
      %get3A_102 = tpu.vector_load %arg6[%get3A_101] {strides = array<i32>} : memref<9408xf32, #tpu.memory_space<vmem>>, vector<16xf32>,
      tpu.vector_store_idx %arg9[%add3A_92], %get3A_102 {add = true} : memref<4352xf32, #tpu.memory_space<vmem>>[vector<16xi32>], vector<16xf32>,
      %mul3A_103 = arith.constant 16 : i32
      %mul3A_104 = arith.muli %add3A_87, %mul3A_103 : i32
      %add3A_105 = arith.constant 6272 : i32
      %add3A_106 = arith.addi %add3A_105, %mul3A_104 : i32
      %get3A_107 = arith.index_cast %add3A_106 : i32 to index
      %get3A_108 = tpu.vector_load %arg6[%get3A_107] {strides = array<i32>} : memref<9408xf32, #tpu.memory_space<vmem>>, vector<16xf32>,
      tpu.vector_store_idx %arg10[%add3A_92], %get3A_108 {add = true} : memref<4352xf32, #tpu.memory_space<vmem>>[vector<16xi32>], vector<16xf32>,
    }
    %scan3A_46 = arith.constant 98 : i32
    %scan3A_47 = arith.constant 0 : i32
    %scan3A_48 = arith.constant 0 : i32
    %scan3A_49 = arith.constant 17 : i32
    %scan3A_50 = arith.addi %scan3A_48, %scan3A_49 : i32
    %scan3A_51 = arith.constant 1 : i32
    scf.for %scan3A_59 = %scan3A_48 to %scan3A_50 step %scan3A_51  : i32 {
      %mul3A_60 = arith.constant 16 : i32
      %mul3A_61 = arith.muli %scan3A_59, %mul3A_60 : i32
      %get3A = arith.index_cast %mul3A_61 : i32 to index
      %get3A_62 = tpu.vector_load %arg7[%get3A] {strides = array<i32>} : memref<4352xf32, #tpu.memory_space<vmem>>, vector<16xf32>,
      %mul3A_63 = arith.constant 16 : i32
      %mul3A_64 = arith.muli %scan3A_59, %mul3A_63 : i32
      %add3A_65 = arith.constant 272 : i32
      %add3A_66 = arith.addi %add3A_65, %mul3A_64 : i32
      %get3A_67 = arith.index_cast %add3A_66 : i32 to index
      %get3A_68 = tpu.vector_load %arg7[%get3A_67] {strides = array<i32>} : memref<4352xf32, #tpu.memory_space<vmem>>, vector<16xf32>,
      %add3A_69 = arith.addf %get3A_62, %get3A_68 : vector<16xf32>
      %mul3A_70 = arith.constant 16 : i32
      %mul3A_71 = arith.muli %scan3A_59, %mul3A_70 : i32
      %add3A_72 = arith.constant 544 : i32
      %add3A_73 = arith.addi %add3A_72, %mul3A_71 : i32
      %get3A_74 = arith.index_cast %add3A_73 : i32 to index
      %get3A_75 = tpu.vector_load %arg7[%get3A_74] {strides = array<i32>} : memref<4352xf32, #tpu.memory_space<vmem>>, vector<16xf32>,
      %add3A_76 = arith.addf %add3A_69, %get3A_75 : vector<16xf32>
      %mul3A_77 = arith.constant 16 : i32
      %mul3A_78 = arith.muli %scan3A_59, %mul3A_77 : i32
      %add3A_79 = arith.constant 816 : i32
      %add3A_80 = arith.addi %add3A_79, %mul3A_78 : i32
      %get3A_81 = arith.index_cast %add3A_80 : i32 to index
      %get3A_82 = tpu.vector_load %arg7[%get3A_81] {strides = array<i32>} : memref<4352xf32, #tpu.memory_space<vmem>>, vector<16xf32>,
      %add3A_83 = arith.addf %add3A_76, %get3A_82 : vector<16xf32>
      %mul3A_84 = arith.constant 16 : i32
      %mul3A_85 = arith.muli %scan3A_59, %mul3A_84 : i32
      %add3A_86 = arith.constant 1088 : i32
      %add3A_87 = arith.addi %add3A_86, %mul3A_85 : i32
      %get3A_88 = arith.index_cast %add3A_87 : i32 to index
      %get3A_89 = tpu.vector_load %arg7[%get3A_88] {strides = array<i32>} : memref<4352xf32, #tpu.memory_space<vmem>>, vector<16xf32>,
      %add3A_90 = arith.addf %add3A_83, %get3A_89 : vector<16xf32>
      %mul3A_91 = arith.constant 16 : i32
      %mul3A_92 = arith.muli %scan3A_59, %mul3A_91 : i32
      %add3A_93 = arith.constant 1360 : i32
      %add3A_94 = arith.addi %add3A_93, %mul3A_92 : i32
      %get3A_95 = arith.index_cast %add3A_94 : i32 to index
      %get3A_96 = tpu.vector_load %arg7[%get3A_95] {strides = array<i32>} : memref<4352xf32, #tpu.memory_space<vmem>>, vector<16xf32>,
      %add3A_97 = arith.addf %add3A_90, %get3A_96 : vector<16xf32>
      %mul3A_98 = arith.constant 16 : i32
      %mul3A_99 = arith.muli %scan3A_59, %mul3A_98 : i32
      %add3A_100 = arith.constant 1632 : i32
      %add3A_101 = arith.addi %add3A_100, %mul3A_99 : i32
      %get3A_102 = arith.index_cast %add3A_101 : i32 to index
      %get3A_103 = tpu.vector_load %arg7[%get3A_102] {strides = array<i32>} : memref<4352xf32, #tpu.memory_space<vmem>>, vector<16xf32>,
      %add3A_104 = arith.addf %add3A_97, %get3A_103 : vector<16xf32>
      %mul3A_105 = arith.constant 16 : i32
      %mul3A_106 = arith.muli %scan3A_59, %mul3A_105 : i32
      %add3A_107 = arith.constant 1904 : i32
      %add3A_108 = arith.addi %add3A_107, %mul3A_106 : i32
      %get3A_109 = arith.index_cast %add3A_108 : i32 to index
      %get3A_110 = tpu.vector_load %arg7[%get3A_109] {strides = array<i32>} : memref<4352xf32, #tpu.memory_space<vmem>>, vector<16xf32>,
      %add3A_111 = arith.addf %add3A_104, %get3A_110 : vector<16xf32>
      %mul3A_112 = arith.constant 16 : i32
      %mul3A_113 = arith.muli %scan3A_59, %mul3A_112 : i32
      %add3A_114 = arith.constant 2176 : i32
      %add3A_115 = arith.addi %add3A_114, %mul3A_113 : i32
      %get3A_116 = arith.index_cast %add3A_115 : i32 to index
      %get3A_117 = tpu.vector_load %arg7[%get3A_116] {strides = array<i32>} : memref<4352xf32, #tpu.memory_space<vmem>>, vector<16xf32>,
      %add3A_118 = arith.addf %add3A_111, %get3A_117 : vector<16xf32>
      %mul3A_119 = arith.constant 16 : i32
      %mul3A_120 = arith.muli %scan3A_59, %mul3A_119 : i32
      %add3A_121 = arith.constant 2448 : i32
      %add3A_122 = arith.addi %add3A_121, %mul3A_120 : i32
      %get3A_123 = arith.index_cast %add3A_122 : i32 to index
      %get3A_124 = tpu.vector_load %arg7[%get3A_123] {strides = array<i32>} : memref<4352xf32, #tpu.memory_space<vmem>>, vector<16xf32>,
      %add3A_125 = arith.addf %add3A_118, %get3A_124 : vector<16xf32>
      %mul3A_126 = arith.constant 16 : i32
      %mul3A_127 = arith.muli %scan3A_59, %mul3A_126 : i32
      %add3A_128 = arith.constant 2720 : i32
      %add3A_129 = arith.addi %add3A_128, %mul3A_127 : i32
      %get3A_130 = arith.index_cast %add3A_129 : i32 to index
      %get3A_131 = tpu.vector_load %arg7[%get3A_130] {strides = array<i32>} : memref<4352xf32, #tpu.memory_space<vmem>>, vector<16xf32>,
      %add3A_132 = arith.addf %add3A_125, %get3A_131 : vector<16xf32>
      %mul3A_133 = arith.constant 16 : i32
      %mul3A_134 = arith.muli %scan3A_59, %mul3A_133 : i32
      %add3A_135 = arith.constant 2992 : i32
      %add3A_136 = arith.addi %add3A_135, %mul3A_134 : i32
      %get3A_137 = arith.index_cast %add3A_136 : i32 to index
      %get3A_138 = tpu.vector_load %arg7[%get3A_137] {strides = array<i32>} : memref<4352xf32, #tpu.memory_space<vmem>>, vector<16xf32>,
      %add3A_139 = arith.addf %add3A_132, %get3A_138 : vector<16xf32>
      %mul3A_140 = arith.constant 16 : i32
      %mul3A_141 = arith.muli %scan3A_59, %mul3A_140 : i32
      %add3A_142 = arith.constant 3264 : i32
      %add3A_143 = arith.addi %add3A_142, %mul3A_141 : i32
      %get3A_144 = arith.index_cast %add3A_143 : i32 to index
      %get3A_145 = tpu.vector_load %arg7[%get3A_144] {strides = array<i32>} : memref<4352xf32, #tpu.memory_space<vmem>>, vector<16xf32>,
      %add3A_146 = arith.addf %add3A_139, %get3A_145 : vector<16xf32>
      %mul3A_147 = arith.constant 16 : i32
      %mul3A_148 = arith.muli %scan3A_59, %mul3A_147 : i32
      %add3A_149 = arith.constant 3536 : i32
      %add3A_150 = arith.addi %add3A_149, %mul3A_148 : i32
      %get3A_151 = arith.index_cast %add3A_150 : i32 to index
      %get3A_152 = tpu.vector_load %arg7[%get3A_151] {strides = array<i32>} : memref<4352xf32, #tpu.memory_space<vmem>>, vector<16xf32>,
      %add3A_153 = arith.addf %add3A_146, %get3A_152 : vector<16xf32>
      %mul3A_154 = arith.constant 16 : i32
      %mul3A_155 = arith.muli %scan3A_59, %mul3A_154 : i32
      %add3A_156 = arith.constant 3808 : i32
      %add3A_157 = arith.addi %add3A_156, %mul3A_155 : i32
      %get3A_158 = arith.index_cast %add3A_157 : i32 to index
      %get3A_159 = tpu.vector_load %arg7[%get3A_158] {strides = array<i32>} : memref<4352xf32, #tpu.memory_space<vmem>>, vector<16xf32>,
      %add3A_160 = arith.addf %add3A_153, %get3A_159 : vector<16xf32>
      %mul3A_161 = arith.constant 16 : i32
      %mul3A_162 = arith.muli %scan3A_59, %mul3A_161 : i32
      %add3A_163 = arith.constant 4080 : i32
      %add3A_164 = arith.addi %add3A_163, %mul3A_162 : i32
      %get3A_165 = arith.index_cast %add3A_164 : i32 to index
      %get3A_166 = tpu.vector_load %arg7[%get3A_165] {strides = array<i32>} : memref<4352xf32, #tpu.memory_space<vmem>>, vector<16xf32>,
      %add3A_167 = arith.addf %add3A_160, %get3A_166 : vector<16xf32>
      %mul3A_168 = arith.constant 16 : i32
      %mul3A_169 = arith.muli %scan3A_59, %mul3A_168 : i32
      %add3A_170 = arith.constant 0 : i32
      %add3A_171 = arith.addi %add3A_170, %mul3A_169 : i32
      %swap3A = arith.index_cast %add3A_171 : i32 to index
      %swap3A_172 = tpu.vector_load %arg11[%swap3A] {strides = array<i32>} : memref<1088xf32, #tpu.memory_space<vmem>>, vector<16xf32>,
      tpu.vector_store %arg11[%swap3A], %add3A_167 {strides = array<i32>} : memref<1088xf32, #tpu.memory_space<vmem>>, vector<16xf32>,
      %mul3A_173 = arith.constant 16 : i32
      %mul3A_174 = arith.muli %scan3A_59, %mul3A_173 : i32
      %get3A_175 = arith.index_cast %mul3A_174 : i32 to index
      %get3A_176 = tpu.vector_load %arg8[%get3A_175] {strides = array<i32>} : memref<4352xf32, #tpu.memory_space<vmem>>, vector<16xf32>,
      %mul3A_177 = arith.constant 16 : i32
      %mul3A_178 = arith.muli %scan3A_59, %mul3A_177 : i32
      %add3A_179 = arith.constant 272 : i32
      %add3A_180 = arith.addi %add3A_179, %mul3A_178 : i32
      %get3A_181 = arith.index_cast %add3A_180 : i32 to index
      %get3A_182 = tpu.vector_load %arg8[%get3A_181] {strides = array<i32>} : memref<4352xf32, #tpu.memory_space<vmem>>, vector<16xf32>,
      %add3A_183 = arith.addf %get3A_176, %get3A_182 : vector<16xf32>
      %mul3A_184 = arith.constant 16 : i32
      %mul3A_185 = arith.muli %scan3A_59, %mul3A_184 : i32
      %add3A_186 = arith.constant 544 : i32
      %add3A_187 = arith.addi %add3A_186, %mul3A_185 : i32
      %get3A_188 = arith.index_cast %add3A_187 : i32 to index
      %get3A_189 = tpu.vector_load %arg8[%get3A_188] {strides = array<i32>} : memref<4352xf32, #tpu.memory_space<vmem>>, vector<16xf32>,
      %add3A_190 = arith.addf %add3A_183, %get3A_189 : vector<16xf32>
      %mul3A_191 = arith.constant 16 : i32
      %mul3A_192 = arith.muli %scan3A_59, %mul3A_191 : i32
      %add3A_193 = arith.constant 816 : i32
      %add3A_194 = arith.addi %add3A_193, %mul3A_192 : i32
      %get3A_195 = arith.index_cast %add3A_194 : i32 to index
      %get3A_196 = tpu.vector_load %arg8[%get3A_195] {strides = array<i32>} : memref<4352xf32, #tpu.memory_space<vmem>>, vector<16xf32>,
      %add3A_197 = arith.addf %add3A_190, %get3A_196 : vector<16xf32>
      %mul3A_198 = arith.constant 16 : i32
      %mul3A_199 = arith.muli %scan3A_59, %mul3A_198 : i32
      %add3A_200 = arith.constant 1088 : i32
      %add3A_201 = arith.addi %add3A_200, %mul3A_199 : i32
      %get3A_202 = arith.index_cast %add3A_201 : i32 to index
      %get3A_203 = tpu.vector_load %arg8[%get3A_202] {strides = array<i32>} : memref<4352xf32, #tpu.memory_space<vmem>>, vector<16xf32>,
      %add3A_204 = arith.addf %add3A_197, %get3A_203 : vector<16xf32>
      %mul3A_205 = arith.constant 16 : i32
      %mul3A_206 = arith.muli %scan3A_59, %mul3A_205 : i32
      %add3A_207 = arith.constant 1360 : i32
      %add3A_208 = arith.addi %add3A_207, %mul3A_206 : i32
      %get3A_209 = arith.index_cast %add3A_208 : i32 to index
      %get3A_210 = tpu.vector_load %arg8[%get3A_209] {strides = array<i32>} : memref<4352xf32, #tpu.memory_space<vmem>>, vector<16xf32>,
      %add3A_211 = arith.addf %add3A_204, %get3A_210 : vector<16xf32>
      %mul3A_212 = arith.constant 16 : i32
      %mul3A_213 = arith.muli %scan3A_59, %mul3A_212 : i32
      %add3A_214 = arith.constant 1632 : i32
      %add3A_215 = arith.addi %add3A_214, %mul3A_213 : i32
      %get3A_216 = arith.index_cast %add3A_215 : i32 to index
      %get3A_217 = tpu.vector_load %arg8[%get3A_216] {strides = array<i32>} : memref<4352xf32, #tpu.memory_space<vmem>>, vector<16xf32>,
      %add3A_218 = arith.addf %add3A_211, %get3A_217 : vector<16xf32>
      %mul3A_219 = arith.constant 16 : i32
      %mul3A_220 = arith.muli %scan3A_59, %mul3A_219 : i32
      %add3A_221 = arith.constant 1904 : i32
      %add3A_222 = arith.addi %add3A_221, %mul3A_220 : i32
      %get3A_223 = arith.index_cast %add3A_222 : i32 to index
      %get3A_224 = tpu.vector_load %arg8[%get3A_223] {strides = array<i32>} : memref<4352xf32, #tpu.memory_space<vmem>>, vector<16xf32>,
      %add3A_225 = arith.addf %add3A_218, %get3A_224 : vector<16xf32>
      %mul3A_226 = arith.constant 16 : i32
      %mul3A_227 = arith.muli %scan3A_59, %mul3A_226 : i32
      %add3A_228 = arith.constant 2176 : i32
      %add3A_229 = arith.addi %add3A_228, %mul3A_227 : i32
      %get3A_230 = arith.index_cast %add3A_229 : i32 to index
      %get3A_231 = tpu.vector_load %arg8[%get3A_230] {strides = array<i32>} : memref<4352xf32, #tpu.memory_space<vmem>>, vector<16xf32>,
      %add3A_232 = arith.addf %add3A_225, %get3A_231 : vector<16xf32>
      %mul3A_233 = arith.constant 16 : i32
      %mul3A_234 = arith.muli %scan3A_59, %mul3A_233 : i32
      %add3A_235 = arith.constant 2448 : i32
      %add3A_236 = arith.addi %add3A_235, %mul3A_234 : i32
      %get3A_237 = arith.index_cast %add3A_236 : i32 to index
      %get3A_238 = tpu.vector_load %arg8[%get3A_237] {strides = array<i32>} : memref<4352xf32, #tpu.memory_space<vmem>>, vector<16xf32>,
      %add3A_239 = arith.addf %add3A_232, %get3A_238 : vector<16xf32>
      %mul3A_240 = arith.constant 16 : i32
      %mul3A_241 = arith.muli %scan3A_59, %mul3A_240 : i32
      %add3A_242 = arith.constant 2720 : i32
      %add3A_243 = arith.addi %add3A_242, %mul3A_241 : i32
      %get3A_244 = arith.index_cast %add3A_243 : i32 to index
      %get3A_245 = tpu.vector_load %arg8[%get3A_244] {strides = array<i32>} : memref<4352xf32, #tpu.memory_space<vmem>>, vector<16xf32>,
      %add3A_246 = arith.addf %add3A_239, %get3A_245 : vector<16xf32>
      %mul3A_247 = arith.constant 16 : i32
      %mul3A_248 = arith.muli %scan3A_59, %mul3A_247 : i32
      %add3A_249 = arith.constant 2992 : i32
      %add3A_250 = arith.addi %add3A_249, %mul3A_248 : i32
      %get3A_251 = arith.index_cast %add3A_250 : i32 to index
      %get3A_252 = tpu.vector_load %arg8[%get3A_251] {strides = array<i32>} : memref<4352xf32, #tpu.memory_space<vmem>>, vector<16xf32>,
      %add3A_253 = arith.addf %add3A_246, %get3A_252 : vector<16xf32>
      %mul3A_254 = arith.constant 16 : i32
      %mul3A_255 = arith.muli %scan3A_59, %mul3A_254 : i32
      %add3A_256 = arith.constant 3264 : i32
      %add3A_257 = arith.addi %add3A_256, %mul3A_255 : i32
      %get3A_258 = arith.index_cast %add3A_257 : i32 to index
      %get3A_259 = tpu.vector_load %arg8[%get3A_258] {strides = array<i32>} : memref<4352xf32, #tpu.memory_space<vmem>>, vector<16xf32>,
      %add3A_260 = arith.addf %add3A_253, %get3A_259 : vector<16xf32>
      %mul3A_261 = arith.constant 16 : i32
      %mul3A_262 = arith.muli %scan3A_59, %mul3A_261 : i32
      %add3A_263 = arith.constant 3536 : i32
      %add3A_264 = arith.addi %add3A_263, %mul3A_262 : i32
      %get3A_265 = arith.index_cast %add3A_264 : i32 to index
      %get3A_266 = tpu.vector_load %arg8[%get3A_265] {strides = array<i32>} : memref<4352xf32, #tpu.memory_space<vmem>>, vector<16xf32>,
      %add3A_267 = arith.addf %add3A_260, %get3A_266 : vector<16xf32>
      %mul3A_268 = arith.constant 16 : i32
      %mul3A_269 = arith.muli %scan3A_59, %mul3A_268 : i32
      %add3A_270 = arith.constant 3808 : i32
      %add3A_271 = arith.addi %add3A_270, %mul3A_269 : i32
      %get3A_272 = arith.index_cast %add3A_271 : i32 to index
      %get3A_273 = tpu.vector_load %arg8[%get3A_272] {strides = array<i32>} : memref<4352xf32, #tpu.memory_space<vmem>>, vector<16xf32>,
      %add3A_274 = arith.addf %add3A_267, %get3A_273 : vector<16xf32>
      %mul3A_275 = arith.constant 16 : i32
      %mul3A_276 = arith.muli %scan3A_59, %mul3A_275 : i32
      %add3A_277 = arith.constant 4080 : i32
      %add3A_278 = arith.addi %add3A_277, %mul3A_276 : i32
      %get3A_279 = arith.index_cast %add3A_278 : i32 to index
      %get3A_280 = tpu.vector_load %arg8[%get3A_279] {strides = array<i32>} : memref<4352xf32, #tpu.memory_space<vmem>>, vector<16xf32>,
      %add3A_281 = arith.addf %add3A_274, %get3A_280 : vector<16xf32>
      %mul3A_282 = arith.constant 16 : i32
      %mul3A_283 = arith.muli %scan3A_59, %mul3A_282 : i32
      %add3A_284 = arith.constant 272 : i32
      %add3A_285 = arith.addi %add3A_284, %mul3A_283 : i32
      %swap3A_286 = arith.index_cast %add3A_285 : i32 to index
      %swap3A_287 = tpu.vector_load %arg11[%swap3A_286] {strides = array<i32>} : memref<1088xf32, #tpu.memory_space<vmem>>, vector<16xf32>,
      tpu.vector_store %arg11[%swap3A_286], %add3A_281 {strides = array<i32>} : memref<1088xf32, #tpu.memory_space<vmem>>, vector<16xf32>,
      %mul3A_288 = arith.constant 16 : i32
      %mul3A_289 = arith.muli %scan3A_59, %mul3A_288 : i32
      %get3A_290 = arith.index_cast %mul3A_289 : i32 to index
      %get3A_291 = tpu.vector_load %arg9[%get3A_290] {strides = array<i32>} : memref<4352xf32, #tpu.memory_space<vmem>>, vector<16xf32>,
      %mul3A_292 = arith.constant 16 : i32
      %mul3A_293 = arith.muli %scan3A_59, %mul3A_292 : i32
      %add3A_294 = arith.constant 272 : i32
      %add3A_295 = arith.addi %add3A_294, %mul3A_293 : i32
      %get3A_296 = arith.index_cast %add3A_295 : i32 to index
      %get3A_297 = tpu.vector_load %arg9[%get3A_296] {strides = array<i32>} : memref<4352xf32, #tpu.memory_space<vmem>>, vector<16xf32>,
      %add3A_298 = arith.addf %get3A_291, %get3A_297 : vector<16xf32>
      %mul3A_299 = arith.constant 16 : i32
      %mul3A_300 = arith.muli %scan3A_59, %mul3A_299 : i32
      %add3A_301 = arith.constant 544 : i32
      %add3A_302 = arith.addi %add3A_301, %mul3A_300 : i32
      %get3A_303 = arith.index_cast %add3A_302 : i32 to index
      %get3A_304 = tpu.vector_load %arg9[%get3A_303] {strides = array<i32>} : memref<4352xf32, #tpu.memory_space<vmem>>, vector<16xf32>,
      %add3A_305 = arith.addf %add3A_298, %get3A_304 : vector<16xf32>
      %mul3A_306 = arith.constant 16 : i32
      %mul3A_307 = arith.muli %scan3A_59, %mul3A_306 : i32
      %add3A_308 = arith.constant 816 : i32
      %add3A_309 = arith.addi %add3A_308, %mul3A_307 : i32
      %get3A_310 = arith.index_cast %add3A_309 : i32 to index
      %get3A_311 = tpu.vector_load %arg9[%get3A_310] {strides = array<i32>} : memref<4352xf32, #tpu.memory_space<vmem>>, vector<16xf32>,
      %add3A_312 = arith.addf %add3A_305, %get3A_311 : vector<16xf32>
      %mul3A_313 = arith.constant 16 : i32
      %mul3A_314 = arith.muli %scan3A_59, %mul3A_313 : i32
      %add3A_315 = arith.constant 1088 : i32
      %add3A_316 = arith.addi %add3A_315, %mul3A_314 : i32
      %get3A_317 = arith.index_cast %add3A_316 : i32 to index
      %get3A_318 = tpu.vector_load %arg9[%get3A_317] {strides = array<i32>} : memref<4352xf32, #tpu.memory_space<vmem>>, vector<16xf32>,
      %add3A_319 = arith.addf %add3A_312, %get3A_318 : vector<16xf32>
      %mul3A_320 = arith.constant 16 : i32
      %mul3A_321 = arith.muli %scan3A_59, %mul3A_320 : i32
      %add3A_322 = arith.constant 1360 : i32
      %add3A_323 = arith.addi %add3A_322, %mul3A_321 : i32
      %get3A_324 = arith.index_cast %add3A_323 : i32 to index
      %get3A_325 = tpu.vector_load %arg9[%get3A_324] {strides = array<i32>} : memref<4352xf32, #tpu.memory_space<vmem>>, vector<16xf32>,
      %add3A_326 = arith.addf %add3A_319, %get3A_325 : vector<16xf32>
      %mul3A_327 = arith.constant 16 : i32
      %mul3A_328 = arith.muli %scan3A_59, %mul3A_327 : i32
      %add3A_329 = arith.constant 1632 : i32
      %add3A_330 = arith.addi %add3A_329, %mul3A_328 : i32
      %get3A_331 = arith.index_cast %add3A_330 : i32 to index
      %get3A_332 = tpu.vector_load %arg9[%get3A_331] {strides = array<i32>} : memref<4352xf32, #tpu.memory_space<vmem>>, vector<16xf32>,
      %add3A_333 = arith.addf %add3A_326, %get3A_332 : vector<16xf32>
      %mul3A_334 = arith.constant 16 : i32
      %mul3A_335 = arith.muli %scan3A_59, %mul3A_334 : i32
      %add3A_336 = arith.constant 1904 : i32
      %add3A_337 = arith.addi %add3A_336, %mul3A_335 : i32
      %get3A_338 = arith.index_cast %add3A_337 : i32 to index
      %get3A_339 = tpu.vector_load %arg9[%get3A_338] {strides = array<i32>} : memref<4352xf32, #tpu.memory_space<vmem>>, vector<16xf32>,
      %add3A_340 = arith.addf %add3A_333, %get3A_339 : vector<16xf32>
      %mul3A_341 = arith.constant 16 : i32
      %mul3A_342 = arith.muli %scan3A_59, %mul3A_341 : i32
      %add3A_343 = arith.constant 2176 : i32
      %add3A_344 = arith.addi %add3A_343, %mul3A_342 : i32
      %get3A_345 = arith.index_cast %add3A_344 : i32 to index
      %get3A_346 = tpu.vector_load %arg9[%get3A_345] {strides = array<i32>} : memref<4352xf32, #tpu.memory_space<vmem>>, vector<16xf32>,
      %add3A_347 = arith.addf %add3A_340, %get3A_346 : vector<16xf32>
      %mul3A_348 = arith.constant 16 : i32
      %mul3A_349 = arith.muli %scan3A_59, %mul3A_348 : i32
      %add3A_350 = arith.constant 2448 : i32
      %add3A_351 = arith.addi %add3A_350, %mul3A_349 : i32
      %get3A_352 = arith.index_cast %add3A_351 : i32 to index
      %get3A_353 = tpu.vector_load %arg9[%get3A_352] {strides = array<i32>} : memref<4352xf32, #tpu.memory_space<vmem>>, vector<16xf32>,
      %add3A_354 = arith.addf %add3A_347, %get3A_353 : vector<16xf32>
      %mul3A_355 = arith.constant 16 : i32
      %mul3A_356 = arith.muli %scan3A_59, %mul3A_355 : i32
      %add3A_357 = arith.constant 2720 : i32
      %add3A_358 = arith.addi %add3A_357, %mul3A_356 : i32
      %get3A_359 = arith.index_cast %add3A_358 : i32 to index
      %get3A_360 = tpu.vector_load %arg9[%get3A_359] {strides = array<i32>} : memref<4352xf32, #tpu.memory_space<vmem>>, vector<16xf32>,
      %add3A_361 = arith.addf %add3A_354, %get3A_360 : vector<16xf32>
      %mul3A_362 = arith.constant 16 : i32
      %mul3A_363 = arith.muli %scan3A_59, %mul3A_362 : i32
      %add3A_364 = arith.constant 2992 : i32
      %add3A_365 = arith.addi %add3A_364, %mul3A_363 : i32
      %get3A_366 = arith.index_cast %add3A_365 : i32 to index
      %get3A_367 = tpu.vector_load %arg9[%get3A_366] {strides = array<i32>} : memref<4352xf32, #tpu.memory_space<vmem>>, vector<16xf32>,
      %add3A_368 = arith.addf %add3A_361, %get3A_367 : vector<16xf32>
      %mul3A_369 = arith.constant 16 : i32
      %mul3A_370 = arith.muli %scan3A_59, %mul3A_369 : i32
      %add3A_371 = arith.constant 3264 : i32
      %add3A_372 = arith.addi %add3A_371, %mul3A_370 : i32
      %get3A_373 = arith.index_cast %add3A_372 : i32 to index
      %get3A_374 = tpu.vector_load %arg9[%get3A_373] {strides = array<i32>} : memref<4352xf32, #tpu.memory_space<vmem>>, vector<16xf32>,
      %add3A_375 = arith.addf %add3A_368, %get3A_374 : vector<16xf32>
      %mul3A_376 = arith.constant 16 : i32
      %mul3A_377 = arith.muli %scan3A_59, %mul3A_376 : i32
      %add3A_378 = arith.constant 3536 : i32
      %add3A_379 = arith.addi %add3A_378, %mul3A_377 : i32
      %get3A_380 = arith.index_cast %add3A_379 : i32 to index
      %get3A_381 = tpu.vector_load %arg9[%get3A_380] {strides = array<i32>} : memref<4352xf32, #tpu.memory_space<vmem>>, vector<16xf32>,
      %add3A_382 = arith.addf %add3A_375, %get3A_381 : vector<16xf32>
      %mul3A_383 = arith.constant 16 : i32
      %mul3A_384 = arith.muli %scan3A_59, %mul3A_383 : i32
      %add3A_385 = arith.constant 3808 : i32
      %add3A_386 = arith.addi %add3A_385, %mul3A_384 : i32
      %get3A_387 = arith.index_cast %add3A_386 : i32 to index
      %get3A_388 = tpu.vector_load %arg9[%get3A_387] {strides = array<i32>} : memref<4352xf32, #tpu.memory_space<vmem>>, vector<16xf32>,
      %add3A_389 = arith.addf %add3A_382, %get3A_388 : vector<16xf32>
      %mul3A_390 = arith.constant 16 : i32
      %mul3A_391 = arith.muli %scan3A_59, %mul3A_390 : i32
      %add3A_392 = arith.constant 4080 : i32
      %add3A_393 = arith.addi %add3A_392, %mul3A_391 : i32
      %get3A_394 = arith.index_cast %add3A_393 : i32 to index
      %get3A_395 = tpu.vector_load %arg9[%get3A_394] {strides = array<i32>} : memref<4352xf32, #tpu.memory_space<vmem>>, vector<16xf32>,
      %add3A_396 = arith.addf %add3A_389, %get3A_395 : vector<16xf32>
      %mul3A_397 = arith.constant 16 : i32
      %mul3A_398 = arith.muli %scan3A_59, %mul3A_397 : i32
      %add3A_399 = arith.constant 544 : i32
      %add3A_400 = arith.addi %add3A_399, %mul3A_398 : i32
      %swap3A_401 = arith.index_cast %add3A_400 : i32 to index
      %swap3A_402 = tpu.vector_load %arg11[%swap3A_401] {strides = array<i32>} : memref<1088xf32, #tpu.memory_space<vmem>>, vector<16xf32>,
      tpu.vector_store %arg11[%swap3A_401], %add3A_396 {strides = array<i32>} : memref<1088xf32, #tpu.memory_space<vmem>>, vector<16xf32>,
      %mul3A_403 = arith.constant 16 : i32
      %mul3A_404 = arith.muli %scan3A_59, %mul3A_403 : i32
      %get3A_405 = arith.index_cast %mul3A_404 : i32 to index
      %get3A_406 = tpu.vector_load %arg10[%get3A_405] {strides = array<i32>} : memref<4352xf32, #tpu.memory_space<vmem>>, vector<16xf32>,
      %mul3A_407 = arith.constant 16 : i32
      %mul3A_408 = arith.muli %scan3A_59, %mul3A_407 : i32
      %add3A_409 = arith.constant 272 : i32
      %add3A_410 = arith.addi %add3A_409, %mul3A_408 : i32
      %get3A_411 = arith.index_cast %add3A_410 : i32 to index
      %get3A_412 = tpu.vector_load %arg10[%get3A_411] {strides = array<i32>} : memref<4352xf32, #tpu.memory_space<vmem>>, vector<16xf32>,
      %add3A_413 = arith.addf %get3A_406, %get3A_412 : vector<16xf32>
      %mul3A_414 = arith.constant 16 : i32
      %mul3A_415 = arith.muli %scan3A_59, %mul3A_414 : i32
      %add3A_416 = arith.constant 544 : i32
      %add3A_417 = arith.addi %add3A_416, %mul3A_415 : i32
      %get3A_418 = arith.index_cast %add3A_417 : i32 to index
      %get3A_419 = tpu.vector_load %arg10[%get3A_418] {strides = array<i32>} : memref<4352xf32, #tpu.memory_space<vmem>>, vector<16xf32>,
      %add3A_420 = arith.addf %add3A_413, %get3A_419 : vector<16xf32>
      %mul3A_421 = arith.constant 16 : i32
      %mul3A_422 = arith.muli %scan3A_59, %mul3A_421 : i32
      %add3A_423 = arith.constant 816 : i32
      %add3A_424 = arith.addi %add3A_423, %mul3A_422 : i32
      %get3A_425 = arith.index_cast %add3A_424 : i32 to index
      %get3A_426 = tpu.vector_load %arg10[%get3A_425] {strides = array<i32>} : memref<4352xf32, #tpu.memory_space<vmem>>, vector<16xf32>,
      %add3A_427 = arith.addf %add3A_420, %get3A_426 : vector<16xf32>
      %mul3A_428 = arith.constant 16 : i32
      %mul3A_429 = arith.muli %scan3A_59, %mul3A_428 : i32
      %add3A_430 = arith.constant 1088 : i32
      %add3A_431 = arith.addi %add3A_430, %mul3A_429 : i32
      %get3A_432 = arith.index_cast %add3A_431 : i32 to index
      %get3A_433 = tpu.vector_load %arg10[%get3A_432] {strides = array<i32>} : memref<4352xf32, #tpu.memory_space<vmem>>, vector<16xf32>,
      %add3A_434 = arith.addf %add3A_427, %get3A_433 : vector<16xf32>
      %mul3A_435 = arith.constant 16 : i32
      %mul3A_436 = arith.muli %scan3A_59, %mul3A_435 : i32
      %add3A_437 = arith.constant 1360 : i32
      %add3A_438 = arith.addi %add3A_437, %mul3A_436 : i32
      %get3A_439 = arith.index_cast %add3A_438 : i32 to index
      %get3A_440 = tpu.vector_load %arg10[%get3A_439] {strides = array<i32>} : memref<4352xf32, #tpu.memory_space<vmem>>, vector<16xf32>,
      %add3A_441 = arith.addf %add3A_434, %get3A_440 : vector<16xf32>
      %mul3A_442 = arith.constant 16 : i32
      %mul3A_443 = arith.muli %scan3A_59, %mul3A_442 : i32
      %add3A_444 = arith.constant 1632 : i32
      %add3A_445 = arith.addi %add3A_444, %mul3A_443 : i32
      %get3A_446 = arith.index_cast %add3A_445 : i32 to index
      %get3A_447 = tpu.vector_load %arg10[%get3A_446] {strides = array<i32>} : memref<4352xf32, #tpu.memory_space<vmem>>, vector<16xf32>,
      %add3A_448 = arith.addf %add3A_441, %get3A_447 : vector<16xf32>
      %mul3A_449 = arith.constant 16 : i32
      %mul3A_450 = arith.muli %scan3A_59, %mul3A_449 : i32
      %add3A_451 = arith.constant 1904 : i32
      %add3A_452 = arith.addi %add3A_451, %mul3A_450 : i32
      %get3A_453 = arith.index_cast %add3A_452 : i32 to index
      %get3A_454 = tpu.vector_load %arg10[%get3A_453] {strides = array<i32>} : memref<4352xf32, #tpu.memory_space<vmem>>, vector<16xf32>,
      %add3A_455 = arith.addf %add3A_448, %get3A_454 : vector<16xf32>
      %mul3A_456 = arith.constant 16 : i32
      %mul3A_457 = arith.muli %scan3A_59, %mul3A_456 : i32
      %add3A_458 = arith.constant 2176 : i32
      %add3A_459 = arith.addi %add3A_458, %mul3A_457 : i32
      %get3A_460 = arith.index_cast %add3A_459 : i32 to index
      %get3A_461 = tpu.vector_load %arg10[%get3A_460] {strides = array<i32>} : memref<4352xf32, #tpu.memory_space<vmem>>, vector<16xf32>,
      %add3A_462 = arith.addf %add3A_455, %get3A_461 : vector<16xf32>
      %mul3A_463 = arith.constant 16 : i32
      %mul3A_464 = arith.muli %scan3A_59, %mul3A_463 : i32
      %add3A_465 = arith.constant 2448 : i32
      %add3A_466 = arith.addi %add3A_465, %mul3A_464 : i32
      %get3A_467 = arith.index_cast %add3A_466 : i32 to index
      %get3A_468 = tpu.vector_load %arg10[%get3A_467] {strides = array<i32>} : memref<4352xf32, #tpu.memory_space<vmem>>, vector<16xf32>,
      %add3A_469 = arith.addf %add3A_462, %get3A_468 : vector<16xf32>
      %mul3A_470 = arith.constant 16 : i32
      %mul3A_471 = arith.muli %scan3A_59, %mul3A_470 : i32
      %add3A_472 = arith.constant 2720 : i32
      %add3A_473 = arith.addi %add3A_472, %mul3A_471 : i32
      %get3A_474 = arith.index_cast %add3A_473 : i32 to index
      %get3A_475 = tpu.vector_load %arg10[%get3A_474] {strides = array<i32>} : memref<4352xf32, #tpu.memory_space<vmem>>, vector<16xf32>,
      %add3A_476 = arith.addf %add3A_469, %get3A_475 : vector<16xf32>
      %mul3A_477 = arith.constant 16 : i32
      %mul3A_478 = arith.muli %scan3A_59, %mul3A_477 : i32
      %add3A_479 = arith.constant 2992 : i32
      %add3A_480 = arith.addi %add3A_479, %mul3A_478 : i32
      %get3A_481 = arith.index_cast %add3A_480 : i32 to index
      %get3A_482 = tpu.vector_load %arg10[%get3A_481] {strides = array<i32>} : memref<4352xf32, #tpu.memory_space<vmem>>, vector<16xf32>,
      %add3A_483 = arith.addf %add3A_476, %get3A_482 : vector<16xf32>
      %mul3A_484 = arith.constant 16 : i32
      %mul3A_485 = arith.muli %scan3A_59, %mul3A_484 : i32
      %add3A_486 = arith.constant 3264 : i32
      %add3A_487 = arith.addi %add3A_486, %mul3A_485 : i32
      %get3A_488 = arith.index_cast %add3A_487 : i32 to index
      %get3A_489 = tpu.vector_load %arg10[%get3A_488] {strides = array<i32>} : memref<4352xf32, #tpu.memory_space<vmem>>, vector<16xf32>,
      %add3A_490 = arith.addf %add3A_483, %get3A_489 : vector<16xf32>
      %mul3A_491 = arith.constant 16 : i32
      %mul3A_492 = arith.muli %scan3A_59, %mul3A_491 : i32
      %add3A_493 = arith.constant 3536 : i32
      %add3A_494 = arith.addi %add3A_493, %mul3A_492 : i32
      %get3A_495 = arith.index_cast %add3A_494 : i32 to index
      %get3A_496 = tpu.vector_load %arg10[%get3A_495] {strides = array<i32>} : memref<4352xf32, #tpu.memory_space<vmem>>, vector<16xf32>,
      %add3A_497 = arith.addf %add3A_490, %get3A_496 : vector<16xf32>
      %mul3A_498 = arith.constant 16 : i32
      %mul3A_499 = arith.muli %scan3A_59, %mul3A_498 : i32
      %add3A_500 = arith.constant 3808 : i32
      %add3A_501 = arith.addi %add3A_500, %mul3A_499 : i32
      %get3A_502 = arith.index_cast %add3A_501 : i32 to index
      %get3A_503 = tpu.vector_load %arg10[%get3A_502] {strides = array<i32>} : memref<4352xf32, #tpu.memory_space<vmem>>, vector<16xf32>,
      %add3A_504 = arith.addf %add3A_497, %get3A_503 : vector<16xf32>
      %mul3A_505 = arith.constant 16 : i32
      %mul3A_506 = arith.muli %scan3A_59, %mul3A_505 : i32
      %add3A_507 = arith.constant 4080 : i32
      %add3A_508 = arith.addi %add3A_507, %mul3A_506 : i32
      %get3A_509 = arith.index_cast %add3A_508 : i32 to index
      %get3A_510 = tpu.vector_load %arg10[%get3A_509] {strides = array<i32>} : memref<4352xf32, #tpu.memory_space<vmem>>, vector<16xf32>,
      %add3A_511 = arith.addf %add3A_504, %get3A_510 : vector<16xf32>
      %mul3A_512 = arith.constant 16 : i32
      %mul3A_513 = arith.muli %scan3A_59, %mul3A_512 : i32
      %add3A_514 = arith.constant 816 : i32
      %add3A_515 = arith.addi %add3A_514, %mul3A_513 : i32
      %swap3A_516 = arith.index_cast %add3A_515 : i32 to index
      %swap3A_517 = tpu.vector_load %arg11[%swap3A_516] {strides = array<i32>} : memref<1088xf32, #tpu.memory_space<vmem>>, vector<16xf32>,
      tpu.vector_store %arg11[%swap3A_516], %add3A_511 {strides = array<i32>} : memref<1088xf32, #tpu.memory_space<vmem>>, vector<16xf32>,
    }
    %scan3A_52 = arith.constant 17 : i32
    %mul3A_53 = arith.constant 4 : i32
    %mul3A_54 = arith.muli %arg1, %mul3A_53 : i32
    %mul3A_55 = arith.constant 272 : i32
    %mul3A_56 = arith.muli %mul3A_54, %mul3A_55 : i32
    "tpu.region"() ({
      %run_scoped3A = tpu.sem_alloc : memref<!tpu.dma_semaphore, #tpu.memory_space<semaphore_mem>>
      %dma_start3A = tpu.memref_slice %arg12[%mul3A_56] : memref<17408xf32, #tpu.memory_space<vmem_shared>> -> memref<1088xf32, #tpu.memory_space<vmem_shared>>
      %dma_start3A_59 = tpu.memref_slice %arg12[%mul3A_56] : memref<17408xf32, #tpu.memory_space<vmem_shared>> -> memref<1088xf32, #tpu.memory_space<vmem_shared>>
      tpu.enqueue_dma source(%arg11 : memref<1088xf32, #tpu.memory_space<vmem>>) target(%dma_start3A_59 : memref<1088xf32, #tpu.memory_space<vmem_shared>>) target_semaphore(%run_scoped3A : memref<!tpu.dma_semaphore, #tpu.memory_space<semaphore_mem>>)
      %dma_wait3A = tpu.memref_slice %arg12[%mul3A_56] : memref<17408xf32, #tpu.memory_space<vmem_shared>> -> memref<1088xf32, #tpu.memory_space<vmem_shared>>
      %dma_wait3A_60 = tpu.memref_slice %arg12[%mul3A_56] : memref<17408xf32, #tpu.memory_space<vmem_shared>> -> memref<1088xf32, #tpu.memory_space<vmem_shared>>
      tpu.wait_dma2 semaphore(%run_scoped3A : memref<!tpu.dma_semaphore, #tpu.memory_space<semaphore_mem>>) src(%arg11 : memref<1088xf32, #tpu.memory_space<vmem>>) dst(%dma_wait3A_60 : memref<1088xf32, #tpu.memory_space<vmem_shared>>)
      tpu.yield
    }) : () -> ()
    %barrier3A = arith.constant 0 : index
    tpu.barrier barrier_id(%barrier3A)
    %eq3A = arith.constant 0 : i32
    %eq3A_57 = arith.cmpi eq, %arg1, %eq3A : i32
    %convert_element_type3A = arith.extui %eq3A_57 : i1 to i32
    %cond3A = arith.constant 0 : i32
    %cond3A_58 = arith.cmpi ne, %convert_element_type3A, %cond3A : i32
    scf.if %cond3A_58 {
      "tpu.region"() ({
        %run_scoped3A = tpu.sem_alloc : memref<!tpu.dma_semaphore, #tpu.memory_space<semaphore_mem>>
        tpu.enqueue_dma source(%arg12 : memref<17408xf32, #tpu.memory_space<vmem_shared>>) target(%arg13 : memref<17408xf32, #tpu.memory_space<vmem>>) target_semaphore(%run_scoped3A : memref<!tpu.dma_semaphore, #tpu.memory_space<semaphore_mem>>)
        tpu.wait_dma2 semaphore(%run_scoped3A : memref<!tpu.dma_semaphore, #tpu.memory_space<semaphore_mem>>) src(%arg12 : memref<17408xf32, #tpu.memory_space<vmem_shared>>) dst(%arg13 : memref<17408xf32, #tpu.memory_space<vmem>>)
        tpu.yield
      }) : () -> ()
      %scan3A_59 = arith.constant 0 : i32
      %scan3A_60 = arith.constant 0 : i32
      %scan3A_61 = arith.constant 17 : i32
      %scan3A_62 = arith.addi %scan3A_60, %scan3A_61 : i32
      %scan3A_63 = arith.constant 1 : i32
      scf.for %scan3A_69 = %scan3A_60 to %scan3A_62 step %scan3A_63  : i32 {
        %mul3A_70 = arith.constant 16 : i32
        %mul3A_71 = arith.muli %scan3A_69, %mul3A_70 : i32
        %add3A_72 = arith.constant 0 : i32
        %add3A_73 = arith.addi %add3A_72, %mul3A_71 : i32
        %get3A = arith.index_cast %add3A_73 : i32 to index
        %get3A_74 = tpu.vector_load %arg13[%get3A] {strides = array<i32>} : memref<17408xf32, #tpu.memory_space<vmem>>, vector<16xf32>,
        %add3A_75 = arith.constant 1088 : i32
        %add3A_76 = arith.addi %add3A_75, %add3A_73 : i32
        %get3A_77 = arith.index_cast %add3A_76 : i32 to index
        %get3A_78 = tpu.vector_load %arg13[%get3A_77] {strides = array<i32>} : memref<17408xf32, #tpu.memory_space<vmem>>, vector<16xf32>,
        %add3A_79 = arith.addf %get3A_74, %get3A_78 : vector<16xf32>
        %add3A_80 = arith.constant 2176 : i32
        %add3A_81 = arith.addi %add3A_80, %add3A_73 : i32
        %get3A_82 = arith.index_cast %add3A_81 : i32 to index
        %get3A_83 = tpu.vector_load %arg13[%get3A_82] {strides = array<i32>} : memref<17408xf32, #tpu.memory_space<vmem>>, vector<16xf32>,
        %add3A_84 = arith.addf %add3A_79, %get3A_83 : vector<16xf32>
        %add3A_85 = arith.constant 3264 : i32
        %add3A_86 = arith.addi %add3A_85, %add3A_73 : i32
        %get3A_87 = arith.index_cast %add3A_86 : i32 to index
        %get3A_88 = tpu.vector_load %arg13[%get3A_87] {strides = array<i32>} : memref<17408xf32, #tpu.memory_space<vmem>>, vector<16xf32>,
        %add3A_89 = arith.addf %add3A_84, %get3A_88 : vector<16xf32>
        %add3A_90 = arith.constant 4352 : i32
        %add3A_91 = arith.addi %add3A_90, %add3A_73 : i32
        %get3A_92 = arith.index_cast %add3A_91 : i32 to index
        %get3A_93 = tpu.vector_load %arg13[%get3A_92] {strides = array<i32>} : memref<17408xf32, #tpu.memory_space<vmem>>, vector<16xf32>,
        %add3A_94 = arith.addf %add3A_89, %get3A_93 : vector<16xf32>
        %add3A_95 = arith.constant 5440 : i32
        %add3A_96 = arith.addi %add3A_95, %add3A_73 : i32
        %get3A_97 = arith.index_cast %add3A_96 : i32 to index
        %get3A_98 = tpu.vector_load %arg13[%get3A_97] {strides = array<i32>} : memref<17408xf32, #tpu.memory_space<vmem>>, vector<16xf32>,
        %add3A_99 = arith.addf %add3A_94, %get3A_98 : vector<16xf32>
        %add3A_100 = arith.constant 6528 : i32
        %add3A_101 = arith.addi %add3A_100, %add3A_73 : i32
        %get3A_102 = arith.index_cast %add3A_101 : i32 to index
        %get3A_103 = tpu.vector_load %arg13[%get3A_102] {strides = array<i32>} : memref<17408xf32, #tpu.memory_space<vmem>>, vector<16xf32>,
        %add3A_104 = arith.addf %add3A_99, %get3A_103 : vector<16xf32>
        %add3A_105 = arith.constant 7616 : i32
        %add3A_106 = arith.addi %add3A_105, %add3A_73 : i32
        %get3A_107 = arith.index_cast %add3A_106 : i32 to index
        %get3A_108 = tpu.vector_load %arg13[%get3A_107] {strides = array<i32>} : memref<17408xf32, #tpu.memory_space<vmem>>, vector<16xf32>,
        %add3A_109 = arith.addf %add3A_104, %get3A_108 : vector<16xf32>
        %add3A_110 = arith.constant 8704 : i32
        %add3A_111 = arith.addi %add3A_110, %add3A_73 : i32
        %get3A_112 = arith.index_cast %add3A_111 : i32 to index
        %get3A_113 = tpu.vector_load %arg13[%get3A_112] {strides = array<i32>} : memref<17408xf32, #tpu.memory_space<vmem>>, vector<16xf32>,
        %add3A_114 = arith.addf %add3A_109, %get3A_113 : vector<16xf32>
        %add3A_115 = arith.constant 9792 : i32
        %add3A_116 = arith.addi %add3A_115, %add3A_73 : i32
        %get3A_117 = arith.index_cast %add3A_116 : i32 to index
        %get3A_118 = tpu.vector_load %arg13[%get3A_117] {strides = array<i32>} : memref<17408xf32, #tpu.memory_space<vmem>>, vector<16xf32>,
        %add3A_119 = arith.addf %add3A_114, %get3A_118 : vector<16xf32>
        %add3A_120 = arith.constant 10880 : i32
        %add3A_121 = arith.addi %add3A_120, %add3A_73 : i32
        %get3A_122 = arith.index_cast %add3A_121 : i32 to index
        %get3A_123 = tpu.vector_load %arg13[%get3A_122] {strides = array<i32>} : memref<17408xf32, #tpu.memory_space<vmem>>, vector<16xf32>,
        %add3A_124 = arith.addf %add3A_119, %get3A_123 : vector<16xf32>
        %add3A_125 = arith.constant 11968 : i32
        %add3A_126 = arith.addi %add3A_125, %add3A_73 : i32
        %get3A_127 = arith.index_cast %add3A_126 : i32 to index
        %get3A_128 = tpu.vector_load %arg13[%get3A_127] {strides = array<i32>} : memref<17408xf32, #tpu.memory_space<vmem>>, vector<16xf32>,
        %add3A_129 = arith.addf %add3A_124, %get3A_128 : vector<16xf32>
        %add3A_130 = arith.constant 13056 : i32
        %add3A_131 = arith.addi %add3A_130, %add3A_73 : i32
        %get3A_132 = arith.index_cast %add3A_131 : i32 to index
        %get3A_133 = tpu.vector_load %arg13[%get3A_132] {strides = array<i32>} : memref<17408xf32, #tpu.memory_space<vmem>>, vector<16xf32>,
        %add3A_134 = arith.addf %add3A_129, %get3A_133 : vector<16xf32>
        %add3A_135 = arith.constant 14144 : i32
        %add3A_136 = arith.addi %add3A_135, %add3A_73 : i32
        %get3A_137 = arith.index_cast %add3A_136 : i32 to index
        %get3A_138 = tpu.vector_load %arg13[%get3A_137] {strides = array<i32>} : memref<17408xf32, #tpu.memory_space<vmem>>, vector<16xf32>,
        %add3A_139 = arith.addf %add3A_134, %get3A_138 : vector<16xf32>
        %add3A_140 = arith.constant 15232 : i32
        %add3A_141 = arith.addi %add3A_140, %add3A_73 : i32
        %get3A_142 = arith.index_cast %add3A_141 : i32 to index
        %get3A_143 = tpu.vector_load %arg13[%get3A_142] {strides = array<i32>} : memref<17408xf32, #tpu.memory_space<vmem>>, vector<16xf32>,
        %add3A_144 = arith.addf %add3A_139, %get3A_143 : vector<16xf32>
        %add3A_145 = arith.constant 16320 : i32
        %add3A_146 = arith.addi %add3A_145, %add3A_73 : i32
        %get3A_147 = arith.index_cast %add3A_146 : i32 to index
        %get3A_148 = tpu.vector_load %arg13[%get3A_147] {strides = array<i32>} : memref<17408xf32, #tpu.memory_space<vmem>>, vector<16xf32>,
        %add3A_149 = arith.addf %add3A_144, %get3A_148 : vector<16xf32>
        %swap3A = arith.index_cast %add3A_73 : i32 to index
        %swap3A_150 = tpu.vector_load %arg11[%swap3A] {strides = array<i32>} : memref<1088xf32, #tpu.memory_space<vmem>>, vector<16xf32>,
        tpu.vector_store %arg11[%swap3A], %add3A_149 {strides = array<i32>} : memref<1088xf32, #tpu.memory_space<vmem>>, vector<16xf32>,
        %mul3A_151 = arith.constant 16 : i32
        %mul3A_152 = arith.muli %scan3A_69, %mul3A_151 : i32
        %add3A_153 = arith.constant 272 : i32
        %add3A_154 = arith.addi %add3A_153, %mul3A_152 : i32
        %get3A_155 = arith.index_cast %add3A_154 : i32 to index
        %get3A_156 = tpu.vector_load %arg13[%get3A_155] {strides = array<i32>} : memref<17408xf32, #tpu.memory_space<vmem>>, vector<16xf32>,
        %add3A_157 = arith.constant 1088 : i32
        %add3A_158 = arith.addi %add3A_157, %add3A_154 : i32
        %get3A_159 = arith.index_cast %add3A_158 : i32 to index
        %get3A_160 = tpu.vector_load %arg13[%get3A_159] {strides = array<i32>} : memref<17408xf32, #tpu.memory_space<vmem>>, vector<16xf32>,
        %add3A_161 = arith.addf %get3A_156, %get3A_160 : vector<16xf32>
        %add3A_162 = arith.constant 2176 : i32
        %add3A_163 = arith.addi %add3A_162, %add3A_154 : i32
        %get3A_164 = arith.index_cast %add3A_163 : i32 to index
        %get3A_165 = tpu.vector_load %arg13[%get3A_164] {strides = array<i32>} : memref<17408xf32, #tpu.memory_space<vmem>>, vector<16xf32>,
        %add3A_166 = arith.addf %add3A_161, %get3A_165 : vector<16xf32>
        %add3A_167 = arith.constant 3264 : i32
        %add3A_168 = arith.addi %add3A_167, %add3A_154 : i32
        %get3A_169 = arith.index_cast %add3A_168 : i32 to index
        %get3A_170 = tpu.vector_load %arg13[%get3A_169] {strides = array<i32>} : memref<17408xf32, #tpu.memory_space<vmem>>, vector<16xf32>,
        %add3A_171 = arith.addf %add3A_166, %get3A_170 : vector<16xf32>
        %add3A_172 = arith.constant 4352 : i32
        %add3A_173 = arith.addi %add3A_172, %add3A_154 : i32
        %get3A_174 = arith.index_cast %add3A_173 : i32 to index
        %get3A_175 = tpu.vector_load %arg13[%get3A_174] {strides = array<i32>} : memref<17408xf32, #tpu.memory_space<vmem>>, vector<16xf32>,
        %add3A_176 = arith.addf %add3A_171, %get3A_175 : vector<16xf32>
        %add3A_177 = arith.constant 5440 : i32
        %add3A_178 = arith.addi %add3A_177, %add3A_154 : i32
        %get3A_179 = arith.index_cast %add3A_178 : i32 to index
        %get3A_180 = tpu.vector_load %arg13[%get3A_179] {strides = array<i32>} : memref<17408xf32, #tpu.memory_space<vmem>>, vector<16xf32>,
        %add3A_181 = arith.addf %add3A_176, %get3A_180 : vector<16xf32>
        %add3A_182 = arith.constant 6528 : i32
        %add3A_183 = arith.addi %add3A_182, %add3A_154 : i32
        %get3A_184 = arith.index_cast %add3A_183 : i32 to index
        %get3A_185 = tpu.vector_load %arg13[%get3A_184] {strides = array<i32>} : memref<17408xf32, #tpu.memory_space<vmem>>, vector<16xf32>,
        %add3A_186 = arith.addf %add3A_181, %get3A_185 : vector<16xf32>
        %add3A_187 = arith.constant 7616 : i32
        %add3A_188 = arith.addi %add3A_187, %add3A_154 : i32
        %get3A_189 = arith.index_cast %add3A_188 : i32 to index
        %get3A_190 = tpu.vector_load %arg13[%get3A_189] {strides = array<i32>} : memref<17408xf32, #tpu.memory_space<vmem>>, vector<16xf32>,
        %add3A_191 = arith.addf %add3A_186, %get3A_190 : vector<16xf32>
        %add3A_192 = arith.constant 8704 : i32
        %add3A_193 = arith.addi %add3A_192, %add3A_154 : i32
        %get3A_194 = arith.index_cast %add3A_193 : i32 to index
        %get3A_195 = tpu.vector_load %arg13[%get3A_194] {strides = array<i32>} : memref<17408xf32, #tpu.memory_space<vmem>>, vector<16xf32>,
        %add3A_196 = arith.addf %add3A_191, %get3A_195 : vector<16xf32>
        %add3A_197 = arith.constant 9792 : i32
        %add3A_198 = arith.addi %add3A_197, %add3A_154 : i32
        %get3A_199 = arith.index_cast %add3A_198 : i32 to index
        %get3A_200 = tpu.vector_load %arg13[%get3A_199] {strides = array<i32>} : memref<17408xf32, #tpu.memory_space<vmem>>, vector<16xf32>,
        %add3A_201 = arith.addf %add3A_196, %get3A_200 : vector<16xf32>
        %add3A_202 = arith.constant 10880 : i32
        %add3A_203 = arith.addi %add3A_202, %add3A_154 : i32
        %get3A_204 = arith.index_cast %add3A_203 : i32 to index
        %get3A_205 = tpu.vector_load %arg13[%get3A_204] {strides = array<i32>} : memref<17408xf32, #tpu.memory_space<vmem>>, vector<16xf32>,
        %add3A_206 = arith.addf %add3A_201, %get3A_205 : vector<16xf32>
        %add3A_207 = arith.constant 11968 : i32
        %add3A_208 = arith.addi %add3A_207, %add3A_154 : i32
        %get3A_209 = arith.index_cast %add3A_208 : i32 to index
        %get3A_210 = tpu.vector_load %arg13[%get3A_209] {strides = array<i32>} : memref<17408xf32, #tpu.memory_space<vmem>>, vector<16xf32>,
        %add3A_211 = arith.addf %add3A_206, %get3A_210 : vector<16xf32>
        %add3A_212 = arith.constant 13056 : i32
        %add3A_213 = arith.addi %add3A_212, %add3A_154 : i32
        %get3A_214 = arith.index_cast %add3A_213 : i32 to index
        %get3A_215 = tpu.vector_load %arg13[%get3A_214] {strides = array<i32>} : memref<17408xf32, #tpu.memory_space<vmem>>, vector<16xf32>,
        %add3A_216 = arith.addf %add3A_211, %get3A_215 : vector<16xf32>
        %add3A_217 = arith.constant 14144 : i32
        %add3A_218 = arith.addi %add3A_217, %add3A_154 : i32
        %get3A_219 = arith.index_cast %add3A_218 : i32 to index
        %get3A_220 = tpu.vector_load %arg13[%get3A_219] {strides = array<i32>} : memref<17408xf32, #tpu.memory_space<vmem>>, vector<16xf32>,
        %add3A_221 = arith.addf %add3A_216, %get3A_220 : vector<16xf32>
        %add3A_222 = arith.constant 15232 : i32
        %add3A_223 = arith.addi %add3A_222, %add3A_154 : i32
        %get3A_224 = arith.index_cast %add3A_223 : i32 to index
        %get3A_225 = tpu.vector_load %arg13[%get3A_224] {strides = array<i32>} : memref<17408xf32, #tpu.memory_space<vmem>>, vector<16xf32>,
        %add3A_226 = arith.addf %add3A_221, %get3A_225 : vector<16xf32>
        %add3A_227 = arith.constant 16320 : i32
        %add3A_228 = arith.addi %add3A_227, %add3A_154 : i32
        %get3A_229 = arith.index_cast %add3A_228 : i32 to index
        %get3A_230 = tpu.vector_load %arg13[%get3A_229] {strides = array<i32>} : memref<17408xf32, #tpu.memory_space<vmem>>, vector<16xf32>,
        %add3A_231 = arith.addf %add3A_226, %get3A_230 : vector<16xf32>
        %swap3A_232 = arith.index_cast %add3A_154 : i32 to index
        %swap3A_233 = tpu.vector_load %arg11[%swap3A_232] {strides = array<i32>} : memref<1088xf32, #tpu.memory_space<vmem>>, vector<16xf32>,
        tpu.vector_store %arg11[%swap3A_232], %add3A_231 {strides = array<i32>} : memref<1088xf32, #tpu.memory_space<vmem>>, vector<16xf32>,
        %mul3A_234 = arith.constant 16 : i32
        %mul3A_235 = arith.muli %scan3A_69, %mul3A_234 : i32
        %add3A_236 = arith.constant 544 : i32
        %add3A_237 = arith.addi %add3A_236, %mul3A_235 : i32
        %get3A_238 = arith.index_cast %add3A_237 : i32 to index
        %get3A_239 = tpu.vector_load %arg13[%get3A_238] {strides = array<i32>} : memref<17408xf32, #tpu.memory_space<vmem>>, vector<16xf32>,
        %add3A_240 = arith.constant 1088 : i32
        %add3A_241 = arith.addi %add3A_240, %add3A_237 : i32
        %get3A_242 = arith.index_cast %add3A_241 : i32 to index
        %get3A_243 = tpu.vector_load %arg13[%get3A_242] {strides = array<i32>} : memref<17408xf32, #tpu.memory_space<vmem>>, vector<16xf32>,
        %add3A_244 = arith.addf %get3A_239, %get3A_243 : vector<16xf32>
        %add3A_245 = arith.constant 2176 : i32
        %add3A_246 = arith.addi %add3A_245, %add3A_237 : i32
        %get3A_247 = arith.index_cast %add3A_246 : i32 to index
        %get3A_248 = tpu.vector_load %arg13[%get3A_247] {strides = array<i32>} : memref<17408xf32, #tpu.memory_space<vmem>>, vector<16xf32>,
        %add3A_249 = arith.addf %add3A_244, %get3A_248 : vector<16xf32>
        %add3A_250 = arith.constant 3264 : i32
        %add3A_251 = arith.addi %add3A_250, %add3A_237 : i32
        %get3A_252 = arith.index_cast %add3A_251 : i32 to index
        %get3A_253 = tpu.vector_load %arg13[%get3A_252] {strides = array<i32>} : memref<17408xf32, #tpu.memory_space<vmem>>, vector<16xf32>,
        %add3A_254 = arith.addf %add3A_249, %get3A_253 : vector<16xf32>
        %add3A_255 = arith.constant 4352 : i32
        %add3A_256 = arith.addi %add3A_255, %add3A_237 : i32
        %get3A_257 = arith.index_cast %add3A_256 : i32 to index
        %get3A_258 = tpu.vector_load %arg13[%get3A_257] {strides = array<i32>} : memref<17408xf32, #tpu.memory_space<vmem>>, vector<16xf32>,
        %add3A_259 = arith.addf %add3A_254, %get3A_258 : vector<16xf32>
        %add3A_260 = arith.constant 5440 : i32
        %add3A_261 = arith.addi %add3A_260, %add3A_237 : i32
        %get3A_262 = arith.index_cast %add3A_261 : i32 to index
        %get3A_263 = tpu.vector_load %arg13[%get3A_262] {strides = array<i32>} : memref<17408xf32, #tpu.memory_space<vmem>>, vector<16xf32>,
        %add3A_264 = arith.addf %add3A_259, %get3A_263 : vector<16xf32>
        %add3A_265 = arith.constant 6528 : i32
        %add3A_266 = arith.addi %add3A_265, %add3A_237 : i32
        %get3A_267 = arith.index_cast %add3A_266 : i32 to index
        %get3A_268 = tpu.vector_load %arg13[%get3A_267] {strides = array<i32>} : memref<17408xf32, #tpu.memory_space<vmem>>, vector<16xf32>,
        %add3A_269 = arith.addf %add3A_264, %get3A_268 : vector<16xf32>
        %add3A_270 = arith.constant 7616 : i32
        %add3A_271 = arith.addi %add3A_270, %add3A_237 : i32
        %get3A_272 = arith.index_cast %add3A_271 : i32 to index
        %get3A_273 = tpu.vector_load %arg13[%get3A_272] {strides = array<i32>} : memref<17408xf32, #tpu.memory_space<vmem>>, vector<16xf32>,
        %add3A_274 = arith.addf %add3A_269, %get3A_273 : vector<16xf32>
        %add3A_275 = arith.constant 8704 : i32
        %add3A_276 = arith.addi %add3A_275, %add3A_237 : i32
        %get3A_277 = arith.index_cast %add3A_276 : i32 to index
        %get3A_278 = tpu.vector_load %arg13[%get3A_277] {strides = array<i32>} : memref<17408xf32, #tpu.memory_space<vmem>>, vector<16xf32>,
        %add3A_279 = arith.addf %add3A_274, %get3A_278 : vector<16xf32>
        %add3A_280 = arith.constant 9792 : i32
        %add3A_281 = arith.addi %add3A_280, %add3A_237 : i32
        %get3A_282 = arith.index_cast %add3A_281 : i32 to index
        %get3A_283 = tpu.vector_load %arg13[%get3A_282] {strides = array<i32>} : memref<17408xf32, #tpu.memory_space<vmem>>, vector<16xf32>,
        %add3A_284 = arith.addf %add3A_279, %get3A_283 : vector<16xf32>
        %add3A_285 = arith.constant 10880 : i32
        %add3A_286 = arith.addi %add3A_285, %add3A_237 : i32
        %get3A_287 = arith.index_cast %add3A_286 : i32 to index
        %get3A_288 = tpu.vector_load %arg13[%get3A_287] {strides = array<i32>} : memref<17408xf32, #tpu.memory_space<vmem>>, vector<16xf32>,
        %add3A_289 = arith.addf %add3A_284, %get3A_288 : vector<16xf32>
        %add3A_290 = arith.constant 11968 : i32
        %add3A_291 = arith.addi %add3A_290, %add3A_237 : i32
        %get3A_292 = arith.index_cast %add3A_291 : i32 to index
        %get3A_293 = tpu.vector_load %arg13[%get3A_292] {strides = array<i32>} : memref<17408xf32, #tpu.memory_space<vmem>>, vector<16xf32>,
        %add3A_294 = arith.addf %add3A_289, %get3A_293 : vector<16xf32>
        %add3A_295 = arith.constant 13056 : i32
        %add3A_296 = arith.addi %add3A_295, %add3A_237 : i32
        %get3A_297 = arith.index_cast %add3A_296 : i32 to index
        %get3A_298 = tpu.vector_load %arg13[%get3A_297] {strides = array<i32>} : memref<17408xf32, #tpu.memory_space<vmem>>, vector<16xf32>,
        %add3A_299 = arith.addf %add3A_294, %get3A_298 : vector<16xf32>
        %add3A_300 = arith.constant 14144 : i32
        %add3A_301 = arith.addi %add3A_300, %add3A_237 : i32
        %get3A_302 = arith.index_cast %add3A_301 : i32 to index
        %get3A_303 = tpu.vector_load %arg13[%get3A_302] {strides = array<i32>} : memref<17408xf32, #tpu.memory_space<vmem>>, vector<16xf32>,
        %add3A_304 = arith.addf %add3A_299, %get3A_303 : vector<16xf32>
        %add3A_305 = arith.constant 15232 : i32
        %add3A_306 = arith.addi %add3A_305, %add3A_237 : i32
        %get3A_307 = arith.index_cast %add3A_306 : i32 to index
        %get3A_308 = tpu.vector_load %arg13[%get3A_307] {strides = array<i32>} : memref<17408xf32, #tpu.memory_space<vmem>>, vector<16xf32>,
        %add3A_309 = arith.addf %add3A_304, %get3A_308 : vector<16xf32>
        %add3A_310 = arith.constant 16320 : i32
        %add3A_311 = arith.addi %add3A_310, %add3A_237 : i32
        %get3A_312 = arith.index_cast %add3A_311 : i32 to index
        %get3A_313 = tpu.vector_load %arg13[%get3A_312] {strides = array<i32>} : memref<17408xf32, #tpu.memory_space<vmem>>, vector<16xf32>,
        %add3A_314 = arith.addf %add3A_309, %get3A_313 : vector<16xf32>
        %swap3A_315 = arith.index_cast %add3A_237 : i32 to index
        %swap3A_316 = tpu.vector_load %arg11[%swap3A_315] {strides = array<i32>} : memref<1088xf32, #tpu.memory_space<vmem>>, vector<16xf32>,
        tpu.vector_store %arg11[%swap3A_315], %add3A_314 {strides = array<i32>} : memref<1088xf32, #tpu.memory_space<vmem>>, vector<16xf32>,
        %mul3A_317 = arith.constant 16 : i32
        %mul3A_318 = arith.muli %scan3A_69, %mul3A_317 : i32
        %add3A_319 = arith.constant 816 : i32
        %add3A_320 = arith.addi %add3A_319, %mul3A_318 : i32
        %get3A_321 = arith.index_cast %add3A_320 : i32 to index
        %get3A_322 = tpu.vector_load %arg13[%get3A_321] {strides = array<i32>} : memref<17408xf32, #tpu.memory_space<vmem>>, vector<16xf32>,
        %add3A_323 = arith.constant 1088 : i32
        %add3A_324 = arith.addi %add3A_323, %add3A_320 : i32
        %get3A_325 = arith.index_cast %add3A_324 : i32 to index
        %get3A_326 = tpu.vector_load %arg13[%get3A_325] {strides = array<i32>} : memref<17408xf32, #tpu.memory_space<vmem>>, vector<16xf32>,
        %add3A_327 = arith.addf %get3A_322, %get3A_326 : vector<16xf32>
        %add3A_328 = arith.constant 2176 : i32
        %add3A_329 = arith.addi %add3A_328, %add3A_320 : i32
        %get3A_330 = arith.index_cast %add3A_329 : i32 to index
        %get3A_331 = tpu.vector_load %arg13[%get3A_330] {strides = array<i32>} : memref<17408xf32, #tpu.memory_space<vmem>>, vector<16xf32>,
        %add3A_332 = arith.addf %add3A_327, %get3A_331 : vector<16xf32>
        %add3A_333 = arith.constant 3264 : i32
        %add3A_334 = arith.addi %add3A_333, %add3A_320 : i32
        %get3A_335 = arith.index_cast %add3A_334 : i32 to index
        %get3A_336 = tpu.vector_load %arg13[%get3A_335] {strides = array<i32>} : memref<17408xf32, #tpu.memory_space<vmem>>, vector<16xf32>,
        %add3A_337 = arith.addf %add3A_332, %get3A_336 : vector<16xf32>
        %add3A_338 = arith.constant 4352 : i32
        %add3A_339 = arith.addi %add3A_338, %add3A_320 : i32
        %get3A_340 = arith.index_cast %add3A_339 : i32 to index
        %get3A_341 = tpu.vector_load %arg13[%get3A_340] {strides = array<i32>} : memref<17408xf32, #tpu.memory_space<vmem>>, vector<16xf32>,
        %add3A_342 = arith.addf %add3A_337, %get3A_341 : vector<16xf32>
        %add3A_343 = arith.constant 5440 : i32
        %add3A_344 = arith.addi %add3A_343, %add3A_320 : i32
        %get3A_345 = arith.index_cast %add3A_344 : i32 to index
        %get3A_346 = tpu.vector_load %arg13[%get3A_345] {strides = array<i32>} : memref<17408xf32, #tpu.memory_space<vmem>>, vector<16xf32>,
        %add3A_347 = arith.addf %add3A_342, %get3A_346 : vector<16xf32>
        %add3A_348 = arith.constant 6528 : i32
        %add3A_349 = arith.addi %add3A_348, %add3A_320 : i32
        %get3A_350 = arith.index_cast %add3A_349 : i32 to index
        %get3A_351 = tpu.vector_load %arg13[%get3A_350] {strides = array<i32>} : memref<17408xf32, #tpu.memory_space<vmem>>, vector<16xf32>,
        %add3A_352 = arith.addf %add3A_347, %get3A_351 : vector<16xf32>
        %add3A_353 = arith.constant 7616 : i32
        %add3A_354 = arith.addi %add3A_353, %add3A_320 : i32
        %get3A_355 = arith.index_cast %add3A_354 : i32 to index
        %get3A_356 = tpu.vector_load %arg13[%get3A_355] {strides = array<i32>} : memref<17408xf32, #tpu.memory_space<vmem>>, vector<16xf32>,
        %add3A_357 = arith.addf %add3A_352, %get3A_356 : vector<16xf32>
        %add3A_358 = arith.constant 8704 : i32
        %add3A_359 = arith.addi %add3A_358, %add3A_320 : i32
        %get3A_360 = arith.index_cast %add3A_359 : i32 to index
        %get3A_361 = tpu.vector_load %arg13[%get3A_360] {strides = array<i32>} : memref<17408xf32, #tpu.memory_space<vmem>>, vector<16xf32>,
        %add3A_362 = arith.addf %add3A_357, %get3A_361 : vector<16xf32>
        %add3A_363 = arith.constant 9792 : i32
        %add3A_364 = arith.addi %add3A_363, %add3A_320 : i32
        %get3A_365 = arith.index_cast %add3A_364 : i32 to index
        %get3A_366 = tpu.vector_load %arg13[%get3A_365] {strides = array<i32>} : memref<17408xf32, #tpu.memory_space<vmem>>, vector<16xf32>,
        %add3A_367 = arith.addf %add3A_362, %get3A_366 : vector<16xf32>
        %add3A_368 = arith.constant 10880 : i32
        %add3A_369 = arith.addi %add3A_368, %add3A_320 : i32
        %get3A_370 = arith.index_cast %add3A_369 : i32 to index
        %get3A_371 = tpu.vector_load %arg13[%get3A_370] {strides = array<i32>} : memref<17408xf32, #tpu.memory_space<vmem>>, vector<16xf32>,
        %add3A_372 = arith.addf %add3A_367, %get3A_371 : vector<16xf32>
        %add3A_373 = arith.constant 11968 : i32
        %add3A_374 = arith.addi %add3A_373, %add3A_320 : i32
        %get3A_375 = arith.index_cast %add3A_374 : i32 to index
        %get3A_376 = tpu.vector_load %arg13[%get3A_375] {strides = array<i32>} : memref<17408xf32, #tpu.memory_space<vmem>>, vector<16xf32>,
        %add3A_377 = arith.addf %add3A_372, %get3A_376 : vector<16xf32>
        %add3A_378 = arith.constant 13056 : i32
        %add3A_379 = arith.addi %add3A_378, %add3A_320 : i32
        %get3A_380 = arith.index_cast %add3A_379 : i32 to index
        %get3A_381 = tpu.vector_load %arg13[%get3A_380] {strides = array<i32>} : memref<17408xf32, #tpu.memory_space<vmem>>, vector<16xf32>,
        %add3A_382 = arith.addf %add3A_377, %get3A_381 : vector<16xf32>
        %add3A_383 = arith.constant 14144 : i32
        %add3A_384 = arith.addi %add3A_383, %add3A_320 : i32
        %get3A_385 = arith.index_cast %add3A_384 : i32 to index
        %get3A_386 = tpu.vector_load %arg13[%get3A_385] {strides = array<i32>} : memref<17408xf32, #tpu.memory_space<vmem>>, vector<16xf32>,
        %add3A_387 = arith.addf %add3A_382, %get3A_386 : vector<16xf32>
        %add3A_388 = arith.constant 15232 : i32
        %add3A_389 = arith.addi %add3A_388, %add3A_320 : i32
        %get3A_390 = arith.index_cast %add3A_389 : i32 to index
        %get3A_391 = tpu.vector_load %arg13[%get3A_390] {strides = array<i32>} : memref<17408xf32, #tpu.memory_space<vmem>>, vector<16xf32>,
        %add3A_392 = arith.addf %add3A_387, %get3A_391 : vector<16xf32>
        %add3A_393 = arith.constant 16320 : i32
        %add3A_394 = arith.addi %add3A_393, %add3A_320 : i32
        %get3A_395 = arith.index_cast %add3A_394 : i32 to index
        %get3A_396 = tpu.vector_load %arg13[%get3A_395] {strides = array<i32>} : memref<17408xf32, #tpu.memory_space<vmem>>, vector<16xf32>,
        %add3A_397 = arith.addf %add3A_392, %get3A_396 : vector<16xf32>
        %swap3A_398 = arith.index_cast %add3A_320 : i32 to index
        %swap3A_399 = tpu.vector_load %arg11[%swap3A_398] {strides = array<i32>} : memref<1088xf32, #tpu.memory_space<vmem>>, vector<16xf32>,
        tpu.vector_store %arg11[%swap3A_398], %add3A_397 {strides = array<i32>} : memref<1088xf32, #tpu.memory_space<vmem>>, vector<16xf32>,
      }
      %scan3A_64 = arith.constant 17 : i32
      %mul3A_65 = arith.constant 4 : i32
      %mul3A_66 = arith.muli %arg0, %mul3A_65 : i32
      %mul3A_67 = arith.constant 272 : i32
      %mul3A_68 = arith.muli %mul3A_66, %mul3A_67 : i32
      "tpu.region"() ({
        %run_scoped3A = tpu.sem_alloc : memref<!tpu.dma_semaphore, #tpu.memory_space<semaphore_mem>>
        %dma_start3A = tpu.memref_slice %arg4[%mul3A_68] : memref<2176xf32, #tpu.memory_space<hbm>> -> memref<1088xf32, #tpu.memory_space<hbm>>
        %dma_start3A_69 = tpu.memref_slice %arg4[%mul3A_68] : memref<2176xf32, #tpu.memory_space<hbm>> -> memref<1088xf32, #tpu.memory_space<hbm>>
        tpu.enqueue_dma source(%arg11 : memref<1088xf32, #tpu.memory_space<vmem>>) target(%dma_start3A_69 : memref<1088xf32, #tpu.memory_space<hbm>>) target_semaphore(%run_scoped3A : memref<!tpu.dma_semaphore, #tpu.memory_space<semaphore_mem>>)
        %dma_wait3A = tpu.memref_slice %arg4[%mul3A_68] : memref<2176xf32, #tpu.memory_space<hbm>> -> memref<1088xf32, #tpu.memory_space<hbm>>
        %dma_wait3A_70 = tpu.memref_slice %arg4[%mul3A_68] : memref<2176xf32, #tpu.memory_space<hbm>> -> memref<1088xf32, #tpu.memory_space<hbm>>
        tpu.wait_dma2 semaphore(%run_scoped3A : memref<!tpu.dma_semaphore, #tpu.memory_space<semaphore_mem>>) src(%arg11 : memref<1088xf32, #tpu.memory_space<vmem>>) dst(%dma_wait3A_70 : memref<1088xf32, #tpu.memory_space<hbm>>)
        tpu.yield
      }) : () -> ()
    } else {
    }
    return
  }
}

module attributes {stable_mosaic.version = 14 : i64} {
  func.func @_tc_dense(%arg0: i32, %arg1: memref<1x3x25088xf32, #tpu.memory_space<vmem>>, %arg2: memref<1x4x272xf32, #tpu.memory_space<vmem>>, %arg3: memref<1x1x256xf32, #tpu.memory_space<vmem>>) attributes {dimension_semantics = [#tpu.dimension_semantics<arbitrary>], iteration_bounds = array<i64: 4>, scalar_prefetch = 0 : i64, scratch_operands = 0 : i64, tpu.core_type = #tpu.core_type<tc>, window_params = [{transform_indices = @transform_0, window_bounds = array<i64: 1, 3, 25088>}, {transform_indices = @transform_1, window_bounds = array<i64: 1, 4, 272>}, {transform_indices = @transform_2, window_bounds = array<i64: 1, 1, 256>}]} {
    %rem3A = arith.constant 2 : i32
    %rem3A_0 = arith.remsi %arg0, %rem3A : i32
    %get3A = arith.constant 0 : index
    %get3A_1 = arith.constant 0 : index
    %get3A_2 = arith.constant 0 : index
    %get3A_3 = vector.load %arg2[%get3A, %get3A_1, %get3A_2] : memref<1x4x272xf32, #tpu.memory_space<vmem>>, vector<1x1x256xf32>
    %get3A_4 = vector.shape_cast %get3A_3 : vector<1x1x256xf32> to vector<256xf32>
    %mul3A = arith.constant 1.30173719 : f32
    %mul3A_5 = vector.broadcast %mul3A : f32 to vector<256xf32>
    %mul3A_6 = arith.mulf %get3A_4, %mul3A_5 : vector<256xf32>
    %max3A = arith.constant 9.99999997E-7 : f32
    %max3A_7 = vector.broadcast %max3A : f32 to vector<256xf32>
    %max3A_8 = arith.maximumf %mul3A_6, %max3A_7 : vector<256xf32>
    %div3A = arith.constant 1.30173719 : f32
    %div3A_9 = vector.broadcast %div3A : f32 to vector<256xf32>
    %div3A_10 = arith.divf %div3A_9, %max3A_8 : vector<256xf32>
    %get3A_11 = arith.constant 0 : index
    %get3A_12 = arith.constant 1 : index
    %get3A_13 = arith.constant 0 : index
    %get3A_14 = vector.load %arg2[%get3A_11, %get3A_12, %get3A_13] : memref<1x4x272xf32, #tpu.memory_space<vmem>>, vector<1x1x256xf32>
    %get3A_15 = vector.shape_cast %get3A_14 : vector<1x1x256xf32> to vector<256xf32>
    %mul3A_16 = arith.mulf %get3A_15, %div3A_10 : vector<256xf32>
    %get3A_17 = arith.constant 0 : index
    %get3A_18 = arith.constant 2 : index
    %get3A_19 = arith.constant 0 : index
    %get3A_20 = vector.load %arg2[%get3A_17, %get3A_18, %get3A_19] : memref<1x4x272xf32, #tpu.memory_space<vmem>>, vector<1x1x256xf32>
    %get3A_21 = vector.shape_cast %get3A_20 : vector<1x1x256xf32> to vector<256xf32>
    %mul3A_22 = arith.mulf %get3A_21, %div3A_10 : vector<256xf32>
    %get3A_23 = arith.constant 0 : index
    %get3A_24 = arith.constant 3 : index
    %get3A_25 = arith.constant 0 : index
    %get3A_26 = vector.load %arg2[%get3A_23, %get3A_24, %get3A_25] : memref<1x4x272xf32, #tpu.memory_space<vmem>>, vector<1x1x256xf32>
    %get3A_27 = vector.shape_cast %get3A_26 : vector<1x1x256xf32> to vector<256xf32>
    %mul3A_28 = arith.mulf %get3A_27, %div3A_10 : vector<256xf32>
    %mul3A_29 = arith.mulf %mul3A_16, %mul3A_16 : vector<256xf32>
    %mul3A_30 = arith.mulf %mul3A_22, %mul3A_22 : vector<256xf32>
    %add3A = arith.addf %mul3A_29, %mul3A_30 : vector<256xf32>
    %mul3A_31 = arith.mulf %mul3A_28, %mul3A_28 : vector<256xf32>
    %add3A_32 = arith.addf %add3A, %mul3A_31 : vector<256xf32>
    %mul3A_33 = arith.constant -2.000000e+00 : f32
    %mul3A_34 = vector.broadcast %mul3A_33 : f32 to vector<256xf32>
    %mul3A_35 = arith.mulf %mul3A_34, %mul3A_16 : vector<256xf32>
    %mul3A_36 = arith.constant -2.000000e+00 : f32
    %mul3A_37 = vector.broadcast %mul3A_36 : f32 to vector<256xf32>
    %mul3A_38 = arith.mulf %mul3A_37, %mul3A_22 : vector<256xf32>
    %mul3A_39 = arith.constant -2.000000e+00 : f32
    %mul3A_40 = vector.broadcast %mul3A_39 : f32 to vector<256xf32>
    %mul3A_41 = arith.mulf %mul3A_40, %mul3A_28 : vector<256xf32>
    %broadcast_in_dim3A = arith.constant 1.000000e+00 : f32
    %broadcast_in_dim3A_42 = vector.broadcast %broadcast_in_dim3A : f32 to vector<256xf32>
    %stack3A = vector.shape_cast %mul3A_35 : vector<256xf32> to vector<1x256xf32>
    %stack3A_43 = vector.shape_cast %mul3A_38 : vector<256xf32> to vector<1x256xf32>
    %stack3A_44 = vector.shape_cast %mul3A_41 : vector<256xf32> to vector<1x256xf32>
    %stack3A_45 = vector.shape_cast %add3A_32 : vector<256xf32> to vector<1x256xf32>
    %stack3A_46 = vector.shape_cast %broadcast_in_dim3A_42 : vector<256xf32> to vector<1x256xf32>
    %stack3A_47 = tpu.concatenate %stack3A, %stack3A_43, %stack3A_44, %stack3A_45, %stack3A_46 in 0 : vector<1x256xf32>, vector<1x256xf32>, vector<1x256xf32>, vector<1x256xf32>, vector<1x256xf32> -> vector<5x256xf32>
    %get3A_48 = arith.constant 0 : index
    %get3A_49 = arith.constant 0 : index
    %get3A_50 = arith.constant 0 : index
    %get3A_51 = vector.load %arg1[%get3A_48, %get3A_49, %get3A_50] : memref<1x3x25088xf32, #tpu.memory_space<vmem>>, vector<1x3x25088xf32>
    %get3A_52 = vector.shape_cast %get3A_51 : vector<1x3x25088xf32> to vector<3x25088xf32>
    %mul3A_53 = arith.mulf %get3A_52, %get3A_52 : vector<3x25088xf32>
    %reduce_sum3A = arith.constant dense<0.000000e+00> : vector<25088xf32>
    %reduce_sum3A_54 = vector.multi_reduction <add>, %mul3A_53, %reduce_sum3A [0] : vector<3x25088xf32> to vector<25088xf32>
    %broadcast_in_dim3A_55 = vector.shape_cast %reduce_sum3A_54 : vector<25088xf32> to vector<1x25088xf32>
    %add3A_56 = arith.constant 9.99999971E-10 : f32
    %add3A_57 = vector.broadcast %add3A_56 : f32 to vector<1x25088xf32>
    %add3A_58 = arith.addf %broadcast_in_dim3A_55, %add3A_57 : vector<1x25088xf32>
    %broadcast_in_dim3A_59 = arith.constant 1.000000e+00 : f32
    %broadcast_in_dim3A_60 = vector.broadcast %broadcast_in_dim3A_59 : f32 to vector<1x25088xf32>
    %concatenate3A = tpu.concatenate %get3A_52, %broadcast_in_dim3A_60, %add3A_58 in 0 : vector<3x25088xf32>, vector<1x25088xf32>, vector<1x25088xf32> -> vector<5x25088xf32>
    %dot_general3A = arith.constant dense<0.000000e+00> : vector<25088x256xf32>
    %dot_general3A_61 = tpu.matmul %concatenate3A, %stack3A_47, %dot_general3A {dimension_numbers = #tpu.dot_dimension_numbers<[0], [0], [1], [1], [0, 1, 1, 1], [], []>, transpose_lhs_hint = false} : vector<5x25088xf32>, vector<5x256xf32>, vector<25088x256xf32> -> vector<25088x256xf32>
    %max3A_62 = arith.constant 9.99999971E-10 : f32
    %max3A_63 = vector.broadcast %max3A_62 : f32 to vector<25088x256xf32>
    %max3A_64 = arith.maximumf %dot_general3A_61, %max3A_63 : vector<25088x256xf32>
    %rsqrt3A = math.rsqrt %max3A_64 : vector<25088x256xf32>
    %mul3A_65 = arith.mulf %max3A_64, %rsqrt3A : vector<25088x256xf32>
    %sub3A = arith.constant 1.000000e+00 : f32
    %sub3A_66 = vector.broadcast %sub3A : f32 to vector<25088x256xf32>
    %sub3A_67 = arith.subf %sub3A_66, %mul3A_65 : vector<25088x256xf32>
    %max3A_68 = arith.constant 0.000000e+00 : f32
    %max3A_69 = vector.broadcast %max3A_68 : f32 to vector<25088x256xf32>
    %max3A_70 = arith.maximumf %sub3A_67, %max3A_69 : vector<25088x256xf32>
    %reduce_sum3A_71 = arith.constant dense<0.000000e+00> : vector<256xf32>
    %reduce_sum3A_72 = vector.multi_reduction <add>, %max3A_70, %reduce_sum3A_71 [0] : vector<25088x256xf32> to vector<256xf32>
    %broadcast_in_dim3A_73 = vector.shape_cast %reduce_sum3A_72 : vector<256xf32> to vector<1x1x256xf32>
    %eq3A = arith.constant 0 : i32
    %eq3A_74 = arith.cmpi eq, %rem3A_0, %eq3A : i32
    %convert_element_type3A = arith.extui %eq3A_74 : i1 to i32
    %cond3A = arith.constant 0 : i32
    %cond3A_75 = arith.cmpi ne, %convert_element_type3A, %cond3A : i32
    scf.if %cond3A_75 {
      %swap3A = arith.constant 0 : index
      %swap3A_80 = arith.constant 0 : index
      %swap3A_81 = arith.constant 0 : index
      %swap3A_82 = vector.load %arg3[%swap3A, %swap3A_80, %swap3A_81] : memref<1x1x256xf32, #tpu.memory_space<vmem>>, vector<1x1x256xf32>
      tpu.vector_store %arg3[%swap3A, %swap3A_80, %swap3A_81], %broadcast_in_dim3A_73 {strides = array<i32>} : memref<1x1x256xf32, #tpu.memory_space<vmem>>, vector<1x1x256xf32>,
    } else {
    }
    %ne3A = arith.constant 0 : i32
    %ne3A_76 = arith.cmpi ne, %rem3A_0, %ne3A : i32
    %convert_element_type3A_77 = arith.extui %ne3A_76 : i1 to i32
    %cond3A_78 = arith.constant 0 : i32
    %cond3A_79 = arith.cmpi ne, %convert_element_type3A_77, %cond3A_78 : i32
    scf.if %cond3A_79 {
      %get3A_80 = arith.constant 0 : index
      %get3A_81 = arith.constant 0 : index
      %get3A_82 = arith.constant 0 : index
      %get3A_83 = vector.load %arg3[%get3A_80, %get3A_81, %get3A_82] : memref<1x1x256xf32, #tpu.memory_space<vmem>>, vector<1x1x256xf32>
      %add3A_84 = arith.addf %get3A_83, %broadcast_in_dim3A_73 : vector<1x1x256xf32>
      %swap3A = arith.constant 0 : index
      %swap3A_85 = arith.constant 0 : index
      %swap3A_86 = arith.constant 0 : index
      %swap3A_87 = vector.load %arg3[%swap3A, %swap3A_85, %swap3A_86] : memref<1x1x256xf32, #tpu.memory_space<vmem>>, vector<1x1x256xf32>
      tpu.vector_store %arg3[%swap3A, %swap3A_85, %swap3A_86], %add3A_84 {strides = array<i32>} : memref<1x1x256xf32, #tpu.memory_space<vmem>>, vector<1x1x256xf32>,
    } else {
    }
    return
  }
  func.func @transform_0(%arg0: i32) -> (i32, i32, i32) {
    %jit3A = arith.constant 2 : i32
    %div3A = arith.divsi %arg0, %jit3A : i32
    %sign3A = arith.constant 0 : i32
    %sign3A_0 = arith.cmpi sgt, %arg0, %sign3A : i32
    %sign3A_1 = arith.extui %sign3A_0 : i1 to i32
    %sign3A_2 = arith.constant 0 : i32
    %sign3A_3 = arith.cmpi slt, %arg0, %sign3A_2 : i32
    %sign3A_4 = arith.extui %sign3A_3 : i1 to i32
    %sign3A_5 = arith.subi %sign3A_1, %sign3A_4 : i32
    %sign3A_6 = arith.constant 0 : i32
    %sign3A_7 = arith.cmpi sgt, %jit3A, %sign3A_6 : i32
    %sign3A_8 = arith.extui %sign3A_7 : i1 to i32
    %sign3A_9 = arith.constant 0 : i32
    %sign3A_10 = arith.cmpi slt, %jit3A, %sign3A_9 : i32
    %sign3A_11 = arith.extui %sign3A_10 : i1 to i32
    %sign3A_12 = arith.subi %sign3A_8, %sign3A_11 : i32
    %ne3A = arith.cmpi ne, %sign3A_5, %sign3A_12 : i32
    %rem3A = arith.remsi %arg0, %jit3A : i32
    %ne3A_13 = arith.constant 0 : i32
    %ne3A_14 = arith.cmpi ne, %rem3A, %ne3A_13 : i32
    %and3A = arith.andi %ne3A, %ne3A_14 : i1
    %sub3A = arith.constant 1 : i32
    %sub3A_15 = arith.subi %div3A, %sub3A : i32
    %select_n3A = arith.select %and3A, %sub3A_15, %div3A : i32
    %jit3A_16 = arith.constant 2 : i32
    %eq3A = arith.constant 0 : i32
    %eq3A_17 = arith.cmpi eq, %jit3A_16, %eq3A : i32
    %jit3A_18 = arith.constant 1 : i32
    %select_n3A_19 = arith.select %eq3A_17, %jit3A_18, %jit3A_16 : i32
    %rem3A_20 = arith.remsi %arg0, %select_n3A_19 : i32
    %ne3A_21 = arith.constant 0 : i32
    %ne3A_22 = arith.cmpi ne, %rem3A_20, %ne3A_21 : i32
    %lt3A = arith.constant 0 : i32
    %lt3A_23 = arith.cmpi slt, %rem3A_20, %lt3A : i32
    %lt3A_24 = arith.constant 0 : i32
    %lt3A_25 = arith.cmpi slt, %select_n3A_19, %lt3A_24 : i32
    %ne3A_26 = arith.xori %lt3A_23, %lt3A_25 : i1
    %and3A_27 = arith.andi %ne3A_26, %ne3A_22 : i1
    %add3A = arith.addi %rem3A_20, %select_n3A_19 : i32
    %select_n3A_28 = arith.select %and3A_27, %add3A, %rem3A_20 : i32
    %c0_i32 = arith.constant 0 : i32
    %c0_i32_29 = arith.constant 0 : i32
    return %select_n3A, %c0_i32, %select_n3A_28 : i32, i32, i32
  }
  func.func @transform_1(%arg0: i32) -> (i32, i32, i32) {
    %jit3A = arith.constant 2 : i32
    %div3A = arith.divsi %arg0, %jit3A : i32
    %sign3A = arith.constant 0 : i32
    %sign3A_0 = arith.cmpi sgt, %arg0, %sign3A : i32
    %sign3A_1 = arith.extui %sign3A_0 : i1 to i32
    %sign3A_2 = arith.constant 0 : i32
    %sign3A_3 = arith.cmpi slt, %arg0, %sign3A_2 : i32
    %sign3A_4 = arith.extui %sign3A_3 : i1 to i32
    %sign3A_5 = arith.subi %sign3A_1, %sign3A_4 : i32
    %sign3A_6 = arith.constant 0 : i32
    %sign3A_7 = arith.cmpi sgt, %jit3A, %sign3A_6 : i32
    %sign3A_8 = arith.extui %sign3A_7 : i1 to i32
    %sign3A_9 = arith.constant 0 : i32
    %sign3A_10 = arith.cmpi slt, %jit3A, %sign3A_9 : i32
    %sign3A_11 = arith.extui %sign3A_10 : i1 to i32
    %sign3A_12 = arith.subi %sign3A_8, %sign3A_11 : i32
    %ne3A = arith.cmpi ne, %sign3A_5, %sign3A_12 : i32
    %rem3A = arith.remsi %arg0, %jit3A : i32
    %ne3A_13 = arith.constant 0 : i32
    %ne3A_14 = arith.cmpi ne, %rem3A, %ne3A_13 : i32
    %and3A = arith.andi %ne3A, %ne3A_14 : i1
    %sub3A = arith.constant 1 : i32
    %sub3A_15 = arith.subi %div3A, %sub3A : i32
    %select_n3A = arith.select %and3A, %sub3A_15, %div3A : i32
    %c0_i32 = arith.constant 0 : i32
    %c0_i32_16 = arith.constant 0 : i32
    %c0_i32_17 = arith.constant 0 : i32
    return %select_n3A, %c0_i32, %c0_i32_16 : i32, i32, i32
  }
  func.func @transform_2(%arg0: i32) -> (i32, i32, i32) {
    %jit3A = arith.constant 2 : i32
    %div3A = arith.divsi %arg0, %jit3A : i32
    %sign3A = arith.constant 0 : i32
    %sign3A_0 = arith.cmpi sgt, %arg0, %sign3A : i32
    %sign3A_1 = arith.extui %sign3A_0 : i1 to i32
    %sign3A_2 = arith.constant 0 : i32
    %sign3A_3 = arith.cmpi slt, %arg0, %sign3A_2 : i32
    %sign3A_4 = arith.extui %sign3A_3 : i1 to i32
    %sign3A_5 = arith.subi %sign3A_1, %sign3A_4 : i32
    %sign3A_6 = arith.constant 0 : i32
    %sign3A_7 = arith.cmpi sgt, %jit3A, %sign3A_6 : i32
    %sign3A_8 = arith.extui %sign3A_7 : i1 to i32
    %sign3A_9 = arith.constant 0 : i32
    %sign3A_10 = arith.cmpi slt, %jit3A, %sign3A_9 : i32
    %sign3A_11 = arith.extui %sign3A_10 : i1 to i32
    %sign3A_12 = arith.subi %sign3A_8, %sign3A_11 : i32
    %ne3A = arith.cmpi ne, %sign3A_5, %sign3A_12 : i32
    %rem3A = arith.remsi %arg0, %jit3A : i32
    %ne3A_13 = arith.constant 0 : i32
    %ne3A_14 = arith.cmpi ne, %rem3A, %ne3A_13 : i32
    %and3A = arith.andi %ne3A, %ne3A_14 : i1
    %sub3A = arith.constant 1 : i32
    %sub3A_15 = arith.subi %div3A, %sub3A : i32
    %select_n3A = arith.select %and3A, %sub3A_15, %div3A : i32
    %c0_i32 = arith.constant 0 : i32
    %c0_i32_16 = arith.constant 0 : i32
    %c0_i32_17 = arith.constant 0 : i32
    return %select_n3A, %c0_i32, %c0_i32_16 : i32, i32, i32
  }
}

</mosaic_0001>

<sc_bundles>
// kernel: kernel.5.cloned.1.call-start
scs
__scs_entry_jumppad:
0x0: {  	(pc) =	sbr.rel $0x88, $3  }
0x1: {  	(tag) =	ssettag $0x0;
	lr =	simm.s32 $0x1  }
0x2: {  	[smem:$0x3F9F] =	sst lr;
	_ =	strace $0xD0000000  }
0x3: {  	_ = 	snop  }
0x4: {  	_ = 	snop  }
0x5: {  	_ = 	snop  }
0x6: {  	_ = 	snop  }
0x7: {  	_ = 	snop  }
__scs_overlays_trampoline_lowered:
0x8: {  	[smem:$0x3FAE] =	sst s0  }
0x9: {  	[smem:$0x3FAF] =	sst s1  }
0xa: {  	[smem:$0x3FB0] =	sst s2  }
0xb: {  	[smem:$0x3FB1] =	sst s3  }
0xc: {  	[smem:$0x3FB2] =	sst s4  }
0xd: {  	[smem:$0x3FB3] =	sst s5  }
0xe: {  	[smem:$0x3FB4] =	sst s6  }
0xf: {  	[smem:$0x3FB5] =	sst s7  }
0x10: {  	[smem:$0x3FB6] =	sst s8  }
0x11: {  	[smem:$0x3FB7] =	sst s9;
	s0 =	simm.s32 @!p0 $0x0  }
0x12: {  	s1 =	sld [smem:$0x3F9D];
	s0 =	simm.s32 @p0 $0x1  }
0x13: {  	[smem:$0x3FB8] =	sst s0;
	s0 =	simm.s32 @!p1 $0x0  }
0x14: {  	s2 =	sld [smem:$0x3F9C];
	s0 =	simm.s32 @p1 $0x1  }
0x15: {  	[smem:$0x3FB9] =	sst s0;
	s0 =	simm.s32 @!p2 $0x0  }
0x16: {  	s3 =	sld [smem:$0x3FDB];
	s0 =	simm.s32 @p2 $0x1  }
0x17: {  	s4 =	simm.s32 $0x1BF5;
	[smem:$0x3FBB] =	sst s0  }
0x18: {  	s0 =	sld [smem:$0x3F9E];
	_ =	swait.ge [sflag:s4], $0x0  }
0x19: {  	s7 =	sld [smem:$0x3F9F]  }
0x1a: {  	s8 =	sadd.s32 $0xFFFFE003, lr  }
0x1b: {  	s9 =	sadd.s32 $0xFFFFFEF7, lr;
	s5 =	simm.s32 $0xFFFFFFFF;
	p2 =	slt.u32 s8, $0xFFFFF086  }
0x1c: {  	p1 =	slt.u32 s9, $0xF7A;
	s5 =	simm.s32 @!p2 $0x0  }
0x1d: {  	s5 =	simm.s32 @p1 $0x1;
	p0 =	seq.s32 s7, s2  }
0x1e: {  	s7 =	smul.u32 @!p0 $0xF7A, s2;
	p2 =	seq.s32 @!p0 s5, $0x0  }
0x1f: {  	s9 =	smul.u32 $0xF7A, s1;
	s8 =	simm.s32 @!p0 $0x1BF5;
	p2 =	por !p2, p0  }
0x20: {  	[sflag:s8] =	ssyncset.s32 @!p0 $0xFFFFF086;
	s6 =	sadd.s32 @!p0 s3, s7;
	s7 =	simm.s32 @!p0 $0x108  }
0x21: {  	s3 =	sadd.s32 s3, s9;
	s6 =	sadd.s32 @!p0 $0x88, s6;
	s7 =	simm.s32 @p2 $0x1082  }
0x22: {  	[simem:s7], [sflag:s8] =	dma.local @!p0 [hbm:s6], $0xF7A  }
0x23: {  	s9 =	sor.u32 $0xD0000000, s2;
	s6 =	simm.s32 $0x108;
	_ =	swait.ge @!p0 [sflag:s8], $0x0  }
0x24: {  	s3 =	sadd.s32 $0x88, s3;
	s6 =	simm.s32 @!p1 $0x1082;
	[sflag:s4] =	ssyncset.s32 $0xFFFFF086  }
0x25: {  	[simem:s6], [sflag:s4] =	dma.local [hbm:s3], $0xF7A  }
0x26: {  	[smem:$0x3F9F] =	sst s1;
	(tag) =	ssettag s2;
	_ =	strace s9  }
0x27: {  	s1 =	sld [smem:$0x3FAF]  }
0x28: {  	s2 =	sld [smem:$0x3FB0]  }
0x29: {  	s4 =	sld [smem:$0x3FB2]  }
0x2a: {  	p0 =	seq.s32 s5, $0x0;
	s5 =	sld [smem:$0x3FB3]  }
0x2b: {  	s6 =	sld [smem:$0x3FB4]  }
0x2c: {  	s7 =	sld [smem:$0x3FB5]  }
0x2d: {  	s3 =	simm.s32 $0x108;
	s8 =	sld [smem:$0x3FB6]  }
0x2e: {  	s3 =	simm.s32 @!p0 $0x1082;
	s9 =	sld [smem:$0x3FB7]  }
0x2f: {  	lr =	sadd.s32 s0, s3;
	s0 =	sld [smem:$0x3FAE]  }
0x30: {  	s3 =	sld [smem:$0x3FB1]  }
0x31: {  	[smem:$0x3FBA] =	sst s10  }
0x32: {  	s10 =	sld [smem:$0x3FB8];
	_ =	sdelay $0x3  }
0x33: {  	p0 =	seq.s32 s10, $0x1;
	s10 =	sld [smem:$0x3FBA];
	_ =	sdelay $0x3  }
0x34: {  	[smem:$0x3FBA] =	sst s10  }
0x35: {  	s10 =	sld [smem:$0x3FB9];
	_ =	sdelay $0x3  }
0x36: {  	p1 =	seq.s32 s10, $0x1;
	s10 =	sld [smem:$0x3FBA];
	_ =	sdelay $0x3  }
0x37: {  	[smem:$0x3FBA] =	sst s10  }
0x38: {  	s10 =	sld [smem:$0x3FBB]  }
0x39: {  	_ = 	snop;
	(pc) =	sbr.ind lr, $3  }
0x3a: {  	_ = 	snop  }
0x3b: {  	_ = 	snop  }
0x3c: {  	p2 =	seq.s32 s10, $0x1;
	s10 =	sld [smem:$0x3FBA]  }
0x3d: {  	_ =	shalt  }
0x3e: {  	_ =	shalt  }
0x3f: {  	_ =	shalt  }
0x40: {  	_ =	shalt  }
0x41: {  	_ =	shalt  }
0x42: {  	_ =	shalt  }
0x43: {  	_ =	shalt  }
0x44: {  	_ =	shalt  }
0x45: {  	_ =	shalt  }
0x46: {  	_ =	shalt  }
0x47: {  	_ =	shalt  }
0x48: {  	_ =	shalt  }
0x49: {  	_ =	shalt  }
0x4a: {  	_ =	shalt  }
0x4b: {  	_ =	shalt  }
0x4c: {  	_ =	shalt  }
0x4d: {  	_ =	shalt  }
0x4e: {  	_ =	shalt  }
0x4f: {  	_ =	shalt  }
0x50: {  	_ =	shalt  }
0x51: {  	_ =	shalt  }
0x52: {  	_ =	shalt  }
0x53: {  	_ =	shalt  }
0x54: {  	_ =	shalt  }
0x55: {  	_ =	shalt  }
0x56: {  	_ =	shalt  }
0x57: {  	_ =	shalt  }
0x58: {  	_ =	shalt  }
0x59: {  	_ =	shalt  }
0x5a: {  	_ =	shalt  }
0x5b: {  	_ =	shalt  }
0x5c: {  	_ =	shalt  }
0x5d: {  	_ =	shalt  }
0x5e: {  	_ =	shalt  }
0x5f: {  	_ =	shalt  }
0x60: {  	_ =	shalt  }
0x61: {  	_ =	shalt  }
0x62: {  	_ =	shalt  }
0x63: {  	_ =	shalt  }
0x64: {  	_ =	shalt  }
0x65: {  	_ =	shalt  }
0x66: {  	_ =	shalt  }
0x67: {  	_ =	shalt  }
0x68: {  	_ =	shalt  }
0x69: {  	_ =	shalt  }
0x6a: {  	_ =	shalt  }
0x6b: {  	_ =	shalt  }
0x6c: {  	_ =	shalt  }
0x6d: {  	_ =	shalt  }
0x6e: {  	_ =	shalt  }
0x6f: {  	_ =	shalt  }
0x70: {  	_ =	shalt  }
0x71: {  	_ =	shalt  }
0x72: {  	_ =	shalt  }
0x73: {  	_ =	shalt  }
0x74: {  	_ =	shalt  }
0x75: {  	_ =	shalt  }
0x76: {  	_ =	shalt  }
0x77: {  	_ =	shalt  }
0x78: {  	_ =	shalt  }
0x79: {  	_ =	shalt  }
0x7a: {  	_ =	shalt  }
0x7b: {  	_ =	shalt  }
0x7c: {  	_ =	shalt  }
0x7d: {  	_ =	shalt  }
0x7e: {  	_ =	shalt  }
0x7f: {  	_ =	shalt  }
0x80: {  	_ =	shalt  }
0x81: {  	_ =	shalt  }
0x82: {  	_ =	shalt  }
0x83: {  	_ =	shalt  }
0x84: {  	_ =	shalt  }
0x85: {  	_ =	shalt  }
0x86: {  	_ =	shalt  }
0x87: {  	_ =	shalt  }
.Lfunc_end0:
.L_simem_size_0:
called_computation_lowered:
.L_overlay_start_0:
0x88: {  	s2 =	sld [smem:$0x3FD9]  }
0x89: {  	s3 =	sld [smem:$0x3FFE];
	_ =	sdelay $0x1  }
0x8a: {  	s1 =	srdreg.scid  }
0x8b: {  	s0 =	sand.u32 $0x1, s1  }
0x8c: {  	s16 =	sshll.u32 s0, $0xA;
	s2 =	sadd.s32 s3, s2  }
0x8d: {  	s2 =	sadd.s32 s2, s16  }
0x8e: {  	[smem:$0x3FC6] =	sst s2  }
0x8f: {  	_ = 	snop  }
0x90: {  	(tm) =	ssettm $0x1  }
0x91: {  	s17 =	sld [smem:$0x3FFB];
	_ =	sdelay $0x3  }
0x92: {  	_ =	strace s17  }
0x93: {  	s2 =	sld [smem:$0x3FFC];
	_ =	sdelay $0x3  }
0x94: {  	_ =	strace s2  }
0x95: {  	s2 =	sld [smem:$0x3FFD];
	_ =	sdelay $0x3  }
0x96: {  	_ =	strace s2  }
0x97: {  	_ =	strace $0x8FFFFFFF  }
0x98: {  	s18 =	sld [smem:$0x3FDB];
	_ =	sdelay $0x1  }
0x99: {  	s19 =	simm.s32 $_scs_section_size  }
0x9a: {  	s4 =	simm.s32 $_size__tile_overlayer_lowered;
	s5 =	simm.s32 $_tile_overlayer_lowered  }
0x9b: {  	s22 =	simm.s32 $0x1BFF;
	s21 =	sshll.u32 s5, $0x1;
	s2 =	sadd.s32 s19, s18  }
0x9c: {  	s6 =	simm.s32 $0x0;
	s20 =	sshll.u32 s4, $0x1;
	s4 =	sadd.s32 s21, s2  }
0x9d: {  	[timem:s6], [sflag:s22] =	dma.local [hbm:s4], s20  }
0x9e: {  	_ =	swait.ge [sflag:s22], s20  }
0x9f: {  	s3 =	ssub.s32 $0x0, s20;
	[sflag:s22] =	ssyncset.done $0x0  }
0xa0: {  	[sflag:s22] =	ssyncadd.s32 s3;
	_ =	sdelay $0x1  }
0xa1: {  	s23 =	simm.s32 $0x1B8B  }
0xa2: {  	_ =	swait.ge [sflag:s23], $0x1  }
0xa3: {  	[sflag:s23] =	ssyncset.done $0x0  }
0xa4: {  	s25 =	simm.s32 $0x1B8E;
	s24 =	sld [smem:$0x3FFE];
	[sflag:s23] =	ssyncadd.s32 $0xFFFFFFFF  }
0xa5: {  	s26 =	simm.s32 $execute0_lowered;
	[smem:$0x3FD2] =	sst s25  }
0xa6: {  	s4 =	sshll.u32 s26, $0x1;
	_ =	strace $0x80000046;
	[dreg:$0x1] =	wrdreg $0xFFFFFFFF  }
0xa7: {  	s28 =	simm.s32 $_size_execute0_lowered;
	s2 =	sadd.s32 s2, s4;
	[dreg:$0x0] =	wrdreg $0x0  }
0xa8: {  	s4 =	sshll.u32 s28, $0x1;
	[dreg:$0x2] =	wrdreg s2  }
0xa9: {  	[dreg:$0x3] =	wrdreg s4  }
0xaa: {  	[dreg:$0x4] =	wrdreg $0xC0  }
0xab: {  	_ =	task [dreg:s6], $0x5FFFF  }
0xac: {  	[dreg:$0x1] =	wrdreg $0xFFFFFFFF  }
0xad: {  	[dreg:$0x0] =	wrdreg $0x60  }
0xae: {  	[dreg:$0x2] =	wrdreg s24  }
0xaf: {  	[dreg:$0x3] =	wrdreg $0x7A000  }
0xb0: {  	[dreg:$0x4] =	wrdreg $0x9  }
0xb1: {  	_ =	task.clear_ibuf [dreg:s6], $0x5FFFF;
	_ =	strace $0x90000046  }
0xb2: {  	s29 =	simm.s32 $0x9;
	_ =	strace $0x80000048  }
0xb3: {  	_ =	swait.ge [sflag:s29], $0x1  }
0xb4: {  	[sflag:s29] =	ssyncadd.s32 $0xFFFFFFFF  }
0xb5: {  	_ =	strace $0x90000048  }
0xb6: {  	_ =	sfence  }
0xb7: {  	s30 =	sld [smem:$0x0];
	_ =	sdelay $0x2  }
0xb8: {  	s31 =	sshll.u32 s1, $0xD;
	s1 =	sshrl.u32 s1, $0x2  }
0xb9: {  	s3 =	sand.u32 $0x4000, s31;
	s1 =	sadd.s32 s1, s30  }
0xba: {  	s0 =	sor.u32 s3, s0;
	s1 =	sshll.u32 s1, $0x11  }
0xbb: {  	s0 =	sor.u32 s1, s0  }
0xbc: {  	s0 =	sadd.s32 $0x8F2B, s0  }
0xbd: {  	[sflag:s0] =	ssyncadd.remote.s32 $0x1  }
0xbe: {  	_ =	sfence.sel $0xFFFF  }
0xbf: {  	[dreg:$0x0] =	wrdreg $0xFFFFFFFF;
	(pc) =	sbr.abs _section_cstart, $3  }
0xc0: {  	[dreg:$0x1] =	wrdreg $0xFFFFFFFF  }
0xc1: {  	_ =	task.clear_ibuf [dreg:s6], $0x2FFFF;
	_ =	strace $0x9FFFFFFF  }
0xc2: {  	(tm) =	ssettm $0x7FFFFFFF  }
0xc3: {  	_ =	shalt  }
tec
execute0_lowered:
.L_overlay_start_1:
0x0: {  	(tag) =	ssettag $0x1  }
0x1: {  	s0 =	srdreg.scid;
	s4 =	rddreg [dreg:$0x0]  }
0x2: {  	s18 =	stileid.u32;
	s1 =	rddreg [dreg:$0x1];
	s2 =	simm.s32 $0x0  }
0x3: {  	s11 =	simm.s32 $0xC80;
	s12 =	simm.s32 $0x18C0;
	s13 =	simm.s32 $0x2500  }
0x4: {  	s14 =	simm.s32 $0x3180;
	s15 =	simm.s32 $0x4280;
	s16 =	simm.s32 $0x5380  }
0x5: {  	s17 =	simm.s32 $0x6480;
	s19 =	simm.s32 $0x7E40;
	s5 =	smul.u32 $0xC40, s18  }
0x6: {  	s3 =	sand.u32 $0x1, s0;
	s0 =	rddreg [dreg:$0x2];
	s30 =	smul.u32 $0x1100, s18  }
0x7: {  	s20 =	simm.s32 $0x0;
	[smem:$0x7FF] =	sst s2;
	s6 =	smul.u32 $0xC400, s3  }
0x8: {  	p0 =	sne.s32 s18, $0x0;
	s18 =	simm.s32 $0x7580;
	s7 =	smul.u32 $0x88, s3  }
0x9: {  	s8 =	smul.u32 $0x24C00, s3;
	_ =	strace $0x80000047;
	s3 =	ssub.s32 $0x2, s3  }
0xa: {  	s29 =	sshrl.u32 s3, $0x1;
	s31 =	sshrl.u32 s30, $0x2;
	s6 =	sadd.s32 s5, s6  }
.Ltmp0:
0xb: {  	s9 =	sadd.s32 s7, s4;
	s5 =	sadd.s32 s5, s8;
	(pc) =	sbr.rel .LBB2_1-.Ltmp0, $4  }
0xc: {  	s10 =	ssub.s32 s3, s29;
	s7 =	sadd.s32 s31, s1;
	s6 =	sshrl.u32 s6, $0x3  }
0xd: {  	s5 =	sshrl.u32 s5, $0x3;
	s8 =	sadd.s32 $0xC600, s9;
	s9 =	smax.u32 s10, $0x1  }
0xe: {  	v1 =	vlaneseq.u32;
	s10 =	simm.s32 $0x1;
	s6 =	sadd.s32 s6, s4;
	s4 =	sadd.s32 s4, s5  }
0xf: {  	v0 =	vimm.f32 $0.0e+00;
	v2 =	vimm.f32 $1.000000000e+00;
	v1 =	vmul.u32 $0x110, v1;
	s3 =	sadd.s32 $0x9400, s6;
	s5 =	sadd.s32 $0x1880, s4;
	s6 =	sadd.s32 $0x3100, s4  }
.LBB2_10:
0x10: {  	v62 =	vld [tilespmem:s23+$0x87D0]  }
0x11: {  	v4 =	vadd.f32 v4, v14  }
0x12: {  	v27 =	vld [tilespmem:s23+$0x85B0]  }
0x13: {  	v61 =	vld [tilespmem:s23+$0x8060];
	v25 =	vadd.f32 v26, v25;
	v4 =	vadd.f32 v17, v4  }
0x14: {  	v28 =	vld [tilespmem:s23+$0x84A0]  }
0x15: {  	v29 =	vld [tilespmem:s23+$0x88E0];
	[tilespmem:s21+$0x7580] =	vst v4;
	v17 =	vadd.f32 v62, v25  }
0x16: {  	v31 =	vld [tilespmem:s23+$0x9490]  }
0x17: {  	v17 =	vadd.f32 v22, v17  }
0x18: {  	v33 =	vld [tilespmem:s23+$0x98D0]  }
0x19: {  	v17 =	vadd.f32 v19, v17  }
0x1a: {  	v12 =	vadd.f32 v27, v12;
	v35 =	vld [tilespmem:s23+$0x9D10]  }
0x1b: {  	v17 =	vadd.f32 v31, v17  }
0x1c: {  	v37 =	vld [tilespmem:s23+$0xA150];
	v12 =	vadd.f32 v24, v12  }
0x1d: {  	v17 =	vadd.f32 v33, v17  }
0x1e: {  	v39 =	vld [tilespmem:s23+$0xA590];
	v12 =	vadd.f32 v23, v12  }
0x1f: {  	v17 =	vadd.f32 v35, v17  }
0x20: {  	v41 =	vld [tilespmem:s23+$0xA9D0];
	v12 =	vadd.f32 v20, v12  }
0x21: {  	v17 =	vadd.f32 v37, v17  }
0x22: {  	v43 =	vld [tilespmem:s23+$0xAE10];
	v12 =	vadd.f32 v18, v12  }
0x23: {  	v17 =	vadd.f32 v39, v17  }
0x24: {  	v45 =	vld [tilespmem:s23+$0xB250];
	v12 =	vadd.f32 v16, v12  }
0x25: {  	s22 =	sadd.s32 $0x10, s22;
	v17 =	vadd.f32 v41, v17  }
0x26: {  	s22 =	sand.u32 $0x1F0, s22;
	v47 =	vld [tilespmem:s23+$0xB690];
	v12 =	vadd.f32 v15, v12  }
0x27: {  	v4 =	vld [tilespmem:s22+$0xA8C0];
	v17 =	vadd.f32 v43, v17  }
0x28: {  	v49 =	vld [tilespmem:s23+$0xBAD0];
	v12 =	vadd.f32 v13, v12  }
0x29: {  	v27 =	vld [tilespmem:s22+$0xB140];
	v17 =	vadd.f32 v45, v17  }
0x2a: {  	v30 =	vld [tilespmem:s22+$0xB9C0];
	v11 =	vadd.f32 v11, v12  }
0x2b: {  	v52 =	vld [tilespmem:s23+$0x7E40];
	v16 =	vadd.f32 v47, v17  }
0x2c: {  	v53 =	vld [tilespmem:s23+$0x8280];
	v10 =	vadd.f32 v10, v11  }
0x2d: {  	v54 =	vld [tilespmem:s22+$0xA040];
	v15 =	vadd.f32 v49, v16  }
0x2e: {  	v55 =	vld [tilespmem:s22+$0x97C0];
	v9 =	vadd.f32 v9, v10  }
0x2f: {  	v57 =	vld [tilespmem:s22+$0x86C0];
	v3 =	vadd.f32 v3, v15  }
0x30: {  	v56 =	vld [tilespmem:s22+$0x8F40];
	v8 =	vadd.f32 v8, v9  }
0x31: {  	v14 =	vadd.f32 v28, v61;
	[tilespmem:s23+$0x7690] =	vst v3;
	v3 =	vld [tilespmem:s23+$0x8B00]  }
0x32: {  	v63 =	vld [tilespmem:s23+$0x9160];
	v7 =	vadd.f32 v7, v8;
	v8 =	vadd.f32 v53, v52  }
0x33: {  	v14 =	vadd.f32 v29, v14  }
0x34: {  	v32 =	vld [tilespmem:s23+$0x95A0];
	v8 =	vadd.f32 v57, v8  }
0x35: {  	v59 =	vld [tilespmem:s23+$0x9380];
	v14 =	vadd.f32 v21, v14  }
0x36: {  	v34 =	vld [tilespmem:s23+$0x99E0];
	v3 =	vadd.f32 v3, v8  }
0x37: {  	v14 =	vadd.f32 v63, v14  }
0x38: {  	v36 =	vld [tilespmem:s23+$0x9E20];
	v3 =	vadd.f32 v56, v3  }
0x39: {  	v60 =	vld [tilespmem:s23+$0x9C00];
	v14 =	vadd.f32 v32, v14  }
0x3a: {  	v38 =	vld [tilespmem:s23+$0xA260];
	v3 =	vadd.f32 v59, v3  }
0x3b: {  	v14 =	vadd.f32 v34, v14  }
0x3c: {  	v40 =	vld [tilespmem:s23+$0xA6A0];
	v3 =	vadd.f32 v55, v3  }
0x3d: {  	v61 =	vld [tilespmem:s23+$0xA480];
	v14 =	vadd.f32 v36, v14  }
0x3e: {  	v42 =	vld [tilespmem:s23+$0xAAE0];
	v3 =	vadd.f32 v60, v3  }
0x3f: {  	v14 =	vadd.f32 v38, v14  }
0x40: {  	v44 =	vld [tilespmem:s23+$0xAF20];
	v3 =	vadd.f32 v54, v3  }
0x41: {  	v62 =	vld [tilespmem:s23+$0xAD00];
	v14 =	vadd.f32 v40, v14  }
0x42: {  	v46 =	vld [tilespmem:s23+$0xB360];
	v3 =	vadd.f32 v61, v3  }
0x43: {  	v13 =	vadd.f32 v42, v14  }
0x44: {  	v48 =	vld [tilespmem:s23+$0xB7A0];
	v3 =	vadd.f32 v4, v3  }
0x45: {  	v63 =	vld [tilespmem:s23+$0xB580];
	v12 =	vadd.f32 v44, v13  }
0x46: {  	v50 =	vld [tilespmem:s23+$0xBBE0];
	v3 =	vadd.f32 v62, v3  }
0x47: {  	v11 =	vadd.f32 v46, v12  }
0x48: {  	v51 =	vld [tilespmem:s23+$0xC020];
	v3 =	vadd.f32 v27, v3  }
0x49: {  	v58 =	vld [tilespmem:s23+$0xBE00];
	v10 =	vadd.f32 v48, v11  }
0x4a: {  	v6 =	vadd.f32 v6, v7;
	v3 =	vadd.f32 v63, v3  }
0x4b: {  	v9 =	vadd.f32 v50, v10  }
0x4c: {  	v5 =	vadd.f32 v5, v6;
	v3 =	vadd.f32 v30, v3  }
0x4d: {  	v9 =	vadd.f32 v51, v9  }
0x4e: {  	[tilespmem:s23+$0x78B0] =	vst v5;
	v3 =	vadd.f32 v58, v3  }
0x4f: {  	[tilespmem:s23+$0x77A0] =	vst v9  }
0x50: {  	[tilespmem:s23+$0x7580] =	vst v3  }
0x51: {  	[hbm4b:s8+s2] =	stream.linear.scatter [tilespmem:s18], [sflag:$0x1], $0x440, $0x38;
	[tilespmem:$0xC240] =	vst v63  }
0x52: {  	_ =	swait.ge [sflag:s10], $0x440  }
0x53: {  	[sflag:s10] =	ssyncset.done $0x0  }
0x54: {  	[sflag:s10] =	ssyncadd.s32 $0xFFFFFBC0  }
.LBB2_11:
0x55: {  	s20 =	sadd.s32 $0x1, s20  }
0x56: {  	p1 =	sne.s32 s20, s9  }
.Ltmp1:
0x57: {  	_ = 	snop;
	(pc) =	sbr.rel @!p1 .LBB2_12-.Ltmp1, $1  }
0x58: {  	_ =	sdelay $0x3  }
.LBB2_1:
0x59: {  	[tilespmem:s2], [sflag:$0x1] =	stream.linear.gather [hbm4b:s3+s2], $0xC40, $0x38;
	[tilespmem:$0xC240] =	vst v63  }
0x5a: {  	_ =	swait.ge [sflag:s10], $0xC40  }
0x5b: {  	[sflag:s10] =	ssyncset.done $0x0  }
0x5c: {  	[sflag:s10] =	ssyncadd.s32 $0xFFFFF3C0  }
0x5d: {  	[tilespmem:s11], [sflag:$0x1] =	stream.linear.gather [hbm4b:s4+s2], $0xC40, $0x38;
	[tilespmem:$0xC240] =	vst v63  }
0x5e: {  	_ =	swait.ge [sflag:s10], $0xC40  }
0x5f: {  	[sflag:s10] =	ssyncset.done $0x0  }
0x60: {  	[sflag:s10] =	ssyncadd.s32 $0xFFFFF3C0  }
0x61: {  	[tilespmem:s12], [sflag:$0x1] =	stream.linear.gather [hbm4b:s5+s2], $0xC40, $0x38;
	[tilespmem:$0xC240] =	vst v63  }
0x62: {  	_ =	swait.ge [sflag:s10], $0xC40  }
0x63: {  	[sflag:s10] =	ssyncset.done $0x0  }
0x64: {  	[sflag:s10] =	ssyncadd.s32 $0xFFFFF3C0  }
0x65: {  	[tilespmem:s13], [sflag:$0x1] =	stream.linear.gather [hbm4b:s6+s2], $0xC40, $0x38;
	[tilespmem:$0xC240] =	vst v63  }
0x66: {  	_ =	swait.ge [sflag:s10], $0xC40  }
0x67: {  	[sflag:s10] =	ssyncset.done $0x0  }
0x68: {  	s21 =	simm.s32 $0x0;
	[sflag:s10] =	ssyncadd.s32 $0xFFFFF3C0  }
.LBB2_2:
0x69: {  	p1 =	sne.s32 s21, $0x43C0  }
.Ltmp2:
0x6a: {  	s22 =	sshra.s32 s21, $0x2;
	(pc) =	sbr.rel @p1 .LBB2_2-.Ltmp2, $4  }
0x6b: {  	[tilespmem:s22+$0x3180] =	vst v0  }
0x6c: {  	[tilespmem:s22+$0x4280] =	vst v0  }
0x6d: {  	[tilespmem:s22+$0x5380] =	vst v0  }
0x6e: {  	s21 =	sadd.s32 $0x40, s21;
	[tilespmem:s22+$0x6480] =	vst v0  }
0x6f: {  	s22 =	simm.s32 $0x0  }
0x70: {  	s21 =	simm.s32 $0x18D0;
	s23 =	simm.s32 $0x10;
	s24 =	simm.s32 $0x0  }
.LBB2_4:
0x71: {  	v3 =	vld [tilespmem:s23+$0xFFFFFFF0];
	_ =	sdelay $0x4  }
0x72: {  	v3 =	vadd.s32 v1, v3;
	_ =	sdelay $0x4  }
0x73: {  	[tilespmem:v3+s14+$0x0] =	vst.idx.add.f32.msk $0xffff, v2  }
0x74: {  	v4 =	vld [tilespmem:s21+$0xFFFFF3B0];
	_ =	sdelay $0x4  }
0x75: {  	[tilespmem:v3+s15+$0x0] =	vst.idx.add.f32.msk $0xffff, v4  }
0x76: {  	v4 =	vld [tilespmem:s21+$0xFFFFFFF0];
	_ =	sdelay $0x4  }
0x77: {  	s25 =	sand.u32 $0xFE0, s24;
	[tilespmem:v3+s16+$0x0] =	vst.idx.add.f32.msk $0xffff, v4  }
0x78: {  	v4 =	vld [tilespmem:s25+$0x2500];
	_ =	sdelay $0x4  }
0x79: {  	[tilespmem:v3+s17+$0x0] =	vst.idx.add.f32.msk $0xffff, v4  }
0x7a: {  	v3 =	vld [tilespmem:s23+$0x0];
	_ =	sdelay $0x4  }
0x7b: {  	v3 =	vadd.s32 v1, v3;
	_ =	sdelay $0x4  }
0x7c: {  	[tilespmem:v3+s14+$0x0] =	vst.idx.add.f32.msk $0xffff, v2  }
0x7d: {  	v4 =	vld [tilespmem:s21+$0xFFFFF3C0];
	_ =	sdelay $0x4  }
0x7e: {  	[tilespmem:v3+s15+$0x0] =	vst.idx.add.f32.msk $0xffff, v4  }
0x7f: {  	v4 =	vld [tilespmem:s21+$0x0];
	_ =	sdelay $0x4  }
0x80: {  	[tilespmem:v3+s16+$0x0] =	vst.idx.add.f32.msk $0xffff, v4  }
0x81: {  	p1 =	sne.s32 s24, $0xC20;
	v4 =	vld [tilespmem:s21+$0xC40]  }
.Ltmp3:
0x82: {  	_ = 	snop;
	(pc) =	sbr.rel @p1 .LBB2_4-.Ltmp3, $2  }
0x83: {  	_ =	sdelay $0x2  }
0x84: {  	s24 =	sadd.s32 $0x20, s24;
	s23 =	sadd.s32 $0x20, s23;
	s21 =	sadd.s32 $0x20, s21;
	[tilespmem:v3+s17+$0x0] =	vst.idx.add.f32.msk $0xffff, v4  }
0x85: {  	s21 =	simm.s32 $0x3B10  }
0x86: {  	v3 =	vld [tilespmem:s21+$0xFFFFF780]  }
0x87: {  	v4 =	vld [tilespmem:s21+$0xFFFFF670];
	_ =	sdelay $0x1  }
0x88: {  	v5 =	vld [tilespmem:s21+$0xFFFFF890];
	_ =	sdelay $0x1  }
0x89: {  	v6 =	vld [tilespmem:s21+$0xFFFFF9A0]  }
0x8a: {  	v3 =	vadd.f32 v3, v4  }
0x8b: {  	v4 =	vld [tilespmem:s21+$0xFFFFFAB0]  }
0x8c: {  	v3 =	vadd.f32 v5, v3  }
0x8d: {  	v5 =	vld [tilespmem:s21+$0xFFFFFBC0]  }
0x8e: {  	v3 =	vadd.f32 v6, v3  }
0x8f: {  	v6 =	vld [tilespmem:s21+$0xFFFFFCD0]  }
0x90: {  	v3 =	vadd.f32 v4, v3  }
0x91: {  	v4 =	vld [tilespmem:s21+$0xFFFFFDE0]  }
0x92: {  	s24 =	sand.u32 $0x1F0, s22;
	v3 =	vadd.f32 v5, v3  }
0x93: {  	v5 =	vld [tilespmem:s24+$0x3A00]  }
0x94: {  	v3 =	vadd.f32 v6, v3  }
0x95: {  	v6 =	vld [tilespmem:s21+$0x0]  }
0x96: {  	v3 =	vadd.f32 v4, v3  }
0x97: {  	v4 =	vld [tilespmem:s21+$0x110]  }
0x98: {  	v3 =	vadd.f32 v5, v3  }
0x99: {  	v5 =	vld [tilespmem:s21+$0x220]  }
0x9a: {  	v3 =	vadd.f32 v6, v3  }
0x9b: {  	v6 =	vld [tilespmem:s21+$0x330]  }
0x9c: {  	v3 =	vadd.f32 v4, v3  }
0x9d: {  	v4 =	vld [tilespmem:s21+$0x440]  }
0x9e: {  	v3 =	vadd.f32 v5, v3  }
0x9f: {  	v5 =	vld [tilespmem:s21+$0x550]  }
0xa0: {  	v3 =	vadd.f32 v6, v3  }
0xa1: {  	v6 =	vld [tilespmem:s21+$0x660]  }
0xa2: {  	v3 =	vadd.f32 v4, v3;
	_ =	sdelay $0x1  }
0xa3: {  	v3 =	vadd.f32 v5, v3;
	_ =	sdelay $0x1  }
0xa4: {  	v3 =	vadd.f32 v6, v3  }
0xa5: {  	s22 =	simm.s32 $0x77A0  }
0xa6: {  	s23 =	simm.s32 $0x4C10;
	[tilespmem:s22+$0xFFFFFDE0] =	vst v3  }
0xa7: {  	v3 =	vld [tilespmem:s23+$0xFFFFF670]  }
0xa8: {  	v4 =	vld [tilespmem:s23+$0xFFFFF780];
	_ =	sdelay $0x1  }
0xa9: {  	v5 =	vld [tilespmem:s23+$0xFFFFF890];
	_ =	sdelay $0x1  }
0xaa: {  	v6 =	vld [tilespmem:s23+$0xFFFFF9A0]  }
0xab: {  	v3 =	vadd.f32 v4, v3  }
0xac: {  	v4 =	vld [tilespmem:s23+$0xFFFFFAB0]  }
0xad: {  	v3 =	vadd.f32 v5, v3  }
0xae: {  	v5 =	vld [tilespmem:s23+$0xFFFFFBC0]  }
0xaf: {  	v3 =	vadd.f32 v6, v3  }
0xb0: {  	v6 =	vld [tilespmem:s23+$0xFFFFFCD0]  }
0xb1: {  	v3 =	vadd.f32 v4, v3  }
0xb2: {  	v4 =	vld [tilespmem:s23+$0xFFFFFDE0]  }
0xb3: {  	v3 =	vadd.f32 v5, v3  }
0xb4: {  	v5 =	vld [tilespmem:s24+$0x4B00]  }
0xb5: {  	v3 =	vadd.f32 v6, v3  }
0xb6: {  	v6 =	vld [tilespmem:s23+$0x0]  }
0xb7: {  	v3 =	vadd.f32 v4, v3  }
0xb8: {  	v4 =	vld [tilespmem:s23+$0x110]  }
0xb9: {  	v3 =	vadd.f32 v5, v3  }
0xba: {  	v5 =	vld [tilespmem:s23+$0x220]  }
0xbb: {  	v3 =	vadd.f32 v6, v3  }
0xbc: {  	v6 =	vld [tilespmem:s23+$0x330]  }
0xbd: {  	v3 =	vadd.f32 v4, v3  }
0xbe: {  	v4 =	vld [tilespmem:s23+$0x440]  }
0xbf: {  	v3 =	vadd.f32 v5, v3  }
0xc0: {  	v5 =	vld [tilespmem:s23+$0x550]  }
0xc1: {  	v3 =	vadd.f32 v6, v3  }
0xc2: {  	v6 =	vld [tilespmem:s23+$0x660]  }
0xc3: {  	v3 =	vadd.f32 v4, v3;
	_ =	sdelay $0x1  }
0xc4: {  	v3 =	vadd.f32 v5, v3;
	_ =	sdelay $0x1  }
0xc5: {  	v3 =	vadd.f32 v6, v3;
	_ =	sdelay $0x1  }
0xc6: {  	s25 =	simm.s32 $0x5D10;
	[tilespmem:s22+$0xFFFFFEF0] =	vst v3  }
0xc7: {  	v3 =	vld [tilespmem:s25+$0xFFFFF670]  }
0xc8: {  	v4 =	vld [tilespmem:s25+$0xFFFFF780];
	_ =	sdelay $0x1  }
0xc9: {  	v5 =	vld [tilespmem:s25+$0xFFFFF890];
	_ =	sdelay $0x1  }
0xca: {  	v6 =	vld [tilespmem:s25+$0xFFFFF9A0]  }
0xcb: {  	v3 =	vadd.f32 v4, v3  }
0xcc: {  	v4 =	vld [tilespmem:s25+$0xFFFFFAB0]  }
0xcd: {  	v3 =	vadd.f32 v5, v3  }
0xce: {  	v5 =	vld [tilespmem:s25+$0xFFFFFBC0]  }
0xcf: {  	v3 =	vadd.f32 v6, v3  }
0xd0: {  	v6 =	vld [tilespmem:s25+$0xFFFFFCD0]  }
0xd1: {  	v3 =	vadd.f32 v4, v3  }
0xd2: {  	v4 =	vld [tilespmem:s25+$0xFFFFFDE0]  }
0xd3: {  	v3 =	vadd.f32 v5, v3  }
0xd4: {  	v5 =	vld [tilespmem:s24+$0x5C00]  }
0xd5: {  	v3 =	vadd.f32 v6, v3  }
0xd6: {  	v6 =	vld [tilespmem:s25+$0x0]  }
0xd7: {  	v3 =	vadd.f32 v4, v3  }
0xd8: {  	v4 =	vld [tilespmem:s25+$0x110]  }
0xd9: {  	v3 =	vadd.f32 v5, v3  }
0xda: {  	v5 =	vld [tilespmem:s25+$0x220]  }
0xdb: {  	v3 =	vadd.f32 v6, v3  }
0xdc: {  	v6 =	vld [tilespmem:s25+$0x330]  }
0xdd: {  	v3 =	vadd.f32 v4, v3  }
0xde: {  	v4 =	vld [tilespmem:s25+$0x440]  }
0xdf: {  	v3 =	vadd.f32 v5, v3  }
0xe0: {  	v5 =	vld [tilespmem:s25+$0x550]  }
0xe1: {  	v3 =	vadd.f32 v6, v3  }
0xe2: {  	v6 =	vld [tilespmem:s25+$0x660]  }
0xe3: {  	v3 =	vadd.f32 v4, v3;
	_ =	sdelay $0x1  }
0xe4: {  	v3 =	vadd.f32 v5, v3;
	_ =	sdelay $0x1  }
0xe5: {  	v3 =	vadd.f32 v6, v3;
	_ =	sdelay $0x1  }
0xe6: {  	s31 =	simm.s32 $0x6E10;
	[tilespmem:s22+$0x0] =	vst v3  }
0xe7: {  	v3 =	vld [tilespmem:s31+$0xFFFFF670]  }
0xe8: {  	v4 =	vld [tilespmem:s31+$0xFFFFF780];
	_ =	sdelay $0x1  }
0xe9: {  	v5 =	vld [tilespmem:s31+$0xFFFFF890];
	_ =	sdelay $0x1  }
0xea: {  	v6 =	vld [tilespmem:s31+$0xFFFFF9A0]  }
0xeb: {  	v3 =	vadd.f32 v4, v3  }
0xec: {  	v4 =	vld [tilespmem:s31+$0xFFFFFAB0]  }
0xed: {  	v3 =	vadd.f32 v5, v3  }
0xee: {  	v5 =	vld [tilespmem:s31+$0xFFFFFBC0]  }
0xef: {  	v3 =	vadd.f32 v6, v3  }
0xf0: {  	v6 =	vld [tilespmem:s31+$0xFFFFFCD0]  }
0xf1: {  	v3 =	vadd.f32 v4, v3  }
0xf2: {  	v4 =	vld [tilespmem:s31+$0xFFFFFDE0]  }
0xf3: {  	v3 =	vadd.f32 v5, v3  }
0xf4: {  	v5 =	vld [tilespmem:s24+$0x6D00]  }
0xf5: {  	v3 =	vadd.f32 v6, v3  }
0xf6: {  	v6 =	vld [tilespmem:s31+$0x0]  }
0xf7: {  	v3 =	vadd.f32 v4, v3  }
0xf8: {  	v4 =	vld [tilespmem:s31+$0x110]  }
0xf9: {  	v3 =	vadd.f32 v5, v3  }
0xfa: {  	v5 =	vld [tilespmem:s31+$0x220]  }
0xfb: {  	v3 =	vadd.f32 v6, v3  }
0xfc: {  	v6 =	vld [tilespmem:s31+$0x330]  }
0xfd: {  	v3 =	vadd.f32 v4, v3  }
0xfe: {  	v7 =	vld [tilespmem:s31+$0x440]  }
0xff: {  	v3 =	vadd.f32 v5, v3  }
0x100: {  	v4 =	vld [tilespmem:s31+$0x550]  }
0x101: {  	v5 =	vadd.f32 v6, v3  }
0x102: {  	v3 =	vld [tilespmem:s31+$0x660]  }
0x103: {  	s26 =	simm.s32 $0x5D20;
	v5 =	vadd.f32 v7, v5  }
0x104: {  	s28 =	simm.s32 $0x6E20;
	s25 =	simm.s32 $0x77A0;
	s24 =	simm.s32 $0x10  }
.LBB2_6:
0x105: {  	v4 =	vadd.f32 v4, v5;
	s21 =	sadd.s32 $0x10, s21;
	s22 =	sadd.s32 $0x10, s22;
	s23 =	sadd.s32 $0x10, s23  }
0x106: {  	p1 =	sne.s32 s24, $0x100;
	s29 =	smov.u32 s24;
	s24 =	sadd.s32 $0x10, s24  }
0x107: {  	v3 =	vadd.f32 v3, v4;
	_ =	sdelay $0x1  }
0x108: {  	[tilespmem:s25+$0x110] =	vst v3;
	s25 =	smov.u32 s22  }
0x109: {  	v3 =	vld [tilespmem:s21+$0xFFFFF780]  }
0x10a: {  	v4 =	vld [tilespmem:s21+$0xFFFFF670];
	_ =	sdelay $0x1  }
0x10b: {  	v5 =	vld [tilespmem:s21+$0xFFFFF890];
	_ =	sdelay $0x1  }
0x10c: {  	v6 =	vld [tilespmem:s21+$0xFFFFF9A0]  }
0x10d: {  	v3 =	vadd.f32 v3, v4  }
0x10e: {  	v4 =	vld [tilespmem:s21+$0xFFFFFAB0]  }
0x10f: {  	v3 =	vadd.f32 v5, v3  }
0x110: {  	v5 =	vld [tilespmem:s21+$0xFFFFFBC0]  }
0x111: {  	v3 =	vadd.f32 v6, v3  }
0x112: {  	v6 =	vld [tilespmem:s21+$0xFFFFFCD0]  }
0x113: {  	v3 =	vadd.f32 v4, v3  }
0x114: {  	v4 =	vld [tilespmem:s21+$0xFFFFFDE0]  }
0x115: {  	s29 =	sand.u32 $0x1F0, s29;
	v3 =	vadd.f32 v5, v3  }
0x116: {  	v5 =	vld [tilespmem:s29+$0x3A00]  }
0x117: {  	v3 =	vadd.f32 v6, v3  }
0x118: {  	v6 =	vld [tilespmem:s21+$0x0]  }
0x119: {  	v3 =	vadd.f32 v4, v3  }
0x11a: {  	v4 =	vld [tilespmem:s21+$0x110]  }
0x11b: {  	v3 =	vadd.f32 v5, v3  }
0x11c: {  	v5 =	vld [tilespmem:s21+$0x220]  }
0x11d: {  	v3 =	vadd.f32 v6, v3  }
0x11e: {  	v6 =	vld [tilespmem:s21+$0x330]  }
0x11f: {  	v3 =	vadd.f32 v4, v3  }
0x120: {  	v4 =	vld [tilespmem:s21+$0x440]  }
0x121: {  	v3 =	vadd.f32 v5, v3  }
0x122: {  	v5 =	vld [tilespmem:s21+$0x550]  }
0x123: {  	v3 =	vadd.f32 v6, v3  }
0x124: {  	v6 =	vld [tilespmem:s21+$0x660]  }
0x125: {  	v3 =	vadd.f32 v4, v3;
	_ =	sdelay $0x1  }
0x126: {  	v3 =	vadd.f32 v5, v3;
	_ =	sdelay $0x1  }
0x127: {  	v3 =	vadd.f32 v6, v3;
	_ =	sdelay $0x1  }
0x128: {  	[tilespmem:s22+$0xFFFFFDE0] =	vst v3  }
0x129: {  	v3 =	vld [tilespmem:s23+$0xFFFFF670]  }
0x12a: {  	v4 =	vld [tilespmem:s23+$0xFFFFF780];
	_ =	sdelay $0x1  }
0x12b: {  	v5 =	vld [tilespmem:s23+$0xFFFFF890];
	_ =	sdelay $0x1  }
0x12c: {  	v6 =	vld [tilespmem:s23+$0xFFFFF9A0]  }
0x12d: {  	v3 =	vadd.f32 v4, v3  }
0x12e: {  	v4 =	vld [tilespmem:s23+$0xFFFFFAB0]  }
0x12f: {  	v3 =	vadd.f32 v5, v3  }
0x130: {  	v5 =	vld [tilespmem:s23+$0xFFFFFBC0]  }
0x131: {  	v3 =	vadd.f32 v6, v3  }
0x132: {  	v6 =	vld [tilespmem:s23+$0xFFFFFCD0]  }
0x133: {  	v3 =	vadd.f32 v4, v3  }
0x134: {  	v4 =	vld [tilespmem:s23+$0xFFFFFDE0]  }
0x135: {  	v3 =	vadd.f32 v5, v3  }
0x136: {  	v5 =	vld [tilespmem:s29+$0x4B00]  }
0x137: {  	v3 =	vadd.f32 v6, v3  }
0x138: {  	v6 =	vld [tilespmem:s23+$0x0]  }
0x139: {  	v3 =	vadd.f32 v4, v3  }
0x13a: {  	v4 =	vld [tilespmem:s23+$0x110]  }
0x13b: {  	v3 =	vadd.f32 v5, v3  }
0x13c: {  	v5 =	vld [tilespmem:s23+$0x220]  }
0x13d: {  	v3 =	vadd.f32 v6, v3  }
0x13e: {  	v6 =	vld [tilespmem:s23+$0x330]  }
0x13f: {  	v3 =	vadd.f32 v4, v3  }
0x140: {  	v4 =	vld [tilespmem:s23+$0x440]  }
0x141: {  	v3 =	vadd.f32 v5, v3  }
0x142: {  	v5 =	vld [tilespmem:s23+$0x550]  }
0x143: {  	v3 =	vadd.f32 v6, v3  }
0x144: {  	v6 =	vld [tilespmem:s23+$0x660]  }
0x145: {  	v3 =	vadd.f32 v4, v3;
	_ =	sdelay $0x1  }
0x146: {  	v3 =	vadd.f32 v5, v3;
	_ =	sdelay $0x1  }
0x147: {  	v3 =	vadd.f32 v6, v3;
	_ =	sdelay $0x1  }
0x148: {  	[tilespmem:s22+$0xFFFFFEF0] =	vst v3  }
0x149: {  	v3 =	vld [tilespmem:s26+$0xFFFFF670]  }
0x14a: {  	v4 =	vld [tilespmem:s26+$0xFFFFF780];
	_ =	sdelay $0x1  }
0x14b: {  	v5 =	vld [tilespmem:s26+$0xFFFFF890];
	_ =	sdelay $0x1  }
0x14c: {  	v6 =	vld [tilespmem:s26+$0xFFFFF9A0]  }
0x14d: {  	v3 =	vadd.f32 v4, v3  }
0x14e: {  	v4 =	vld [tilespmem:s26+$0xFFFFFAB0]  }
0x14f: {  	v3 =	vadd.f32 v5, v3  }
0x150: {  	v5 =	vld [tilespmem:s26+$0xFFFFFBC0]  }
0x151: {  	v3 =	vadd.f32 v6, v3  }
0x152: {  	v6 =	vld [tilespmem:s26+$0xFFFFFCD0]  }
0x153: {  	v3 =	vadd.f32 v4, v3  }
0x154: {  	v4 =	vld [tilespmem:s26+$0xFFFFFDE0]  }
0x155: {  	v3 =	vadd.f32 v5, v3  }
0x156: {  	v5 =	vld [tilespmem:s29+$0x5C00]  }
0x157: {  	v3 =	vadd.f32 v6, v3  }
0x158: {  	v6 =	vld [tilespmem:s26+$0x0]  }
0x159: {  	v3 =	vadd.f32 v4, v3  }
0x15a: {  	v4 =	vld [tilespmem:s26+$0x110]  }
0x15b: {  	v3 =	vadd.f32 v5, v3  }
0x15c: {  	v5 =	vld [tilespmem:s26+$0x220]  }
0x15d: {  	v3 =	vadd.f32 v6, v3  }
0x15e: {  	v6 =	vld [tilespmem:s26+$0x330]  }
0x15f: {  	v3 =	vadd.f32 v4, v3  }
0x160: {  	v4 =	vld [tilespmem:s26+$0x440]  }
0x161: {  	v3 =	vadd.f32 v5, v3  }
0x162: {  	v5 =	vld [tilespmem:s26+$0x550]  }
0x163: {  	v3 =	vadd.f32 v6, v3  }
0x164: {  	v6 =	vld [tilespmem:s26+$0x660]  }
0x165: {  	v3 =	vadd.f32 v4, v3;
	_ =	sdelay $0x1  }
0x166: {  	v3 =	vadd.f32 v5, v3;
	_ =	sdelay $0x1  }
0x167: {  	v3 =	vadd.f32 v6, v3;
	_ =	sdelay $0x1  }
0x168: {  	[tilespmem:s22+$0x0] =	vst v3  }
0x169: {  	v3 =	vld [tilespmem:s28+$0xFFFFF670]  }
0x16a: {  	v4 =	vld [tilespmem:s28+$0xFFFFF780]  }
0x16b: {  	v5 =	vld [tilespmem:s28+$0xFFFFF890]  }
0x16c: {  	v6 =	vld [tilespmem:s28+$0xFFFFF9A0]  }
0x16d: {  	v7 =	vld [tilespmem:s28+$0xFFFFFAB0]  }
0x16e: {  	v8 =	vld [tilespmem:s28+$0xFFFFFBC0]  }
0x16f: {  	v3 =	vadd.f32 v4, v3;
	v9 =	vld [tilespmem:s28+$0xFFFFFCD0]  }
0x170: {  	v10 =	vld [tilespmem:s28+$0xFFFFFDE0]  }
0x171: {  	v3 =	vadd.f32 v5, v3;
	v5 =	vld [tilespmem:s29+$0x6D00]  }
0x172: {  	v11 =	vld [tilespmem:s28+$0x0]  }
0x173: {  	v3 =	vadd.f32 v6, v3;
	v6 =	vld [tilespmem:s28+$0x110]  }
0x174: {  	v12 =	vld [tilespmem:s28+$0x220]  }
0x175: {  	v3 =	vadd.f32 v7, v3;
	v7 =	vld [tilespmem:s28+$0x330]  }
0x176: {  	v13 =	vld [tilespmem:s28+$0x440]  }
0x177: {  	v8 =	vadd.f32 v8, v3;
	v4 =	vld [tilespmem:s28+$0x550]  }
0x178: {  	v3 =	vld [tilespmem:s28+$0x660]  }
0x179: {  	v8 =	vadd.f32 v9, v8;
	_ =	sdelay $0x1  }
0x17a: {  	v8 =	vadd.f32 v10, v8;
	_ =	sdelay $0x1  }
0x17b: {  	v5 =	vadd.f32 v5, v8;
	_ =	sdelay $0x1  }
0x17c: {  	v5 =	vadd.f32 v11, v5;
	_ =	sdelay $0x1  }
0x17d: {  	v5 =	vadd.f32 v6, v5;
	_ =	sdelay $0x1  }
0x17e: {  	v5 =	vadd.f32 v12, v5  }
.Ltmp4:
0x17f: {  	(pc) =	sbr.rel @p1 .LBB2_6-.Ltmp4, $3  }
0x180: {  	v5 =	vadd.f32 v7, v5;
	_ =	sdelay $0x1  }
0x181: {  	v5 =	vadd.f32 v13, v5  }
0x182: {  	s26 =	sadd.s32 $0x10, s26;
	s28 =	sadd.s32 $0x10, s28  }
0x183: {  	v4 =	vadd.f32 v4, v5;
	_ =	sdelay $0x1  }
0x184: {  	v3 =	vadd.f32 v3, v4;
	_ =	sdelay $0x1  }
0x185: {  	[tilespmem:s25+$0x110] =	vst v3  }
0x186: {  	[spmem:s7] =	stream.linear.scatter [tilespmem:s18], [sflag:$0x1], $0x440, $0x38;
	[tilespmem:$0xC240] =	vst v63  }
.Ltmp5:
0x187: {  	_ =	swait.ge [sflag:s10], $0x440;
	(pc) =	sbr.rel @p0 .LBB2_11-.Ltmp5, $3  }
0x188: {  	[sflag:s10] =	ssyncset.done $0x0  }
0x189: {  	[sflag:s10] =	ssyncadd.s32 $0xFFFFFBC0  }
0x18a: {  	[bflag:$0x0] =	sbarrier.arrive $0xFFFF;
	_ =	sdelay $0x1  }
0x18b: {  	[tilespmem:s19], [sflag:$0x1] =	stream.linear.gather [spmem:s1], $0x4400, $0x38;
	[tilespmem:$0xC240] =	vst v63  }
0x18c: {  	_ =	swait.ge [sflag:s10], $0x4400  }
0x18d: {  	[sflag:s10] =	ssyncset.done $0x0  }
0x18e: {  	s21 =	simm.s32 $0x0;
	[sflag:s10] =	ssyncadd.s32 $0xFFFFBC00  }
0x18f: {  	v3 =	vld [tilespmem:s21+$0xBF10]  }
0x190: {  	v5 =	vld [tilespmem:s21+$0xC130]  }
0x191: {  	v6 =	vld [tilespmem:s21+$0xBCF0]  }
0x192: {  	v7 =	vld [tilespmem:s21+$0xB8B0]  }
0x193: {  	v8 =	vld [tilespmem:s21+$0xB470]  }
0x194: {  	v9 =	vld [tilespmem:s21+$0xB030]  }
0x195: {  	v10 =	vld [tilespmem:s21+$0xABF0]  }
0x196: {  	v11 =	vld [tilespmem:s21+$0xA7B0]  }
0x197: {  	v12 =	vld [tilespmem:s21+$0xA370]  }
0x198: {  	v13 =	vld [tilespmem:s21+$0x9F30]  }
0x199: {  	v14 =	vld [tilespmem:s21+$0x9AF0]  }
0x19a: {  	v15 =	vld [tilespmem:s21+$0x96B0]  }
0x19b: {  	v16 =	vld [tilespmem:s21+$0x9050]  }
0x19c: {  	v17 =	vld [tilespmem:s21+$0x9270]  }
0x19d: {  	v18 =	vld [tilespmem:s21+$0x8C10]  }
0x19e: {  	v19 =	vld [tilespmem:s21+$0x8D20]  }
0x19f: {  	v20 =	vld [tilespmem:s21+$0x8E30]  }
0x1a0: {  	v21 =	vld [tilespmem:s21+$0x89F0]  }
0x1a1: {  	v22 =	vld [tilespmem:s21+$0x7F50]  }
0x1a2: {  	v23 =	vld [tilespmem:s21+$0x8390]  }
0x1a3: {  	v4 =	vld [tilespmem:s21+$0x8170]  }
0x1a4: {  	v24 =	vld [tilespmem:s21+$0x85B0]  }
0x1a5: {  	v25 =	vld [tilespmem:s21+$0x8060]  }
0x1a6: {  	v26 =	vld [tilespmem:s21+$0x84A0]  }
0x1a7: {  	s22 =	simm.s32 $0x0;
	v27 =	vld [tilespmem:s21+$0x87D0]  }
0x1a8: {  	s23 =	sand.u32 $0x1F0, s22;
	v28 =	vld [tilespmem:s21+$0x88E0]  }
0x1a9: {  	v29 =	vld [tilespmem:s23+$0xA8C0]  }
0x1aa: {  	v30 =	vld [tilespmem:s23+$0xB140];
	v24 =	vadd.f32 v24, v4  }
0x1ab: {  	v4 =	vld [tilespmem:s23+$0xB9C0]  }
0x1ac: {  	v22 =	vadd.f32 v23, v22;
	v23 =	vld [tilespmem:s21+$0x9160];
	v21 =	vadd.f32 v21, v24  }
0x1ad: {  	v24 =	vadd.f32 v26, v25;
	v25 =	vld [tilespmem:s21+$0x9490]  }
0x1ae: {  	v22 =	vadd.f32 v27, v22;
	v26 =	vld [tilespmem:s21+$0x98D0];
	v20 =	vadd.f32 v20, v21  }
0x1af: {  	v21 =	vld [tilespmem:s21+$0x95A0];
	v24 =	vadd.f32 v28, v24  }
0x1b0: {  	v18 =	vadd.f32 v18, v22;
	v22 =	vld [tilespmem:s21+$0x9D10];
	v17 =	vadd.f32 v17, v20  }
0x1b1: {  	v20 =	vld [tilespmem:s21+$0x99E0];
	v19 =	vadd.f32 v19, v24  }
0x1b2: {  	v16 =	vadd.f32 v16, v18;
	v15 =	vadd.f32 v15, v17;
	v17 =	vld [tilespmem:s21+$0x9E20]  }
0x1b3: {  	v18 =	vadd.f32 v23, v19;
	v19 =	vld [tilespmem:s21+$0xA150]  }
0x1b4: {  	v16 =	vadd.f32 v25, v16;
	v14 =	vadd.f32 v14, v15;
	v15 =	vld [tilespmem:s21+$0xA260]  }
0x1b5: {  	v18 =	vadd.f32 v21, v18;
	v21 =	vld [tilespmem:s21+$0xA590]  }
0x1b6: {  	v16 =	vadd.f32 v26, v16;
	v13 =	vadd.f32 v13, v14;
	v14 =	vld [tilespmem:s21+$0xA6A0]  }
0x1b7: {  	v18 =	vadd.f32 v20, v18;
	v20 =	vld [tilespmem:s21+$0xA9D0]  }
0x1b8: {  	v16 =	vadd.f32 v22, v16;
	v12 =	vadd.f32 v12, v13;
	v13 =	vld [tilespmem:s21+$0xAAE0]  }
0x1b9: {  	v17 =	vadd.f32 v17, v18;
	v18 =	vld [tilespmem:s21+$0xAE10]  }
0x1ba: {  	v16 =	vadd.f32 v19, v16;
	v19 =	vld [tilespmem:s21+$0xA480]  }
0x1bb: {  	v11 =	vadd.f32 v11, v12;
	v12 =	vld [tilespmem:s21+$0xAF20]  }
0x1bc: {  	v15 =	vadd.f32 v15, v17;
	v17 =	vld [tilespmem:s21+$0xB250]  }
0x1bd: {  	v16 =	vadd.f32 v21, v16;
	v10 =	vadd.f32 v10, v11;
	v11 =	vld [tilespmem:s21+$0xB360]  }
0x1be: {  	v14 =	vadd.f32 v14, v15;
	v15 =	vld [tilespmem:s21+$0xB690]  }
0x1bf: {  	v16 =	vadd.f32 v20, v16;
	v9 =	vadd.f32 v9, v10;
	v10 =	vld [tilespmem:s21+$0xB7A0]  }
0x1c0: {  	v13 =	vadd.f32 v13, v14;
	v14 =	vld [tilespmem:s21+$0xBAD0]  }
0x1c1: {  	v16 =	vadd.f32 v18, v16;
	v8 =	vadd.f32 v8, v9;
	v9 =	vld [tilespmem:s21+$0xBBE0]  }
0x1c2: {  	v12 =	vadd.f32 v12, v13;
	v13 =	vld [tilespmem:s21+$0xC020]  }
0x1c3: {  	v16 =	vadd.f32 v17, v16;
	v17 =	vld [tilespmem:s21+$0xBE00]  }
0x1c4: {  	v7 =	vadd.f32 v7, v8;
	v8 =	vld [tilespmem:s21+$0x7E40]  }
0x1c5: {  	v11 =	vadd.f32 v11, v12;
	v12 =	vld [tilespmem:s21+$0x8280];
	v15 =	vadd.f32 v15, v16  }
0x1c6: {  	v16 =	vld [tilespmem:s23+$0xA040];
	v6 =	vadd.f32 v6, v7  }
0x1c7: {  	v7 =	vadd.f32 v10, v11;
	v10 =	vadd.f32 v14, v15;
	v15 =	vld [tilespmem:s23+$0x86C0]  }
0x1c8: {  	v11 =	vld [tilespmem:s23+$0x97C0]  }
0x1c9: {  	v5 =	vadd.f32 v5, v6;
	v6 =	vadd.f32 v9, v7;
	v7 =	vld [tilespmem:s21+$0x8B00]  }
0x1ca: {  	v14 =	vld [tilespmem:s23+$0x8F40];
	v3 =	vadd.f32 v3, v10;
	v8 =	vadd.f32 v12, v8  }
0x1cb: {  	v9 =	vld [tilespmem:s21+$0x9380];
	[tilespmem:s21+$0x78B0] =	vst v5;
	v5 =	vadd.f32 v13, v6  }
0x1cc: {  	v12 =	vld [tilespmem:s21+$0xB580];
	[tilespmem:s21+$0x7690] =	vst v3;
	v8 =	vadd.f32 v15, v8  }
0x1cd: {  	s23 =	simm.s32 $0x10;
	v13 =	vld [tilespmem:s21+$0x9C00];
	[tilespmem:s21+$0x77A0] =	vst v5  }
0x1ce: {  	v3 =	vld [tilespmem:s23+$0xBF10];
	v10 =	vadd.f32 v7, v8  }
0x1cf: {  	v5 =	vld [tilespmem:s23+$0xC130]  }
0x1d0: {  	v6 =	vld [tilespmem:s23+$0xBCF0];
	v10 =	vadd.f32 v14, v10  }
0x1d1: {  	v7 =	vld [tilespmem:s23+$0xB8B0]  }
0x1d2: {  	v8 =	vld [tilespmem:s23+$0xB470];
	v15 =	vadd.f32 v9, v10  }
0x1d3: {  	v22 =	vld [tilespmem:s23+$0x8C10]  }
0x1d4: {  	v24 =	vld [tilespmem:s23+$0x89F0];
	v15 =	vadd.f32 v11, v15  }
0x1d5: {  	v25 =	vld [tilespmem:s23+$0x7F50]  }
0x1d6: {  	v26 =	vld [tilespmem:s23+$0x8390];
	v18 =	vadd.f32 v13, v15  }
0x1d7: {  	v14 =	vld [tilespmem:s21+$0xAD00]  }
0x1d8: {  	v9 =	vld [tilespmem:s23+$0xB030];
	v20 =	vadd.f32 v16, v18  }
0x1d9: {  	v10 =	vld [tilespmem:s23+$0xABF0]  }
0x1da: {  	v11 =	vld [tilespmem:s23+$0xA7B0];
	v21 =	vadd.f32 v19, v20  }
0x1db: {  	v13 =	vld [tilespmem:s23+$0xA370]  }
0x1dc: {  	v15 =	vld [tilespmem:s23+$0x9F30];
	v23 =	vadd.f32 v29, v21  }
0x1dd: {  	v16 =	vld [tilespmem:s23+$0x9AF0]  }
0x1de: {  	v18 =	vld [tilespmem:s23+$0x96B0];
	v14 =	vadd.f32 v14, v23  }
0x1df: {  	v19 =	vld [tilespmem:s23+$0x9050]  }
0x1e0: {  	v20 =	vld [tilespmem:s23+$0x9270];
	v14 =	vadd.f32 v30, v14  }
0x1e1: {  	v21 =	vld [tilespmem:s23+$0x8D20]  }
0x1e2: {  	v23 =	vld [tilespmem:s23+$0x8E30];
	v14 =	vadd.f32 v12, v14  }
0x1e3: {  	s24 =	simm.s32 $0x80;
	v12 =	vld [tilespmem:s23+$0x8170]  }
.LBB2_9:
0x1e4: {  	p1 =	sne.s32 s24, $0x400;
	v27 =	vld [tilespmem:s23+$0x85B0];
	v4 =	vadd.f32 v4, v14  }
0x1e5: {  	v28 =	vld [tilespmem:s23+$0x8060]  }
0x1e6: {  	v29 =	vld [tilespmem:s23+$0x84A0];
	v4 =	vadd.f32 v17, v4  }
0x1e7: {  	s22 =	sadd.s32 $0x10, s22;
	v17 =	vld [tilespmem:s23+$0x87D0]  }
0x1e8: {  	s25 =	sand.u32 $0x1F0, s22;
	v30 =	vld [tilespmem:s23+$0x88E0];
	[tilespmem:s21+$0x7580] =	vst v4;
	s21 =	smov.u32 s23  }
0x1e9: {  	v14 =	vld [tilespmem:s25+$0xA8C0];
	v27 =	vadd.f32 v27, v12  }
0x1ea: {  	v25 =	vadd.f32 v26, v25;
	v12 =	vld [tilespmem:s25+$0xB140]  }
0x1eb: {  	v4 =	vld [tilespmem:s25+$0xB9C0];
	v26 =	vadd.f32 v29, v28;
	v24 =	vadd.f32 v24, v27  }
0x1ec: {  	v17 =	vadd.f32 v17, v25;
	v25 =	vld [tilespmem:s21+$0x9160]  }
0x1ed: {  	v27 =	vld [tilespmem:s21+$0x9490];
	v26 =	vadd.f32 v30, v26;
	v23 =	vadd.f32 v23, v24  }
0x1ee: {  	v17 =	vadd.f32 v22, v17;
	v22 =	vld [tilespmem:s21+$0x95A0]  }
0x1ef: {  	v24 =	vld [tilespmem:s21+$0x98D0];
	v21 =	vadd.f32 v21, v26;
	v20 =	vadd.f32 v20, v23  }
0x1f0: {  	v17 =	vadd.f32 v19, v17;
	v19 =	vld [tilespmem:s21+$0x99E0]  }
0x1f1: {  	v23 =	vld [tilespmem:s21+$0x9D10];
	v21 =	vadd.f32 v25, v21;
	v18 =	vadd.f32 v18, v20  }
0x1f2: {  	v17 =	vadd.f32 v27, v17;
	v20 =	vld [tilespmem:s21+$0x9E20]  }
0x1f3: {  	v25 =	vld [tilespmem:s21+$0xA150];
	v21 =	vadd.f32 v22, v21;
	v16 =	vadd.f32 v16, v18  }
0x1f4: {  	v17 =	vadd.f32 v24, v17;
	v18 =	vld [tilespmem:s21+$0xA260]  }
0x1f5: {  	v22 =	vld [tilespmem:s21+$0xA590];
	v19 =	vadd.f32 v19, v21;
	v15 =	vadd.f32 v15, v16  }
0x1f6: {  	v16 =	vadd.f32 v23, v17;
	v17 =	vld [tilespmem:s21+$0xA6A0]  }
0x1f7: {  	v21 =	vld [tilespmem:s21+$0xA9D0];
	v19 =	vadd.f32 v20, v19;
	v13 =	vadd.f32 v13, v15  }
0x1f8: {  	v15 =	vadd.f32 v25, v16;
	v16 =	vld [tilespmem:s21+$0xAAE0]  }
0x1f9: {  	v20 =	vld [tilespmem:s21+$0xAE10];
	v18 =	vadd.f32 v18, v19;
	v11 =	vadd.f32 v11, v13  }
0x1fa: {  	v13 =	vadd.f32 v22, v15;
	v15 =	vld [tilespmem:s21+$0xAF20]  }
0x1fb: {  	v19 =	vld [tilespmem:s21+$0xB250];
	v17 =	vadd.f32 v17, v18;
	v10 =	vadd.f32 v10, v11  }
0x1fc: {  	v11 =	vadd.f32 v21, v13;
	v13 =	vld [tilespmem:s21+$0xB360]  }
0x1fd: {  	v18 =	vld [tilespmem:s21+$0xB690];
	v16 =	vadd.f32 v16, v17;
	v9 =	vadd.f32 v9, v10  }
0x1fe: {  	v10 =	vadd.f32 v20, v11;
	v11 =	vld [tilespmem:s21+$0xB7A0]  }
0x1ff: {  	v17 =	vld [tilespmem:s21+$0xBAD0];
	v15 =	vadd.f32 v15, v16;
	v8 =	vadd.f32 v8, v9  }
0x200: {  	v9 =	vadd.f32 v19, v10;
	v10 =	vld [tilespmem:s21+$0xBBE0]  }
0x201: {  	v13 =	vadd.f32 v13, v15;
	v15 =	vld [tilespmem:s21+$0xC020];
	v7 =	vadd.f32 v7, v8  }
0x202: {  	v8 =	vld [tilespmem:s21+$0x7E40];
	v9 =	vadd.f32 v18, v9  }
0x203: {  	v16 =	vld [tilespmem:s21+$0x8280];
	v11 =	vadd.f32 v11, v13;
	v6 =	vadd.f32 v6, v7  }
0x204: {  	v18 =	vld [tilespmem:s25+$0xA040];
	v7 =	vadd.f32 v17, v9  }
0x205: {  	v13 =	vld [tilespmem:s25+$0x97C0];
	v9 =	vadd.f32 v10, v11;
	v5 =	vadd.f32 v5, v6  }
0x206: {  	v10 =	vld [tilespmem:s25+$0x8F40];
	v3 =	vadd.f32 v3, v7  }
0x207: {  	v7 =	vld [tilespmem:s25+$0x86C0];
	v6 =	vadd.f32 v15, v9;
	[tilespmem:s21+$0x78B0] =	vst v5  }
0x208: {  	v17 =	vld [tilespmem:s21+$0xBE00];
	[tilespmem:s21+$0x7690] =	vst v3  }
0x209: {  	s23 =	sshra.s32 s24, $0x2;
	v9 =	vld [tilespmem:s21+$0x8B00];
	[tilespmem:s21+$0x77A0] =	vst v6  }
0x20a: {  	v8 =	vadd.f32 v16, v8;
	v3 =	vld [tilespmem:s23+$0xBF10]  }
0x20b: {  	v5 =	vld [tilespmem:s23+$0xC130]  }
0x20c: {  	v6 =	vld [tilespmem:s23+$0xBCF0];
	v7 =	vadd.f32 v7, v8  }
0x20d: {  	v11 =	vld [tilespmem:s21+$0x9380]  }
0x20e: {  	v9 =	vadd.f32 v9, v7;
	v27 =	vld [tilespmem:s21+$0xB580]  }
0x20f: {  	v7 =	vld [tilespmem:s23+$0xB8B0]  }
0x210: {  	v8 =	vld [tilespmem:s23+$0xB470];
	v9 =	vadd.f32 v10, v9  }
0x211: {  	v15 =	vld [tilespmem:s21+$0x9C00]  }
0x212: {  	v11 =	vadd.f32 v11, v9;
	v23 =	vld [tilespmem:s21+$0xAD00]  }
0x213: {  	v9 =	vld [tilespmem:s23+$0xB030]  }
0x214: {  	v10 =	vld [tilespmem:s23+$0xABF0];
	v13 =	vadd.f32 v13, v11  }
0x215: {  	v19 =	vld [tilespmem:s21+$0xA480]  }
0x216: {  	v11 =	vld [tilespmem:s23+$0xA7B0];
	v16 =	vadd.f32 v15, v13  }
0x217: {  	v13 =	vld [tilespmem:s23+$0xA370]  }
0x218: {  	v15 =	vld [tilespmem:s23+$0x9F30];
	v20 =	vadd.f32 v18, v16  }
0x219: {  	v16 =	vld [tilespmem:s23+$0x9AF0]  }
0x21a: {  	v18 =	vld [tilespmem:s23+$0x96B0];
	v21 =	vadd.f32 v19, v20  }
0x21b: {  	v19 =	vld [tilespmem:s23+$0x9050]  }
0x21c: {  	v20 =	vld [tilespmem:s23+$0x9270];
	v14 =	vadd.f32 v14, v21  }
0x21d: {  	v22 =	vld [tilespmem:s23+$0x8C10]  }
0x21e: {  	v21 =	vld [tilespmem:s23+$0x8D20];
	v14 =	vadd.f32 v23, v14  }
.Ltmp6:
0x21f: {  	v23 =	vld [tilespmem:s23+$0x8E30];
	(pc) =	sbr.rel @p1 .LBB2_9-.Ltmp6, $4  }
0x220: {  	v24 =	vld [tilespmem:s23+$0x89F0];
	v12 =	vadd.f32 v12, v14  }
0x221: {  	v25 =	vld [tilespmem:s23+$0x7F50]  }
0x222: {  	v26 =	vld [tilespmem:s23+$0x8390];
	v14 =	vadd.f32 v27, v12  }
0x223: {  	s24 =	sadd.s32 $0x40, s24;
	v12 =	vld [tilespmem:s23+$0x8170]  }
.Ltmp7:
0x224: {  	_ = 	snop;
	(pc) =	sbr.rel .LBB2_10-.Ltmp7, $1  }
0x225: {  	_ =	sdelay $0x3  }
.LBB2_12:
0x226: {  	_ =	sfence.sel $0x180000  }
0x227: {  	[bflag:$0x0] =	sbarrier.arrive $0xFFFF  }
0x228: {  	_ =	strace $0x90000047  }
0x229: {  	s0 =	sadd.s32 @!p0 $0x100000, s0;
	[bflag:$0x2] =	sbarrier.arrive $0xFFFF  }
0x22a: {  	[sflag:s0] =	ssyncadd.tile.s32 @!p0 $0x1;
	_ =	shalt  }
.Lfunc_end2:
_tile_overlayer_lowered:
.L_overlay_start_2:
0x22b: {  	(tag) =	ssettag $0x2  }
0x22c: {  	s0 =	rddreg [dreg:$0x0];
	s2 =	stileid.u32  }
0x22d: {  	s1 =	rddreg [dreg:$0x1];
	p0 =	sne.s32 s2, $0x0  }
0x22e: {  	s3 =	rddreg [dreg:$0x2];
	[bflag:$0x3] =	sbarrier.arrive $0xFFFF;
	s2 =	simm.s32 @!p0 $0x1C01  }
0x22f: {  	[timem:s3], [sflag:s2] =	dma.local @!p0 [hbm:s0], s1  }
0x230: {  	s0 =	simm.s32 @!p0 $0x1  }
0x231: {  	_ =	swait.ge @!p0 [sflag:s0], s1  }
0x232: {  	s1 =	ssub.s32 @!p0 $0x0, s1;
	[sflag:s0] =	ssyncset.done @!p0 $0x0  }
0x233: {  	[sflag:s0] =	ssyncadd.s32 @!p0 s1  }
0x234: {  	[bflag:$0x3] =	sbarrier.arrive $0xFFFF  }
0x235: {  	_ =	shalt  }

// kernel: kernel.8.cloned.1.call-start
scs
__scs_entry_jumppad:
0x0: {  	(pc) =	sbr.rel $0x88, $3  }
0x1: {  	(tag) =	ssettag $0x0;
	lr =	simm.s32 $0x1  }
0x2: {  	[smem:$0x3F9F] =	sst lr;
	_ =	strace $0xD0000000  }
0x3: {  	_ = 	snop  }
0x4: {  	_ = 	snop  }
0x5: {  	_ = 	snop  }
0x6: {  	_ = 	snop  }
0x7: {  	_ = 	snop  }
__scs_overlays_trampoline_lowered:
0x8: {  	[smem:$0x3FAE] =	sst s0  }
0x9: {  	[smem:$0x3FAF] =	sst s1  }
0xa: {  	[smem:$0x3FB0] =	sst s2  }
0xb: {  	[smem:$0x3FB1] =	sst s3  }
0xc: {  	[smem:$0x3FB2] =	sst s4  }
0xd: {  	[smem:$0x3FB3] =	sst s5  }
0xe: {  	[smem:$0x3FB4] =	sst s6  }
0xf: {  	[smem:$0x3FB5] =	sst s7  }
0x10: {  	[smem:$0x3FB6] =	sst s8  }
0x11: {  	[smem:$0x3FB7] =	sst s9;
	s0 =	simm.s32 @!p0 $0x0  }
0x12: {  	s1 =	sld [smem:$0x3F9D];
	s0 =	simm.s32 @p0 $0x1  }
0x13: {  	[smem:$0x3FB8] =	sst s0;
	s0 =	simm.s32 @!p1 $0x0  }
0x14: {  	s2 =	sld [smem:$0x3F9C];
	s0 =	simm.s32 @p1 $0x1  }
0x15: {  	[smem:$0x3FB9] =	sst s0;
	s0 =	simm.s32 @!p2 $0x0  }
0x16: {  	s3 =	sld [smem:$0x3FDB];
	s0 =	simm.s32 @p2 $0x1  }
0x17: {  	s4 =	simm.s32 $0x1BF5;
	[smem:$0x3FBB] =	sst s0  }
0x18: {  	s0 =	sld [smem:$0x3F9E];
	_ =	swait.ge [sflag:s4], $0x0  }
0x19: {  	s7 =	sld [smem:$0x3F9F]  }
0x1a: {  	s8 =	sadd.s32 $0xFFFFE003, lr  }
0x1b: {  	s9 =	sadd.s32 $0xFFFFFEF7, lr;
	s5 =	simm.s32 $0xFFFFFFFF;
	p2 =	slt.u32 s8, $0xFFFFF086  }
0x1c: {  	p1 =	slt.u32 s9, $0xF7A;
	s5 =	simm.s32 @!p2 $0x0  }
0x1d: {  	s5 =	simm.s32 @p1 $0x1;
	p0 =	seq.s32 s7, s2  }
0x1e: {  	s7 =	smul.u32 @!p0 $0xF7A, s2;
	p2 =	seq.s32 @!p0 s5, $0x0  }
0x1f: {  	s9 =	smul.u32 $0xF7A, s1;
	s8 =	simm.s32 @!p0 $0x1BF5;
	p2 =	por !p2, p0  }
0x20: {  	[sflag:s8] =	ssyncset.s32 @!p0 $0xFFFFF086;
	s6 =	sadd.s32 @!p0 s3, s7;
	s7 =	simm.s32 @!p0 $0x108  }
0x21: {  	s3 =	sadd.s32 s3, s9;
	s6 =	sadd.s32 @!p0 $0x88, s6;
	s7 =	simm.s32 @p2 $0x1082  }
0x22: {  	[simem:s7], [sflag:s8] =	dma.local @!p0 [hbm:s6], $0xF7A  }
0x23: {  	s9 =	sor.u32 $0xD0000000, s2;
	s6 =	simm.s32 $0x108;
	_ =	swait.ge @!p0 [sflag:s8], $0x0  }
0x24: {  	s3 =	sadd.s32 $0x88, s3;
	s6 =	simm.s32 @!p1 $0x1082;
	[sflag:s4] =	ssyncset.s32 $0xFFFFF086  }
0x25: {  	[simem:s6], [sflag:s4] =	dma.local [hbm:s3], $0xF7A  }
0x26: {  	[smem:$0x3F9F] =	sst s1;
	(tag) =	ssettag s2;
	_ =	strace s9  }
0x27: {  	s1 =	sld [smem:$0x3FAF]  }
0x28: {  	s2 =	sld [smem:$0x3FB0]  }
0x29: {  	s4 =	sld [smem:$0x3FB2]  }
0x2a: {  	p0 =	seq.s32 s5, $0x0;
	s5 =	sld [smem:$0x3FB3]  }
0x2b: {  	s6 =	sld [smem:$0x3FB4]  }
0x2c: {  	s7 =	sld [smem:$0x3FB5]  }
0x2d: {  	s3 =	simm.s32 $0x108;
	s8 =	sld [smem:$0x3FB6]  }
0x2e: {  	s3 =	simm.s32 @!p0 $0x1082;
	s9 =	sld [smem:$0x3FB7]  }
0x2f: {  	lr =	sadd.s32 s0, s3;
	s0 =	sld [smem:$0x3FAE]  }
0x30: {  	s3 =	sld [smem:$0x3FB1]  }
0x31: {  	[smem:$0x3FBA] =	sst s10  }
0x32: {  	s10 =	sld [smem:$0x3FB8];
	_ =	sdelay $0x3  }
0x33: {  	p0 =	seq.s32 s10, $0x1;
	s10 =	sld [smem:$0x3FBA];
	_ =	sdelay $0x3  }
0x34: {  	[smem:$0x3FBA] =	sst s10  }
0x35: {  	s10 =	sld [smem:$0x3FB9];
	_ =	sdelay $0x3  }
0x36: {  	p1 =	seq.s32 s10, $0x1;
	s10 =	sld [smem:$0x3FBA];
	_ =	sdelay $0x3  }
0x37: {  	[smem:$0x3FBA] =	sst s10  }
0x38: {  	s10 =	sld [smem:$0x3FBB]  }
0x39: {  	_ = 	snop;
	(pc) =	sbr.ind lr, $3  }
0x3a: {  	_ = 	snop  }
0x3b: {  	_ = 	snop  }
0x3c: {  	p2 =	seq.s32 s10, $0x1;
	s10 =	sld [smem:$0x3FBA]  }
0x3d: {  	_ =	shalt  }
0x3e: {  	_ =	shalt  }
0x3f: {  	_ =	shalt  }
0x40: {  	_ =	shalt  }
0x41: {  	_ =	shalt  }
0x42: {  	_ =	shalt  }
0x43: {  	_ =	shalt  }
0x44: {  	_ =	shalt  }
0x45: {  	_ =	shalt  }
0x46: {  	_ =	shalt  }
0x47: {  	_ =	shalt  }
0x48: {  	_ =	shalt  }
0x49: {  	_ =	shalt  }
0x4a: {  	_ =	shalt  }
0x4b: {  	_ =	shalt  }
0x4c: {  	_ =	shalt  }
0x4d: {  	_ =	shalt  }
0x4e: {  	_ =	shalt  }
0x4f: {  	_ =	shalt  }
0x50: {  	_ =	shalt  }
0x51: {  	_ =	shalt  }
0x52: {  	_ =	shalt  }
0x53: {  	_ =	shalt  }
0x54: {  	_ =	shalt  }
0x55: {  	_ =	shalt  }
0x56: {  	_ =	shalt  }
0x57: {  	_ =	shalt  }
0x58: {  	_ =	shalt  }
0x59: {  	_ =	shalt  }
0x5a: {  	_ =	shalt  }
0x5b: {  	_ =	shalt  }
0x5c: {  	_ =	shalt  }
0x5d: {  	_ =	shalt  }
0x5e: {  	_ =	shalt  }
0x5f: {  	_ =	shalt  }
0x60: {  	_ =	shalt  }
0x61: {  	_ =	shalt  }
0x62: {  	_ =	shalt  }
0x63: {  	_ =	shalt  }
0x64: {  	_ =	shalt  }
0x65: {  	_ =	shalt  }
0x66: {  	_ =	shalt  }
0x67: {  	_ =	shalt  }
0x68: {  	_ =	shalt  }
0x69: {  	_ =	shalt  }
0x6a: {  	_ =	shalt  }
0x6b: {  	_ =	shalt  }
0x6c: {  	_ =	shalt  }
0x6d: {  	_ =	shalt  }
0x6e: {  	_ =	shalt  }
0x6f: {  	_ =	shalt  }
0x70: {  	_ =	shalt  }
0x71: {  	_ =	shalt  }
0x72: {  	_ =	shalt  }
0x73: {  	_ =	shalt  }
0x74: {  	_ =	shalt  }
0x75: {  	_ =	shalt  }
0x76: {  	_ =	shalt  }
0x77: {  	_ =	shalt  }
0x78: {  	_ =	shalt  }
0x79: {  	_ =	shalt  }
0x7a: {  	_ =	shalt  }
0x7b: {  	_ =	shalt  }
0x7c: {  	_ =	shalt  }
0x7d: {  	_ =	shalt  }
0x7e: {  	_ =	shalt  }
0x7f: {  	_ =	shalt  }
0x80: {  	_ =	shalt  }
0x81: {  	_ =	shalt  }
0x82: {  	_ =	shalt  }
0x83: {  	_ =	shalt  }
0x84: {  	_ =	shalt  }
0x85: {  	_ =	shalt  }
0x86: {  	_ =	shalt  }
0x87: {  	_ =	shalt  }
.Lfunc_end0:
.L_simem_size_0:
called_computation.1_lowered:
.L_overlay_start_0:
0x88: {  	s2 =	sld [smem:$0x3FD9]  }
0x89: {  	s3 =	sld [smem:$0x3FFE];
	_ =	sdelay $0x1  }
0x8a: {  	s1 =	srdreg.scid  }
0x8b: {  	s0 =	sand.u32 $0x1, s1  }
0x8c: {  	s16 =	sshll.u32 s0, $0xA;
	s2 =	sadd.s32 s3, s2  }
0x8d: {  	s2 =	sadd.s32 s2, s16  }
0x8e: {  	[smem:$0x3FC6] =	sst s2  }
0x8f: {  	_ = 	snop  }
0x90: {  	(tm) =	ssettm $0x1  }
0x91: {  	s17 =	sld [smem:$0x3FFB];
	_ =	sdelay $0x3  }
0x92: {  	_ =	strace s17  }
0x93: {  	s2 =	sld [smem:$0x3FFC];
	_ =	sdelay $0x3  }
0x94: {  	_ =	strace s2  }
0x95: {  	s2 =	sld [smem:$0x3FFD];
	_ =	sdelay $0x3  }
0x96: {  	_ =	strace s2  }
0x97: {  	_ =	strace $0x8FFFFFFF  }
0x98: {  	s18 =	sld [smem:$0x3FDB];
	_ =	sdelay $0x1  }
0x99: {  	s19 =	simm.s32 $_scs_section_size  }
0x9a: {  	s4 =	simm.s32 $_size__tile_overlayer_lowered;
	s5 =	simm.s32 $_tile_overlayer_lowered  }
0x9b: {  	s22 =	simm.s32 $0x1BFF;
	s21 =	sshll.u32 s5, $0x1;
	s2 =	sadd.s32 s19, s18  }
0x9c: {  	s6 =	simm.s32 $0x0;
	s20 =	sshll.u32 s4, $0x1;
	s4 =	sadd.s32 s21, s2  }
0x9d: {  	[timem:s6], [sflag:s22] =	dma.local [hbm:s4], s20  }
0x9e: {  	_ =	swait.ge [sflag:s22], s20  }
0x9f: {  	s3 =	ssub.s32 $0x0, s20;
	[sflag:s22] =	ssyncset.done $0x0  }
0xa0: {  	[sflag:s22] =	ssyncadd.s32 s3;
	_ =	sdelay $0x1  }
0xa1: {  	s23 =	simm.s32 $0x1B8B  }
0xa2: {  	_ =	swait.ge [sflag:s23], $0x1  }
0xa3: {  	[sflag:s23] =	ssyncset.done $0x0  }
0xa4: {  	s25 =	simm.s32 $0x1B8E;
	s24 =	sld [smem:$0x3FFE];
	[sflag:s23] =	ssyncadd.s32 $0xFFFFFFFF  }
0xa5: {  	s26 =	simm.s32 $execute0_lowered;
	[smem:$0x3FD2] =	sst s25  }
0xa6: {  	s4 =	sshll.u32 s26, $0x1;
	_ =	strace $0x80000049;
	[dreg:$0x1] =	wrdreg $0xFFFFFFFF  }
0xa7: {  	s28 =	simm.s32 $_size_execute0_lowered;
	s2 =	sadd.s32 s2, s4;
	[dreg:$0x0] =	wrdreg $0x0  }
0xa8: {  	s4 =	sshll.u32 s28, $0x1;
	[dreg:$0x2] =	wrdreg s2  }
0xa9: {  	[dreg:$0x3] =	wrdreg s4  }
0xaa: {  	[dreg:$0x4] =	wrdreg $0xC0  }
0xab: {  	_ =	task [dreg:s6], $0x5FFFF  }
0xac: {  	[dreg:$0x1] =	wrdreg $0xFFFFFFFF  }
0xad: {  	[dreg:$0x0] =	wrdreg $0x60  }
0xae: {  	[dreg:$0x2] =	wrdreg s24  }
0xaf: {  	[dreg:$0x3] =	wrdreg $0x5E000  }
0xb0: {  	[dreg:$0x4] =	wrdreg $0x9  }
0xb1: {  	_ =	task.clear_ibuf [dreg:s6], $0x5FFFF;
	_ =	strace $0x90000049  }
0xb2: {  	s29 =	simm.s32 $0x9;
	_ =	strace $0x8000004B  }
0xb3: {  	_ =	swait.ge [sflag:s29], $0x1  }
0xb4: {  	[sflag:s29] =	ssyncadd.s32 $0xFFFFFFFF  }
0xb5: {  	_ =	strace $0x9000004B  }
0xb6: {  	_ =	sfence  }
0xb7: {  	s30 =	sld [smem:$0x0];
	_ =	sdelay $0x2  }
0xb8: {  	s31 =	sshll.u32 s1, $0xD;
	s1 =	sshrl.u32 s1, $0x2  }
0xb9: {  	s3 =	sand.u32 $0x4000, s31;
	s1 =	sadd.s32 s1, s30  }
0xba: {  	s0 =	sor.u32 s3, s0;
	s1 =	sshll.u32 s1, $0x11  }
0xbb: {  	s0 =	sor.u32 s1, s0  }
0xbc: {  	s0 =	sadd.s32 $0x8F2B, s0  }
0xbd: {  	[sflag:s0] =	ssyncadd.remote.s32 $0x1  }
0xbe: {  	_ =	sfence.sel $0xFFFF  }
0xbf: {  	[dreg:$0x0] =	wrdreg $0xFFFFFFFF;
	(pc) =	sbr.abs _section_cstart, $3  }
0xc0: {  	[dreg:$0x1] =	wrdreg $0xFFFFFFFF  }
0xc1: {  	_ =	task.clear_ibuf [dreg:s6], $0x2FFFF;
	_ =	strace $0x9FFFFFFF  }
0xc2: {  	(tm) =	ssettm $0x7FFFFFFF  }
0xc3: {  	_ =	shalt  }
tec
execute0_lowered:
.L_overlay_start_1:
0x0: {  	(tag) =	ssettag $0x1  }
0x1: {  	s0 =	srdreg.scid;
	s3 =	rddreg [dreg:$0x0]  }
0x2: {  	s19 =	stileid.u32;
	s1 =	rddreg [dreg:$0x1];
	s2 =	simm.s32 $0x0  }
0x3: {  	s12 =	simm.s32 $0xC80;
	s13 =	simm.s32 $0x18C0;
	s14 =	simm.s32 $0x2500  }
0x4: {  	s15 =	simm.s32 $0x5380;
	s16 =	simm.s32 $0x5A80;
	s5 =	smul.u32 $0xC40, s19  }
0x5: {  	s17 =	simm.s32 $0x3180;
	s4 =	sand.u32 $0x1, s0;
	s10 =	smul.u32 $0x880, s19  }
0x6: {  	s18 =	simm.s32 $0x4280;
	s20 =	simm.s32 $0x6020;
	s6 =	smul.u32 $0xC400, s4  }
0x7: {  	s21 =	simm.s32 $0x0;
	s0 =	rddreg [dreg:$0x2];
	s7 =	smul.u32 $0x88, s4  }
0x8: {  	[smem:$0x7FF] =	sst s2;
	p0 =	sne.s32 s19, $0x0;
	s8 =	smul.u32 $0x24C00, s4  }
0x9: {  	s19 =	simm.s32 $0x5800;
	s9 =	smul.u32 $0x44, s4;
	s4 =	ssub.s32 $0x2, s4  }
0xa: {  	_ =	strace $0x8000004A;
	s30 =	sshrl.u32 s4, $0x1;
	s31 =	sshrl.u32 s10, $0x2  }
0xb: {  	s6 =	sadd.s32 s5, s6;
	s7 =	sadd.s32 s7, s3;
	s5 =	sadd.s32 s5, s8  }
.Ltmp0:
0xc: {  	s9 =	sadd.s32 s9, s3;
	s11 =	ssub.s32 s4, s30;
	(pc) =	sbr.rel .LBB2_1-.Ltmp0, $4  }
0xd: {  	s8 =	sadd.s32 s31, s1;
	s6 =	sshrl.u32 s6, $0x3;
	s5 =	sshrl.u32 s5, $0x3  }
0xe: {  	s7 =	sadd.s32 $0xC600, s7;
	s9 =	sadd.s32 $0xC800, s9;
	s10 =	smax.u32 s11, $0x1  }
0xf: {  	v1 =	vlaneseq.u32;
	s11 =	simm.s32 $0x1;
	s6 =	sadd.s32 s6, s3;
	s3 =	sadd.s32 s3, s5  }
0x10: {  	v0 =	vimm.f32 $0.0e+00;
	v1 =	vmul.u32 $0x110, v1;
	s4 =	sadd.s32 $0x9400, s6;
	s5 =	sadd.s32 $0x1880, s3;
	s6 =	sadd.s32 $0x3100, s3  }
.LBB2_12:
0x11: {  	[tilespmem:s25+$0x110] =	vst v2  }
0x12: {  	[hbm4b:s9+s2] =	stream.linear.scatter [tilespmem:s19], [sflag:$0x1], $0x220, $0x38;
	[tilespmem:$0x8220] =	vst v63  }
0x13: {  	_ =	swait.ge [sflag:s11], $0x220  }
0x14: {  	[sflag:s11] =	ssyncset.done $0x0  }
0x15: {  	[sflag:s11] =	ssyncadd.s32 $0xFFFFFDE0  }
.LBB2_13:
0x16: {  	s21 =	sadd.s32 $0x1, s21  }
0x17: {  	p1 =	sne.s32 s21, s10  }
.Ltmp1:
0x18: {  	_ = 	snop;
	(pc) =	sbr.rel @!p1 .LBB2_14-.Ltmp1, $1  }
0x19: {  	_ =	sdelay $0x3  }
.LBB2_1:
0x1a: {  	[tilespmem:s2], [sflag:$0x1] =	stream.linear.gather [hbm4b:s4+s2], $0xC40, $0x38;
	[tilespmem:$0x8220] =	vst v63  }
0x1b: {  	_ =	swait.ge [sflag:s11], $0xC40  }
0x1c: {  	[sflag:s11] =	ssyncset.done $0x0  }
0x1d: {  	[sflag:s11] =	ssyncadd.s32 $0xFFFFF3C0  }
0x1e: {  	[tilespmem:s12], [sflag:$0x1] =	stream.linear.gather [hbm4b:s3+s2], $0xC40, $0x38;
	[tilespmem:$0x8220] =	vst v63  }
0x1f: {  	_ =	swait.ge [sflag:s11], $0xC40  }
0x20: {  	[sflag:s11] =	ssyncset.done $0x0  }
0x21: {  	[sflag:s11] =	ssyncadd.s32 $0xFFFFF3C0  }
0x22: {  	[tilespmem:s13], [sflag:$0x1] =	stream.linear.gather [hbm4b:s5+s2], $0xC40, $0x38;
	[tilespmem:$0x8220] =	vst v63  }
0x23: {  	_ =	swait.ge [sflag:s11], $0xC40  }
0x24: {  	[sflag:s11] =	ssyncset.done $0x0  }
0x25: {  	[sflag:s11] =	ssyncadd.s32 $0xFFFFF3C0  }
0x26: {  	[tilespmem:s14], [sflag:$0x1] =	stream.linear.gather [hbm4b:s6+s2], $0xC40, $0x38;
	[tilespmem:$0x8220] =	vst v63  }
0x27: {  	_ =	swait.ge [sflag:s11], $0xC40  }
0x28: {  	[sflag:s11] =	ssyncset.done $0x0  }
0x29: {  	[sflag:s11] =	ssyncadd.s32 $0xFFFFF3C0  }
0x2a: {  	[tilespmem:s15], [sflag:$0x1] =	stream.linear.gather [hbm4b:s7+s2], $0x440, $0x38;
	[tilespmem:$0x8220] =	vst v63  }
0x2b: {  	_ =	swait.ge [sflag:s11], $0x440  }
0x2c: {  	[sflag:s11] =	ssyncset.done $0x0  }
0x2d: {  	s25 =	simm.s32 $0x0;
	[sflag:s11] =	ssyncadd.s32 $0xFFFFFBC0  }
0x2e: {  	v2 =	vld [tilespmem:s25+$0x5380];
	_ =	sdelay $0x4  }
0x2f: {  	v2 =	vmul.f32 $1.301737190e+00, v2;
	_ =	sdelay $0x1  }
0x30: {  	v2 =	vmax.f32 v2, $9.999999970e-07  }
0x31: {  	s24 =	simm.s32 $0x10;
	(erf) = vrcp.f32 v2  }
0x32: {  	v3 =	vld [tilespmem:s24+$0x5380];
	_ =	sdelay $0x3  }
0x33: {  	s22 =	simm.s32 $0x20  }
0x34: {  	v4 =	vld [tilespmem:s22+$0x5380];
	v6 =	vmul.f32 $1.301737190e+00, v3  }
0x35: {  	v10 =	vld [tilespmem:s25+$0x5490]  }
0x36: {  	v12 =	vld [tilespmem:s25+$0x55A0];
	v6 =	vmax.f32 v6, $9.999999970e-07  }
0x37: {  	v5 =	vld [tilespmem:s24+$0x5490];
	v11 =	vpop (erf);
	(erf) = vrcp.f32 v6  }
0x38: {  	v9 =	vld [tilespmem:s25+$0x56B0]  }
0x39: {  	s23 =	simm.s32 $0x30;
	v7 =	vld [tilespmem:s24+$0x55A0];
	v13 =	vmul.f32 $1.301737190e+00, v4  }
0x3a: {  	v8 =	vld [tilespmem:s23+$0x5380]  }
0x3b: {  	v3 =	vld [tilespmem:s22+$0x55A0];
	v14 =	vmul.f32 $1.301737190e+00, v11;
	v11 =	vmax.f32 v13, $9.999999970e-07  }
0x3c: {  	v4 =	vld [tilespmem:s23+$0x5490];
	(erf) = vrcp.f32 v11  }
0x3d: {  	v6 =	vld [tilespmem:s23+$0x55A0];
	v63 =	vmul.f32 v9, v14  }
0x3e: {  	v9 =	vld [tilespmem:s24+$0x56B0];
	v11 =	vmul.f32 v14, v10  }
0x3f: {  	s26 =	simm.s32 $0x100;
	v2 =	vld [tilespmem:s22+$0x5490];
	v10 =	vmul.f32 v14, v12;
	[tilespmem:s25+$0x5CA0] =	vst v63  }
.LBB2_2:
0x40: {  	s28 =	sshra.s32 s26, $0x2;
	p1 =	sne.s32 s26, $0x400;
	s26 =	sadd.s32 $0x40, s26;
	v15 =	vmul.f32 $1.301737190e+00, v8;
	v13 =	vpop (erf);
	[tilespmem:s25+$0x5A80] =	vst v11  }
.Ltmp2:
0x41: {  	v8 =	vld [tilespmem:s28+$0x5380];
	v13 =	vmul.f32 $1.301737190e+00, v13;
	[tilespmem:s25+$0x5B90] =	vst v10;
	v14 =	vmov v4;
	s25 =	smov.u32 s24;
	s24 =	smov.u32 s22;
	(pc) =	sbr.rel @p1 .LBB2_2-.Ltmp2, $4  }
0x42: {  	s22 =	smov.u32 s23;
	s23 =	smov.u32 s28;
	v4 =	vld [tilespmem:s28+$0x5490];
	v10 =	vmax.f32 v15, $9.999999970e-07;
	v12 =	vmov v6  }
0x43: {  	v6 =	vld [tilespmem:s23+$0x55A0];
	(erf) = vrcp.f32 v10;
	v15 =	vmul.f32 v9, v13  }
0x44: {  	v11 =	vmul.f32 v13, v5;
	v10 =	vmul.f32 v13, v7;
	v5 =	vmovc v2;
	v2 =	vmovc v14;
	v7 =	vmov v3;
	v9 =	vld [tilespmem:s24+$0x56B0]  }
0x45: {  	v3 =	vmov v12;
	[tilespmem:s25+$0x5CA0] =	vst v15  }
0x46: {  	v8 =	vmul.f32 $1.301737190e+00, v8;
	_ =	sdelay $0x1  }
0x47: {  	v12 =	vpop (erf);
	v8 =	vmax.f32 v8, $9.999999970e-07  }
0x48: {  	v12 =	vmul.f32 $1.301737190e+00, v12;
	(erf) = vrcp.f32 v8;
	_ =	sdelay $0x1  }
0x49: {  	[tilespmem:s25+$0x5A80] =	vst v11;
	v58 =	vmul.f32 v9, v12  }
0x4a: {  	[tilespmem:s25+$0x5B90] =	vst v10;
	v5 =	vmul.f32 v12, v5  }
0x4b: {  	v59 =	vld [tilespmem:s22+$0x56B0];
	v7 =	vmul.f32 v12, v7;
	[tilespmem:s24+$0x5CA0] =	vst v58  }
0x4c: {  	[tilespmem:s24+$0x5A80] =	vst v5  }
0x4d: {  	[tilespmem:s24+$0x5B90] =	vst v7;
	v60 =	vpop (erf)  }
0x4e: {  	v7 =	vld [tilespmem:s23+$0x56B0];
	v5 =	vmul.f32 $1.301737190e+00, v60;
	_ =	sdelay $0x1  }
0x4f: {  	v61 =	vmul.f32 v59, v5;
	v62 =	vpop (erf)  }
0x50: {  	v2 =	vmul.f32 v5, v2;
	v9 =	vmul.f32 $1.301737190e+00, v62  }
0x51: {  	v3 =	vmul.f32 v5, v3;
	[tilespmem:s22+$0x5CA0] =	vst v61  }
0x52: {  	[tilespmem:s22+$0x5A80] =	vst v2;
	v2 =	vmul.f32 v7, v9  }
0x53: {  	[tilespmem:s22+$0x5B90] =	vst v3;
	v3 =	vmul.f32 v9, v4  }
0x54: {  	v63 =	vmul.f32 v9, v6;
	[tilespmem:s23+$0x5CA0] =	vst v2  }
0x55: {  	[tilespmem:s23+$0x5A80] =	vst v3  }
0x56: {  	s22 =	simm.s32 $0x0;
	[tilespmem:s23+$0x5B90] =	vst v63;
	s23 =	simm.s32 $0x0  }
.LBB2_4:
0x57: {  	p1 =	sne.s32 s23, $0x43C0  }
.Ltmp3:
0x58: {  	_ = 	snop;
	(pc) =	sbr.rel @p1 .LBB2_4-.Ltmp3, $4  }
0x59: {  	_ = 	snop  }
0x5a: {  	s24 =	sshra.s32 s23, $0x2  }
0x5b: {  	[tilespmem:s24+$0x3180] =	vst v0  }
0x5c: {  	s23 =	sadd.s32 $0x40, s23;
	[tilespmem:s24+$0x4280] =	vst v0  }
0x5d: {  	s23 =	simm.s32 $0x18D0;
	s24 =	simm.s32 $0x10  }
.LBB2_6:
0x5e: {  	v2 =	vld [tilespmem:s24+$0xFFFFFFF0];
	_ =	sdelay $0x4  }
0x5f: {  	v3 =	vadd.s32 $0x110, v2;
	_ =	sdelay $0x1  }
0x60: {  	v4 =	vld [tilespmem:s23+$0xFFFFF3B0];
	v5 =	vadd.s32 $0x220, v2  }
0x61: {  	v7 =	vld [tilespmem:s23+$0xFFFFFFF0]  }
0x62: {  	v6 =	vld.idx.msk [tilespmem:v2+s16+$0x0], $0xffff  }
0x63: {  	s25 =	sand.u32 $0xFE0, s22;
	v3 =	vld.idx.msk [tilespmem:v3+s16+$0x0], $0xffff  }
0x64: {  	v8 =	vld [tilespmem:s25+$0x2500]  }
0x65: {  	v5 =	vld.idx.msk [tilespmem:v5+s16+$0x0], $0xffff;
	_ =	sdelay $0x2  }
0x66: {  	v4 =	vsub.f32 v4, v6;
	v3 =	vsub.f32 v7, v3;
	_ =	sdelay $0x1  }
0x67: {  	v5 =	vsub.f32 v8, v5;
	v4 =	vmul.f32 v4, v4;
	v3 =	vmul.f32 v3, v3;
	_ =	sdelay $0x1  }
0x68: {  	v51 =	vmul.f32 v5, v5;
	v3 =	vadd.f32 v3, v4;
	_ =	sdelay $0x1  }
0x69: {  	v3 =	vadd.f32 v51, v3;
	_ =	sdelay $0x1  }
0x6a: {  	v4 =	vadd.f32 $9.999999710e-10, v3;
	_ =	sdelay $0x1  }
0x6b: {  	v52 =	vmul.f32 $5.000000000e-01, v4;
	v53 =	vshra.s32 v4, $0x1  }
0x6c: {  	v6 =	vsub.s32 $0x5F3759DF, v53  }
0x6d: {  	v54 =	vmul.f32 v6, v52;
	_ =	sdelay $0x1  }
0x6e: {  	v7 =	vmul.f32 v6, v54;
	_ =	sdelay $0x1  }
0x6f: {  	v7 =	vsub.f32 $1.500000000e+00, v7;
	_ =	sdelay $0x1  }
0x70: {  	v6 =	vmul.f32 v6, v7;
	_ =	sdelay $0x1  }
0x71: {  	v5 =	vmul.f32 v6, v52;
	_ =	sdelay $0x1  }
0x72: {  	v5 =	vmul.f32 v5, v6;
	_ =	sdelay $0x1  }
0x73: {  	v5 =	vsub.f32 $1.500000000e+00, v5;
	_ =	sdelay $0x1  }
0x74: {  	v5 =	vmul.f32 v5, v6  }
0x75: {  	v2 =	vadd.s32 v1, v2  }
0x76: {  	v4 =	vmul.f32 v5, v4;
	_ =	sdelay $0x1  }
0x77: {  	v4 =	vsub.f32 $1.000000000e+00, v4;
	_ =	sdelay $0x1  }
0x78: {  	[tilespmem:v2+s17+$0x0] =	vst.idx.add.f32.msk $0xffff, v3;
	v3 =	vmax.f32 v4, $0.0e+00  }
0x79: {  	[tilespmem:v2+s18+$0x0] =	vst.idx.add.f32.msk $0xffff, v3  }
0x7a: {  	v2 =	vld [tilespmem:s24+$0x0];
	_ =	sdelay $0x4  }
0x7b: {  	v3 =	vadd.s32 $0x110, v2;
	_ =	sdelay $0x1  }
0x7c: {  	v55 =	vld [tilespmem:s23+$0xFFFFF3C0];
	v56 =	vadd.s32 $0x220, v2  }
0x7d: {  	v58 =	vld [tilespmem:s23+$0x0]  }
0x7e: {  	v57 =	vld.idx.msk [tilespmem:v2+s16+$0x0], $0xffff  }
0x7f: {  	v3 =	vld.idx.msk [tilespmem:v3+s16+$0x0], $0xffff  }
0x80: {  	v59 =	vld [tilespmem:s23+$0xC40]  }
0x81: {  	v5 =	vld.idx.msk [tilespmem:v56+s16+$0x0], $0xffff;
	_ =	sdelay $0x2  }
0x82: {  	v4 =	vsub.f32 v55, v57;
	v3 =	vsub.f32 v58, v3;
	_ =	sdelay $0x1  }
0x83: {  	v5 =	vsub.f32 v59, v5;
	v4 =	vmul.f32 v4, v4;
	v3 =	vmul.f32 v3, v3;
	_ =	sdelay $0x1  }
0x84: {  	v60 =	vmul.f32 v5, v5;
	v3 =	vadd.f32 v3, v4;
	_ =	sdelay $0x1  }
0x85: {  	v3 =	vadd.f32 v60, v3;
	_ =	sdelay $0x1  }
0x86: {  	v4 =	vadd.f32 $9.999999710e-10, v3;
	_ =	sdelay $0x1  }
0x87: {  	v61 =	vmul.f32 $5.000000000e-01, v4;
	v62 =	vshra.s32 v4, $0x1  }
0x88: {  	v6 =	vsub.s32 $0x5F3759DF, v62  }
0x89: {  	v63 =	vmul.f32 v6, v61;
	_ =	sdelay $0x1  }
0x8a: {  	v7 =	vmul.f32 v6, v63;
	_ =	sdelay $0x1  }
0x8b: {  	v7 =	vsub.f32 $1.500000000e+00, v7;
	_ =	sdelay $0x1  }
0x8c: {  	v6 =	vmul.f32 v6, v7;
	_ =	sdelay $0x1  }
0x8d: {  	v5 =	vmul.f32 v6, v61;
	_ =	sdelay $0x1  }
0x8e: {  	v5 =	vmul.f32 v5, v6;
	_ =	sdelay $0x1  }
0x8f: {  	v5 =	vsub.f32 $1.500000000e+00, v5;
	_ =	sdelay $0x1  }
0x90: {  	v5 =	vmul.f32 v5, v6  }
0x91: {  	v2 =	vadd.s32 v1, v2  }
0x92: {  	p1 =	sne.s32 s22, $0xC20;
	v4 =	vmul.f32 v5, v4  }
.Ltmp4:
0x93: {  	_ = 	snop;
	(pc) =	sbr.rel @p1 .LBB2_6-.Ltmp4, $3  }
0x94: {  	v4 =	vsub.f32 $1.000000000e+00, v4;
	_ =	sdelay $0x1  }
0x95: {  	[tilespmem:v2+s17+$0x0] =	vst.idx.add.f32.msk $0xffff, v3;
	v3 =	vmax.f32 v4, $0.0e+00  }
0x96: {  	s22 =	sadd.s32 $0x20, s22;
	s23 =	sadd.s32 $0x20, s23;
	s24 =	sadd.s32 $0x20, s24;
	[tilespmem:v2+s18+$0x0] =	vst.idx.add.f32.msk $0xffff, v3  }
0x97: {  	s22 =	simm.s32 $0x3B10  }
0x98: {  	v2 =	vld [tilespmem:s22+$0xFFFFF670]  }
0x99: {  	v3 =	vld [tilespmem:s22+$0xFFFFF780];
	_ =	sdelay $0x1  }
0x9a: {  	v4 =	vld [tilespmem:s22+$0xFFFFF890];
	_ =	sdelay $0x1  }
0x9b: {  	v5 =	vld [tilespmem:s22+$0xFFFFF9A0]  }
0x9c: {  	v2 =	vadd.f32 v3, v2  }
0x9d: {  	v3 =	vld [tilespmem:s22+$0xFFFFFAB0]  }
0x9e: {  	v2 =	vadd.f32 v4, v2  }
0x9f: {  	v46 =	vld [tilespmem:s22+$0xFFFFFBC0]  }
0xa0: {  	v2 =	vadd.f32 v5, v2  }
0xa1: {  	v47 =	vld [tilespmem:s22+$0xFFFFFCD0]  }
0xa2: {  	v2 =	vadd.f32 v3, v2  }
0xa3: {  	s23 =	simm.s32 $0x0;
	v3 =	vld [tilespmem:s22+$0xFFFFFDE0]  }
0xa4: {  	s25 =	sand.u32 $0x1F0, s23;
	v2 =	vadd.f32 v46, v2  }
0xa5: {  	v48 =	vld [tilespmem:s25+$0x3A00]  }
0xa6: {  	v2 =	vadd.f32 v47, v2  }
0xa7: {  	v49 =	vld [tilespmem:s22+$0x0]  }
0xa8: {  	v2 =	vadd.f32 v3, v2  }
0xa9: {  	v3 =	vld [tilespmem:s22+$0x110]  }
0xaa: {  	v2 =	vadd.f32 v48, v2  }
0xab: {  	v50 =	vld [tilespmem:s22+$0x220]  }
0xac: {  	v2 =	vadd.f32 v49, v2  }
0xad: {  	v51 =	vld [tilespmem:s22+$0x330]  }
0xae: {  	v2 =	vadd.f32 v3, v2  }
0xaf: {  	v3 =	vld [tilespmem:s22+$0x440]  }
0xb0: {  	v2 =	vadd.f32 v50, v2  }
0xb1: {  	v52 =	vld [tilespmem:s22+$0x550]  }
0xb2: {  	v2 =	vadd.f32 v51, v2  }
0xb3: {  	v53 =	vld [tilespmem:s22+$0x660]  }
0xb4: {  	v2 =	vadd.f32 v3, v2;
	_ =	sdelay $0x1  }
0xb5: {  	v2 =	vadd.f32 v52, v2;
	_ =	sdelay $0x1  }
0xb6: {  	v2 =	vadd.f32 v53, v2  }
0xb7: {  	s23 =	simm.s32 $0x5910  }
0xb8: {  	s24 =	simm.s32 $0x4C10;
	[tilespmem:s23+$0xFFFFFEF0] =	vst v2  }
0xb9: {  	v2 =	vld [tilespmem:s24+$0xFFFFF670]  }
0xba: {  	v3 =	vld [tilespmem:s24+$0xFFFFF780];
	_ =	sdelay $0x1  }
0xbb: {  	v54 =	vld [tilespmem:s24+$0xFFFFF890];
	_ =	sdelay $0x1  }
0xbc: {  	v55 =	vld [tilespmem:s24+$0xFFFFF9A0]  }
0xbd: {  	v2 =	vadd.f32 v3, v2  }
0xbe: {  	v3 =	vld [tilespmem:s24+$0xFFFFFAB0]  }
0xbf: {  	v2 =	vadd.f32 v54, v2  }
0xc0: {  	v56 =	vld [tilespmem:s24+$0xFFFFFBC0]  }
0xc1: {  	v2 =	vadd.f32 v55, v2  }
0xc2: {  	v57 =	vld [tilespmem:s24+$0xFFFFFCD0]  }
0xc3: {  	v2 =	vadd.f32 v3, v2  }
0xc4: {  	v3 =	vld [tilespmem:s24+$0xFFFFFDE0]  }
0xc5: {  	v2 =	vadd.f32 v56, v2  }
0xc6: {  	v58 =	vld [tilespmem:s25+$0x4B00]  }
0xc7: {  	v2 =	vadd.f32 v57, v2  }
0xc8: {  	v59 =	vld [tilespmem:s24+$0x0]  }
0xc9: {  	v2 =	vadd.f32 v3, v2  }
0xca: {  	v3 =	vld [tilespmem:s24+$0x110]  }
0xcb: {  	v2 =	vadd.f32 v58, v2  }
0xcc: {  	v60 =	vld [tilespmem:s24+$0x220]  }
0xcd: {  	v2 =	vadd.f32 v59, v2  }
0xce: {  	v61 =	vld [tilespmem:s24+$0x330]  }
0xcf: {  	v2 =	vadd.f32 v3, v2  }
0xd0: {  	v3 =	vld [tilespmem:s24+$0x440]  }
0xd1: {  	v2 =	vadd.f32 v60, v2  }
0xd2: {  	v62 =	vld [tilespmem:s24+$0x550]  }
0xd3: {  	v2 =	vadd.f32 v61, v2  }
0xd4: {  	v63 =	vld [tilespmem:s24+$0x660]  }
0xd5: {  	v2 =	vadd.f32 v3, v2;
	_ =	sdelay $0x1  }
0xd6: {  	v2 =	vadd.f32 v62, v2;
	_ =	sdelay $0x1  }
0xd7: {  	s26 =	simm.s32 $0x5910;
	s25 =	simm.s32 $0x10;
	v2 =	vadd.f32 v63, v2  }
.LBB2_8:
0xd8: {  	s22 =	sadd.s32 $0x10, s22  }
0xd9: {  	s23 =	sadd.s32 $0x10, s23;
	s24 =	sadd.s32 $0x10, s24;
	s28 =	smov.u32 s25  }
0xda: {  	p1 =	sne.s32 s25, $0x100;
	s25 =	sadd.s32 $0x10, s25;
	[tilespmem:s26+$0x0] =	vst v2;
	s26 =	smov.u32 s23  }
0xdb: {  	v2 =	vld [tilespmem:s22+$0xFFFFF670]  }
0xdc: {  	v3 =	vld [tilespmem:s22+$0xFFFFF780];
	_ =	sdelay $0x1  }
0xdd: {  	v4 =	vld [tilespmem:s22+$0xFFFFF890];
	_ =	sdelay $0x1  }
0xde: {  	v5 =	vld [tilespmem:s22+$0xFFFFF9A0]  }
0xdf: {  	v2 =	vadd.f32 v3, v2  }
0xe0: {  	v3 =	vld [tilespmem:s22+$0xFFFFFAB0]  }
0xe1: {  	v2 =	vadd.f32 v4, v2  }
0xe2: {  	v4 =	vld [tilespmem:s22+$0xFFFFFBC0]  }
0xe3: {  	v2 =	vadd.f32 v5, v2  }
0xe4: {  	v5 =	vld [tilespmem:s22+$0xFFFFFCD0]  }
0xe5: {  	v2 =	vadd.f32 v3, v2  }
0xe6: {  	v3 =	vld [tilespmem:s22+$0xFFFFFDE0]  }
0xe7: {  	s28 =	sand.u32 $0x1F0, s28;
	v2 =	vadd.f32 v4, v2  }
0xe8: {  	v4 =	vld [tilespmem:s28+$0x3A00]  }
0xe9: {  	v2 =	vadd.f32 v5, v2  }
0xea: {  	v5 =	vld [tilespmem:s22+$0x0]  }
0xeb: {  	v2 =	vadd.f32 v3, v2  }
0xec: {  	v3 =	vld [tilespmem:s22+$0x110]  }
0xed: {  	v2 =	vadd.f32 v4, v2  }
0xee: {  	v4 =	vld [tilespmem:s22+$0x220]  }
0xef: {  	v2 =	vadd.f32 v5, v2  }
0xf0: {  	v5 =	vld [tilespmem:s22+$0x330]  }
0xf1: {  	v2 =	vadd.f32 v3, v2  }
0xf2: {  	v3 =	vld [tilespmem:s22+$0x440]  }
0xf3: {  	v2 =	vadd.f32 v4, v2  }
0xf4: {  	v4 =	vld [tilespmem:s22+$0x550]  }
0xf5: {  	v2 =	vadd.f32 v5, v2  }
0xf6: {  	v5 =	vld [tilespmem:s22+$0x660]  }
0xf7: {  	v2 =	vadd.f32 v3, v2;
	_ =	sdelay $0x1  }
0xf8: {  	v2 =	vadd.f32 v4, v2;
	_ =	sdelay $0x1  }
0xf9: {  	v2 =	vadd.f32 v5, v2;
	_ =	sdelay $0x1  }
0xfa: {  	[tilespmem:s23+$0xFFFFFEF0] =	vst v2  }
0xfb: {  	v2 =	vld [tilespmem:s24+$0xFFFFF670]  }
0xfc: {  	v3 =	vld [tilespmem:s24+$0xFFFFF780]  }
0xfd: {  	v4 =	vld [tilespmem:s24+$0xFFFFF890];
	_ =	sdelay $0x1  }
0xfe: {  	v5 =	vld [tilespmem:s24+$0xFFFFF9A0];
	_ =	sdelay $0x1  }
0xff: {  	v2 =	vadd.f32 v3, v2;
	v3 =	vld [tilespmem:s24+$0xFFFFFAB0];
	_ =	sdelay $0x1  }
0x100: {  	v2 =	vadd.f32 v4, v2;
	v4 =	vld [tilespmem:s24+$0xFFFFFBC0];
	_ =	sdelay $0x1  }
0x101: {  	v2 =	vadd.f32 v5, v2;
	v5 =	vld [tilespmem:s24+$0xFFFFFCD0];
	_ =	sdelay $0x1  }
0x102: {  	v2 =	vadd.f32 v3, v2;
	v3 =	vld [tilespmem:s24+$0xFFFFFDE0];
	_ =	sdelay $0x1  }
0x103: {  	v2 =	vadd.f32 v4, v2;
	v4 =	vld [tilespmem:s28+$0x4B00];
	_ =	sdelay $0x1  }
0x104: {  	v2 =	vadd.f32 v5, v2;
	v5 =	vld [tilespmem:s24+$0x0];
	_ =	sdelay $0x1  }
0x105: {  	v2 =	vadd.f32 v3, v2;
	v3 =	vld [tilespmem:s24+$0x110];
	_ =	sdelay $0x1  }
0x106: {  	v2 =	vadd.f32 v4, v2;
	v4 =	vld [tilespmem:s24+$0x220];
	_ =	sdelay $0x1  }
0x107: {  	v2 =	vadd.f32 v5, v2;
	v5 =	vld [tilespmem:s24+$0x330];
	_ =	sdelay $0x1  }
0x108: {  	v2 =	vadd.f32 v3, v2;
	v3 =	vld [tilespmem:s24+$0x440];
	_ =	sdelay $0x1  }
0x109: {  	v2 =	vadd.f32 v4, v2;
	v4 =	vld [tilespmem:s24+$0x550];
	_ =	sdelay $0x1  }
0x10a: {  	v2 =	vadd.f32 v5, v2;
	v5 =	vld [tilespmem:s24+$0x660];
	_ =	sdelay $0x1  }
.Ltmp5:
0x10b: {  	v2 =	vadd.f32 v3, v2;
	(pc) =	sbr.rel @p1 .LBB2_8-.Ltmp5, $3  }
0x10c: {  	_ = 	snop  }
0x10d: {  	v2 =	vadd.f32 v4, v2;
	_ =	sdelay $0x1  }
0x10e: {  	v2 =	vadd.f32 v5, v2  }
0x10f: {  	_ = 	snop  }
0x110: {  	[tilespmem:s26+$0x0] =	vst v2  }
0x111: {  	[spmem:s8] =	stream.linear.scatter [tilespmem:s19], [sflag:$0x1], $0x220, $0x38;
	[tilespmem:$0x8220] =	vst v63  }
.Ltmp6:
0x112: {  	_ =	swait.ge [sflag:s11], $0x220;
	(pc) =	sbr.rel @p0 .LBB2_13-.Ltmp6, $3  }
0x113: {  	[sflag:s11] =	ssyncset.done $0x0  }
0x114: {  	[sflag:s11] =	ssyncadd.s32 $0xFFFFFDE0  }
0x115: {  	[bflag:$0x0] =	sbarrier.arrive $0xFFFF;
	_ =	sdelay $0x1  }
0x116: {  	[tilespmem:s20], [sflag:$0x1] =	stream.linear.gather [spmem:s1], $0x2200, $0x38;
	[tilespmem:$0x8220] =	vst v63  }
0x117: {  	_ =	swait.ge [sflag:s11], $0x2200  }
0x118: {  	[sflag:s11] =	ssyncset.done $0x0  }
0x119: {  	s22 =	simm.s32 $0x7230;
	[sflag:s11] =	ssyncadd.s32 $0xFFFFDE00  }
0x11a: {  	v2 =	vld [tilespmem:s22+$0xFFFFEDF0]  }
0x11b: {  	v3 =	vld [tilespmem:s22+$0xFFFFF010];
	_ =	sdelay $0x1  }
0x11c: {  	v4 =	vld [tilespmem:s22+$0xFFFFF230];
	_ =	sdelay $0x1  }
0x11d: {  	s23 =	simm.s32 $0x0;
	v5 =	vld [tilespmem:s22+$0xFFFFF450]  }
0x11e: {  	s23 =	sand.u32 $0x1F0, s23;
	v2 =	vadd.f32 v3, v2  }
0x11f: {  	v3 =	vld [tilespmem:s23+$0x68A0]  }
0x120: {  	v2 =	vadd.f32 v4, v2  }
0x121: {  	v46 =	vld [tilespmem:s22+$0xFFFFF890]  }
0x122: {  	v2 =	vadd.f32 v5, v2  }
0x123: {  	v47 =	vld [tilespmem:s22+$0xFFFFFAB0]  }
0x124: {  	v2 =	vadd.f32 v3, v2  }
0x125: {  	v3 =	vld [tilespmem:s22+$0xFFFFFCD0]  }
0x126: {  	v2 =	vadd.f32 v46, v2  }
0x127: {  	v48 =	vld [tilespmem:s23+$0x7120]  }
0x128: {  	v2 =	vadd.f32 v47, v2  }
0x129: {  	v49 =	vld [tilespmem:s22+$0x110]  }
0x12a: {  	v2 =	vadd.f32 v3, v2  }
0x12b: {  	v3 =	vld [tilespmem:s22+$0x330]  }
0x12c: {  	v2 =	vadd.f32 v48, v2  }
0x12d: {  	v50 =	vld [tilespmem:s22+$0x550]  }
0x12e: {  	v2 =	vadd.f32 v49, v2  }
0x12f: {  	v51 =	vld [tilespmem:s23+$0x79A0]  }
0x130: {  	v2 =	vadd.f32 v3, v2  }
0x131: {  	v3 =	vld [tilespmem:s22+$0x990]  }
0x132: {  	v2 =	vadd.f32 v50, v2  }
0x133: {  	v52 =	vld [tilespmem:s22+$0xBB0]  }
0x134: {  	v2 =	vadd.f32 v51, v2  }
0x135: {  	v53 =	vld [tilespmem:s22+$0xDD0]  }
0x136: {  	v2 =	vadd.f32 v3, v2;
	_ =	sdelay $0x1  }
0x137: {  	v2 =	vadd.f32 v52, v2;
	_ =	sdelay $0x1  }
0x138: {  	v2 =	vadd.f32 v53, v2  }
0x139: {  	s23 =	simm.s32 $0x5800  }
0x13a: {  	[tilespmem:s23+$0x0] =	vst v2  }
0x13b: {  	v2 =	vld [tilespmem:s22+$0xFFFFEF00]  }
0x13c: {  	v3 =	vld [tilespmem:s22+$0xFFFFF120];
	_ =	sdelay $0x1  }
0x13d: {  	v54 =	vld [tilespmem:s22+$0xFFFFF340];
	_ =	sdelay $0x1  }
0x13e: {  	v55 =	vld [tilespmem:s22+$0xFFFFF560]  }
0x13f: {  	v2 =	vadd.f32 v3, v2  }
0x140: {  	v3 =	vld [tilespmem:s22+$0xFFFFF780]  }
0x141: {  	v2 =	vadd.f32 v54, v2  }
0x142: {  	v56 =	vld [tilespmem:s22+$0xFFFFF9A0]  }
0x143: {  	v2 =	vadd.f32 v55, v2  }
0x144: {  	v57 =	vld [tilespmem:s22+$0xFFFFFBC0]  }
0x145: {  	v2 =	vadd.f32 v3, v2  }
0x146: {  	v3 =	vld [tilespmem:s22+$0xFFFFFDE0]  }
0x147: {  	v2 =	vadd.f32 v56, v2  }
0x148: {  	v58 =	vld [tilespmem:s22+$0x0]  }
0x149: {  	v2 =	vadd.f32 v57, v2  }
0x14a: {  	v59 =	vld [tilespmem:s22+$0x220]  }
0x14b: {  	v2 =	vadd.f32 v3, v2  }
0x14c: {  	v3 =	vld [tilespmem:s22+$0x440]  }
0x14d: {  	v2 =	vadd.f32 v58, v2  }
0x14e: {  	v60 =	vld [tilespmem:s22+$0x660]  }
0x14f: {  	v2 =	vadd.f32 v59, v2  }
0x150: {  	v61 =	vld [tilespmem:s22+$0x880]  }
0x151: {  	v2 =	vadd.f32 v3, v2  }
0x152: {  	v3 =	vld [tilespmem:s22+$0xAA0]  }
0x153: {  	v2 =	vadd.f32 v60, v2  }
0x154: {  	v62 =	vld [tilespmem:s22+$0xCC0]  }
0x155: {  	v2 =	vadd.f32 v61, v2  }
0x156: {  	v63 =	vld [tilespmem:s22+$0xEE0]  }
0x157: {  	v2 =	vadd.f32 v3, v2;
	_ =	sdelay $0x1  }
0x158: {  	v2 =	vadd.f32 v62, v2;
	_ =	sdelay $0x1  }
0x159: {  	s24 =	simm.s32 $0x10;
	s25 =	simm.s32 $0x5800;
	v2 =	vadd.f32 v63, v2  }
.LBB2_11:
0x15a: {  	p1 =	sne.s32 s24, $0x100;
	s23 =	sadd.s32 $0x10, s23;
	s22 =	sadd.s32 $0x10, s22  }
0x15b: {  	s26 =	smov.u32 s24;
	s24 =	sadd.s32 $0x10, s24;
	[tilespmem:s25+$0x110] =	vst v2;
	s25 =	smov.u32 s23  }
0x15c: {  	v2 =	vld [tilespmem:s22+$0xFFFFEDF0]  }
0x15d: {  	v3 =	vld [tilespmem:s22+$0xFFFFF010];
	_ =	sdelay $0x1  }
0x15e: {  	v4 =	vld [tilespmem:s22+$0xFFFFF230];
	_ =	sdelay $0x1  }
0x15f: {  	v5 =	vld [tilespmem:s22+$0xFFFFF450]  }
0x160: {  	s26 =	sand.u32 $0x1F0, s26;
	v2 =	vadd.f32 v3, v2  }
0x161: {  	v3 =	vld [tilespmem:s26+$0x68A0]  }
0x162: {  	v2 =	vadd.f32 v4, v2  }
0x163: {  	v4 =	vld [tilespmem:s22+$0xFFFFF890]  }
0x164: {  	v2 =	vadd.f32 v5, v2  }
0x165: {  	v5 =	vld [tilespmem:s22+$0xFFFFFAB0]  }
0x166: {  	v2 =	vadd.f32 v3, v2  }
0x167: {  	v3 =	vld [tilespmem:s22+$0xFFFFFCD0]  }
0x168: {  	v2 =	vadd.f32 v4, v2  }
0x169: {  	v4 =	vld [tilespmem:s26+$0x7120]  }
0x16a: {  	v2 =	vadd.f32 v5, v2  }
0x16b: {  	v5 =	vld [tilespmem:s22+$0x110]  }
0x16c: {  	v2 =	vadd.f32 v3, v2  }
0x16d: {  	v3 =	vld [tilespmem:s22+$0x330]  }
0x16e: {  	v2 =	vadd.f32 v4, v2  }
0x16f: {  	v4 =	vld [tilespmem:s22+$0x550]  }
0x170: {  	v2 =	vadd.f32 v5, v2  }
0x171: {  	v5 =	vld [tilespmem:s26+$0x79A0]  }
0x172: {  	v2 =	vadd.f32 v3, v2  }
0x173: {  	v3 =	vld [tilespmem:s22+$0x990]  }
0x174: {  	v2 =	vadd.f32 v4, v2  }
0x175: {  	v4 =	vld [tilespmem:s22+$0xBB0]  }
0x176: {  	v2 =	vadd.f32 v5, v2  }
0x177: {  	v5 =	vld [tilespmem:s22+$0xDD0]  }
0x178: {  	v2 =	vadd.f32 v3, v2;
	_ =	sdelay $0x1  }
0x179: {  	v2 =	vadd.f32 v4, v2;
	_ =	sdelay $0x1  }
0x17a: {  	v2 =	vadd.f32 v5, v2;
	_ =	sdelay $0x1  }
0x17b: {  	[tilespmem:s23+$0x0] =	vst v2  }
0x17c: {  	v2 =	vld [tilespmem:s22+$0xFFFFEF00]  }
0x17d: {  	v3 =	vld [tilespmem:s22+$0xFFFFF120]  }
0x17e: {  	v4 =	vld [tilespmem:s22+$0xFFFFF340];
	_ =	sdelay $0x1  }
0x17f: {  	v5 =	vld [tilespmem:s22+$0xFFFFF560];
	_ =	sdelay $0x1  }
0x180: {  	v2 =	vadd.f32 v3, v2;
	v3 =	vld [tilespmem:s22+$0xFFFFF780];
	_ =	sdelay $0x1  }
0x181: {  	v2 =	vadd.f32 v4, v2;
	v4 =	vld [tilespmem:s22+$0xFFFFF9A0];
	_ =	sdelay $0x1  }
0x182: {  	v2 =	vadd.f32 v5, v2;
	v5 =	vld [tilespmem:s22+$0xFFFFFBC0];
	_ =	sdelay $0x1  }
0x183: {  	v2 =	vadd.f32 v3, v2;
	v3 =	vld [tilespmem:s22+$0xFFFFFDE0];
	_ =	sdelay $0x1  }
0x184: {  	v2 =	vadd.f32 v4, v2;
	v4 =	vld [tilespmem:s22+$0x0];
	_ =	sdelay $0x1  }
0x185: {  	v2 =	vadd.f32 v5, v2;
	v5 =	vld [tilespmem:s22+$0x220];
	_ =	sdelay $0x1  }
0x186: {  	v2 =	vadd.f32 v3, v2;
	v3 =	vld [tilespmem:s22+$0x440];
	_ =	sdelay $0x1  }
0x187: {  	v2 =	vadd.f32 v4, v2;
	v4 =	vld [tilespmem:s22+$0x660];
	_ =	sdelay $0x1  }
0x188: {  	v2 =	vadd.f32 v5, v2;
	v5 =	vld [tilespmem:s22+$0x880];
	_ =	sdelay $0x1  }
0x189: {  	v2 =	vadd.f32 v3, v2;
	v3 =	vld [tilespmem:s22+$0xAA0];
	_ =	sdelay $0x1  }
0x18a: {  	v2 =	vadd.f32 v4, v2;
	v4 =	vld [tilespmem:s22+$0xCC0];
	_ =	sdelay $0x1  }
0x18b: {  	v2 =	vadd.f32 v5, v2;
	v5 =	vld [tilespmem:s22+$0xEE0];
	_ =	sdelay $0x1  }
.Ltmp7:
0x18c: {  	v2 =	vadd.f32 v3, v2;
	(pc) =	sbr.rel @p1 .LBB2_11-.Ltmp7, $3  }
0x18d: {  	_ = 	snop  }
0x18e: {  	v2 =	vadd.f32 v4, v2;
	_ =	sdelay $0x1  }
0x18f: {  	v2 =	vadd.f32 v5, v2  }
.Ltmp8:
0x190: {  	_ = 	snop;
	(pc) =	sbr.rel .LBB2_12-.Ltmp8, $1  }
0x191: {  	_ =	sdelay $0x3  }
.LBB2_14:
0x192: {  	_ =	sfence.sel $0x180000  }
0x193: {  	[bflag:$0x0] =	sbarrier.arrive $0xFFFF  }
0x194: {  	_ =	strace $0x9000004A  }
0x195: {  	s0 =	sadd.s32 @!p0 $0x100000, s0;
	[bflag:$0x2] =	sbarrier.arrive $0xFFFF  }
0x196: {  	[sflag:s0] =	ssyncadd.tile.s32 @!p0 $0x1;
	_ =	shalt  }
.Lfunc_end2:
_tile_overlayer_lowered:
.L_overlay_start_2:
0x197: {  	(tag) =	ssettag $0x2  }
0x198: {  	s0 =	rddreg [dreg:$0x0];
	s2 =	stileid.u32  }
0x199: {  	s1 =	rddreg [dreg:$0x1];
	p0 =	sne.s32 s2, $0x0  }
0x19a: {  	s3 =	rddreg [dreg:$0x2];
	[bflag:$0x3] =	sbarrier.arrive $0xFFFF;
	s2 =	simm.s32 @!p0 $0x1C01  }
0x19b: {  	[timem:s3], [sflag:s2] =	dma.local @!p0 [hbm:s0], s1  }
0x19c: {  	s0 =	simm.s32 @!p0 $0x1  }
0x19d: {  	_ =	swait.ge @!p0 [sflag:s0], s1  }
0x19e: {  	s1 =	ssub.s32 @!p0 $0x0, s1;
	[sflag:s0] =	ssyncset.done @!p0 $0x0  }
0x19f: {  	[sflag:s0] =	ssyncadd.s32 @!p0 s1  }
0x1a0: {  	[bflag:$0x3] =	sbarrier.arrive $0xFFFF  }
0x1a1: {  	_ =	shalt  }

</sc_bundles>
